<compile_context>
chip_gen: v7x
topology: tpu7x:2x2x1
jax: 0.10.2.dev20260603
libtpu: 0.0.44.dev20260713+nightly
codegen_flags: <defaults>
</compile_context>

<pallas_src>
import functools

import jax
import jax.numpy as jnp
from jax import lax
from jax.experimental import pallas as pl
from jax.experimental.pallas import tpu as pltpu
from jax.experimental.pallas import tpu_sc as plsc

N = 10000
E = 320000
F = 128
HID = 64
DE = 16
NC = 2
NS = 16
NW = NC * NS
CH = 32
NCHT0 = 416
NCHT1 = 224
EPWC = NCHT0 * CH
EPC0 = NS * NCHT0 * CH
EPC1 = NS * NCHT1 * CH
EPW = NW * EPWC
NP = 10240
RPT = NP // NS
ZR = 128

_DN = (((1,), (1,)), ((), ()))
_HP = lax.Precision.DEFAULT


def _inorm(t):
    m = jnp.mean(t, axis=1, keepdims=True)
    v = jnp.var(t, axis=1, keepdims=True)
    return (t - m) / jnp.sqrt(v + 1e-05)




def _make_aggr_body(with_deg):
    def body(h_hbm, w_hbm, src_hbm, dst_hbm, *rest):
        if with_deg:
            (out_hbm, outd_hbm, idx_s, idx_d, idx_db, h0, h1, w0, w1, m0,
             ones_v, zdeg, deg_sh, aggr_sh, semL0, semL1, semS) = rest
        else:
            (out_hbm, idx_s, idx_d, idx_db, h0, h1, w0, w1, m0,
             aggr_sh, semL0, semL1, semS) = rest
        hr, wr = (h0, h1), (w0, w1)
        semL = (semL0, semL1)

        c = lax.axis_index("c")
        s = lax.axis_index("s")
        r0 = s * RPT
        base_ch = (c * NS + s) * NCHT0
        my_ncht = NCHT0 - c * (NCHT0 - NCHT1)

        pltpu.sync_copy(src_hbm.at[pl.ds(base_ch * CH, EPWC)], idx_s)
        pltpu.sync_copy(dst_hbm.at[pl.ds(base_ch * CH, EPWC)], idx_d)

        z16 = jnp.zeros((16,), jnp.float32)

        def _zrow(r, cr):
            for cc in range(F // 16):
                m0[r, pl.ds(cc * 16, 16)] = z16
            return cr

        lax.fori_loop(0, CH, _zrow, 0)

        def _zcopy(j, cr):
            pltpu.sync_copy(m0, aggr_sh.at[pl.ds(r0 + j * CH, CH), :])
            return cr

        lax.fori_loop(0, RPT // CH, _zcopy, 0)

        if with_deg:
            o16 = jnp.ones((16,), jnp.float32)

            def _ofill(r, cr):
                ones_v[pl.ds(r * 16, 16)] = o16
                return cr

            lax.fori_loop(0, CH // 16, _ofill, 0)

            def _zfill(r, cr):
                zdeg[pl.ds(r * 16, 16)] = z16
                return cr

            lax.fori_loop(0, RPT // 16, _zfill, 0)
            pltpu.sync_copy(zdeg, deg_sh.at[pl.ds(r0, RPT)])

        plsc.subcore_barrier()

        def issue_loads(ch, b):
            pltpu.async_copy(h_hbm.at[idx_s.at[pl.ds(ch * CH, CH)]], hr[b],
                             semL[b])
            pltpu.async_copy(w_hbm.at[pl.ds((base_ch + ch) * CH, CH), :],
                             wr[b], semL[b])

        def wait_loads(ch, b):
            pltpu.make_async_copy(h_hbm.at[idx_s.at[pl.ds(ch * CH, CH)]],
                                  hr[b], semL[b]).wait()
            pltpu.make_async_copy(
                w_hbm.at[pl.ds((base_ch + ch) * CH, CH), :], wr[b],
                semL[b]).wait()

        def wait_scatter(b):
            pltpu.make_async_copy(m0, aggr_sh.at[idx_db.at[b]], semS).wait()

        issue_loads(0, 0)
        issue_loads(1, 1)

        def _step(j, carry):
            for b in range(2):
                ch = 2 * j + b

                @pl.when(ch < my_ncht)
                def _do(b=b, ch=ch, j=j):
                    wait_loads(ch, b)
                    if b == 0:
                        @pl.when(j > 0)
                        def _ws():
                            wait_scatter(1)
                    else:
                        wait_scatter(0)

                    for g in range(CH // 16):
                        idx_db[b, pl.ds(g * 16, 16)] = (
                            idx_d[pl.ds(ch * CH + g * 16, 16)])

                    def _mul(r, cr, b=b):
                        for g in range(F // 16):
                            m0[r, pl.ds(g * 16, 16)] = (
                                wr[b][r, pl.ds(g * 16, 16)] *
                                hr[b][r, pl.ds(g * 16, 16)])
                        return cr

                    lax.fori_loop(0, CH, _mul, 0)
                    pltpu.async_copy(m0, aggr_sh.at[idx_db.at[b]], semS,
                                     add=True)
                    if with_deg:
                        pltpu.sync_copy(ones_v, deg_sh.at[idx_db.at[b]],
                                        add=True)

                    @pl.when(ch + 2 < my_ncht)
                    def _issue_next(b=b, ch=ch):
                        issue_loads(ch + 2, b)
            return carry

        lax.fori_loop(0, NCHT0 // 2, _step, 0)
        wait_scatter(1)
        plsc.subcore_barrier()

        pltpu.sync_copy(aggr_sh.at[pl.ds(r0, RPT), :],
                        out_hbm.at[pl.ds(c * NP + r0, RPT), :])
        if with_deg:
            pltpu.sync_copy(deg_sh.at[pl.ds(r0, RPT)],
                            outd_hbm.at[pl.ds(c * NP + r0, RPT)])

    return body


@functools.cache
def _build_aggr(with_deg):
    out_type = [jax.ShapeDtypeStruct((NC * NP, F), jnp.float32)]
    scratch = [
        pltpu.VMEM((EPWC,), jnp.int32),
        pltpu.VMEM((EPWC,), jnp.int32),
        pltpu.VMEM((2, CH), jnp.int32),
        pltpu.VMEM((CH, F), jnp.float32),
        pltpu.VMEM((CH, F), jnp.float32),
        pltpu.VMEM((CH, F), jnp.float32),
        pltpu.VMEM((CH, F), jnp.float32),
        pltpu.VMEM((CH, F), jnp.float32),
    ]
    if with_deg:
        out_type.append(jax.ShapeDtypeStruct((NC * NP,), jnp.float32))
        scratch += [
            pltpu.VMEM((CH,), jnp.float32),
            pltpu.VMEM((RPT,), jnp.float32),
            pltpu.VMEM_SHARED((NP,), jnp.float32),
        ]
    scratch += [
        pltpu.VMEM_SHARED((NP, F), jnp.float32),
        pltpu.SemaphoreType.DMA,
        pltpu.SemaphoreType.DMA,
        pltpu.SemaphoreType.DMA,
    ]
    return pl.kernel(
        _make_aggr_body(with_deg),
        out_type=tuple(out_type) if with_deg else out_type[0],
        mesh=plsc.VectorSubcoreMesh(core_axis_name="c", subcore_axis_name="s",
                                    num_cores=NC, num_subcores=NS),
        scratch_types=scratch,
    )



BE = 6656


def _w_body(ea_ref, W1_ref, b1_ref, W2_ref, o_ref):
    t = lax.dot_general(ea_ref[...], W1_ref[...], _DN, precision=_HP,
                        preferred_element_type=jnp.float32)
    t = jnp.maximum(t + b1_ref[...], 0.0)
    o_ref[...] = lax.dot_general(t, W2_ref[...], _DN, precision=_HP,
                                 preferred_element_type=jnp.float32)


@functools.cache
def _build_w():
    return pl.pallas_call(
        _w_body,
        grid=(EPW // BE,),
        in_specs=[
            pl.BlockSpec((BE, DE), lambda i: (i, 0)),
            pl.BlockSpec((HID, DE), lambda i: (0, 0)),
            pl.BlockSpec((1, HID), lambda i: (0, 0)),
            pl.BlockSpec((F, HID), lambda i: (0, 0)),
        ],
        out_specs=pl.BlockSpec((BE, F), lambda i: (i, 0)),
        out_shape=jax.ShapeDtypeStruct((EPW, F), jnp.float32),
    )



BG = 1000


def _gru_body(h_ref, ap_ref, degp_ref, Wih_ref, Whh_ref, bih_ref, bhh_ref,
              Wig_ref, big_ref, o_ref):
    h = h_ref[...]
    aggr = ap_ref[0] + ap_ref[1]
    deg = degp_ref[0, :, 0:1] + degp_ref[1, :, 0:1]
    aggr = aggr / jnp.maximum(deg, 1.0)

    ig = jax.nn.sigmoid(
        lax.dot_general(h, Wig_ref[...], _DN, precision=_HP,
                        preferred_element_type=jnp.float32) + big_ref[...])
    inp = ig * aggr
    gi = _inorm(lax.dot_general(inp, Wih_ref[...], _DN, precision=_HP,
                                preferred_element_type=jnp.float32))
    gh = _inorm(lax.dot_general(h, Whh_ref[...], _DN, precision=_HP,
                                preferred_element_type=jnp.float32))
    bih = bih_ref[...]
    bhh = bhh_ref[...]
    i_r, i_i, i_n = gi[:, :F], gi[:, F:2 * F], gi[:, 2 * F:]
    h_r, h_i, h_n = gh[:, :F], gh[:, F:2 * F], gh[:, 2 * F:]
    b_r, b_i, b_n = bih[:, :F], bih[:, F:2 * F], bih[:, 2 * F:]
    c_r, c_i, c_n = bhh[:, :F], bhh[:, F:2 * F], bhh[:, 2 * F:]
    resetgate = jax.nn.sigmoid(i_r + b_r + h_r + c_r)
    inputgate = jax.nn.sigmoid(i_i + b_i + h_i + c_i)
    newgate = jnp.tanh(i_n + b_n + resetgate * (h_n + c_n))
    out = newgate + inputgate * (h - newgate)
    o_ref[...] = out


@functools.cache
def _build_gru():
    return pl.pallas_call(
        _gru_body,
        grid=(N // BG,),
        in_specs=[
            pl.BlockSpec((BG, F), lambda i: (i, 0)),
            pl.BlockSpec((NC, BG, F), lambda i: (0, i, 0)),
            pl.BlockSpec((NC, BG, 1), lambda i: (0, i, 0)),
            pl.BlockSpec((3 * F, F), lambda i: (0, 0)),
            pl.BlockSpec((3 * F, F), lambda i: (0, 0)),
            pl.BlockSpec((1, 3 * F), lambda i: (0, 0)),
            pl.BlockSpec((1, 3 * F), lambda i: (0, 0)),
            pl.BlockSpec((F, F), lambda i: (0, 0)),
            pl.BlockSpec((1, F), lambda i: (0, 0)),
        ],
        out_specs=pl.BlockSpec((BG, F), lambda i: (i, 0)),
        out_shape=jax.ShapeDtypeStruct((N, F), jnp.float32),
    )




def _spread(a, fill):
    tail_shape = a.shape[1:]
    pad1 = EPC0 + EPC1 - E
    a = jnp.concatenate([a, jnp.full((pad1,) + tail_shape, fill, a.dtype)])
    c0, c1 = a[:EPC0], a[EPC0:]
    c1 = c1.reshape(NS, NCHT1 * CH, *tail_shape)
    tail = jnp.full((NS, (NCHT0 - NCHT1) * CH) + tail_shape, fill, a.dtype)
    c1 = jnp.concatenate([c1, tail], axis=1).reshape(NS * EPWC, *tail_shape)
    return jnp.concatenate([c0, c1])


def kernel(x, edge_index, edge_attr, W1, b1, W2, Wih, Whh, bih, bhh, Wig, big):
    dst = edge_index[0]
    src = edge_index[1]
    dstp = _spread(dst, NP - 1)
    srcp = _spread(src, 0)
    eap = _spread(edge_attr, 0)
    w = _build_w()(eap, W1, b1.reshape(1, HID), W2)
    bih2 = bih.reshape(1, 3 * F)
    bhh2 = bhh.reshape(1, 3 * F)
    big2 = big.reshape(1, F)
    ap, degv = _build_aggr(True)(x, w, srcp, dstp)
    degp = degv.reshape(NC, NP, 1)
    h = _build_gru()(x, ap.reshape(NC, NP, F), degp, Wih, Whh, bih2, bhh2,
                     Wig, big2)
    ap2 = _build_aggr(False)(h, w, srcp, dstp)
    h = _build_gru()(h, ap2.reshape(NC, NP, F), degp, Wih, Whh, bih2, bhh2,
                     Wig, big2)
    return h

# --- scband reference (transcript-rebuilt; emitter-appended) ---
"""Pipeline reference for scband-graph-network-37160057045415 (READ-ONLY COPY).

The authoritative reference and input builder live on the scoring server;
editing this copy changes nothing except your own understanding.
"""

import jax, jax.numpy as jnp
import numpy as np

N_NODES = 10000
N_EDGES = 320000
D_EDGE = 16
HID = 64
NFEAT = 128
NREPEATS = 2


def _inorm(t):
    m = jnp.mean(t, axis=1, keepdims=True)
    v = jnp.var(t, axis=1, keepdims=True)
    return (t - m) / jnp.sqrt(v + 1e-05)


def setup_inputs(seed: int = 0):
    key = jax.random.key(seed)
    ks = jax.random.split(key, 12)
    x = jax.random.normal(ks[0], (N_NODES, NFEAT), dtype=jnp.float32)
    edge_index = jax.random.randint(ks[1], (2, N_EDGES), 0, N_NODES, dtype=jnp.int32)
    edge_attr = jax.random.uniform(ks[2], (N_EDGES, D_EDGE), dtype=jnp.float32)
    W1 = jax.random.normal(ks[3], (HID, D_EDGE), dtype=jnp.float32) / np.sqrt(D_EDGE)
    b1 = jax.random.normal(ks[4], (HID,), dtype=jnp.float32) * 0.01
    W2 = jax.random.normal(ks[5], (NFEAT, HID), dtype=jnp.float32) / np.sqrt(HID)
    Wih = jax.random.normal(ks[6], (3 * NFEAT, NFEAT), dtype=jnp.float32) / np.sqrt(NFEAT)
    Whh = jax.random.normal(ks[7], (3 * NFEAT, NFEAT), dtype=jnp.float32) / np.sqrt(NFEAT)
    bih = jax.random.normal(ks[8], (3 * NFEAT,), dtype=jnp.float32) * 0.01
    bhh = jax.random.normal(ks[9], (3 * NFEAT,), dtype=jnp.float32) * 0.01
    Wig = jax.random.normal(ks[10], (NFEAT, NFEAT), dtype=jnp.float32) / np.sqrt(NFEAT)
    big = jax.random.normal(ks[11], (NFEAT,), dtype=jnp.float32) * 0.01
    return {"x": x, "edge_index": edge_index, "edge_attr": edge_attr, "W1": W1, "b1": b1, "W2": W2, "Wih": Wih, "Whh": Whh, "bih": bih, "bhh": bhh, "Wig": Wig, "big": big}


def reference(x, edge_index, edge_attr, W1, b1, W2, Wih, Whh, bih, bhh, Wig, big):
    n = x.shape[0]
    dst = edge_index[0]
    src = edge_index[1]
    ones = jnp.ones((edge_index.shape[1],), dtype=jnp.float32)
    deg = jax.ops.segment_sum(ones, dst, num_segments=n)
    denom = jnp.maximum(deg, 1.0)[:, None]
    h = x
    for _ in range(NREPEATS):
        # fnet: edge-conditioned weights (vv=True -> per-channel scaling)
        w = jnp.maximum(edge_attr @ W1.T + b1, 0.0) @ W2.T
        # NNConv message + mean aggregation (flow=target_to_source)
        msg = h[src] * w
        aggr = jax.ops.segment_sum(msg, dst, num_segments=n) / denom
        # GRUCellEx with ingate + instance-norm layernorm
        inp = jax.nn.sigmoid(h @ Wig.T + big) * aggr
        gi = _inorm(inp @ Wih.T)
        gh = _inorm(h @ Whh.T)
        i_r, i_i, i_n = jnp.split(gi, 3, axis=1)
        h_r, h_i, h_n = jnp.split(gh, 3, axis=1)
        b_r, b_i, b_n = jnp.split(bih, 3)
        c_r, c_i, c_n = jnp.split(bhh, 3)
        resetgate = jax.nn.sigmoid(i_r + b_r + h_r + c_r)
        inputgate = jax.nn.sigmoid(i_i + b_i + h_i + c_i)
        newgate = jnp.tanh(i_n + b_n + resetgate * (h_n + c_n))
        h = newgate + inputgate * (h - newgate)
    return h

if __name__ == "__main__":
    import jax
    _d = setup_inputs()
    print(jax.jit(kernel)(*tuple(_d.values())))

</pallas_src>

<mosaic_0001>
#map = affine_map<(d0, d1) -> (0, 0)>
#map1 = affine_map<(d0, d1) -> (0)>
module attributes {stable_mosaic.version = 14 : i64} {
  func.func @body(%arg0: i32, %arg1: i32, %arg2: memref<10000x128xf32, #tpu.memory_space<hbm>>, %arg3: memref<425984x128xf32, #tpu.memory_space<hbm>>, %arg4: memref<425984xi32, #tpu.memory_space<hbm>>, %arg5: memref<425984xi32, #tpu.memory_space<hbm>>, %arg6: memref<20480x128xf32, #tpu.memory_space<hbm>>, %arg7: memref<13312xi32, #tpu.memory_space<vmem>>, %arg8: memref<13312xi32, #tpu.memory_space<vmem>>, %arg9: memref<2x32xi32, #tpu.memory_space<vmem>>, %arg10: memref<32x128xf32, #tpu.memory_space<vmem>>, %arg11: memref<32x128xf32, #tpu.memory_space<vmem>>, %arg12: memref<32x128xf32, #tpu.memory_space<vmem>>, %arg13: memref<32x128xf32, #tpu.memory_space<vmem>>, %arg14: memref<32x128xf32, #tpu.memory_space<vmem>>, %arg15: memref<10240x128xf32, #tpu.memory_space<vmem_shared>>, %arg16: memref<!tpu.dma_semaphore, #tpu.memory_space<semaphore_mem>>, %arg17: memref<!tpu.dma_semaphore, #tpu.memory_space<semaphore_mem>>, %arg18: memref<!tpu.dma_semaphore, #tpu.memory_space<semaphore_mem>>) attributes {dimension_semantics = [#tpu.dimension_semantics<core_parallel>, #tpu.dimension_semantics<subcore_parallel>], iteration_bounds = array<i64: 2, 16>, scalar_prefetch = 0 : i64, scratch_operands = 12 : i64, tpu.core_type = #tpu.core_type<sc_vector_subcore>, window_params = [{transform_indices = #map}, {transform_indices = #map}, {transform_indices = #map1}, {transform_indices = #map1}, {transform_indices = #map}]} {
    %mul3A = arith.constant 640 : i32
    %mul3A_0 = arith.muli %arg1, %mul3A : i32
    %mul3A_1 = arith.constant 16 : i32
    %mul3A_2 = arith.muli %arg0, %mul3A_1 : i32
    %add3A = arith.addi %mul3A_2, %arg1 : i32
    %mul3A_3 = arith.constant 416 : i32
    %mul3A_4 = arith.muli %add3A, %mul3A_3 : i32
    %mul3A_5 = arith.constant 192 : i32
    %mul3A_6 = arith.muli %arg0, %mul3A_5 : i32
    %sub3A = arith.constant 416 : i32
    %sub3A_7 = arith.subi %sub3A, %mul3A_6 : i32
    %mul3A_8 = arith.constant 32 : i32
    %mul3A_9 = arith.muli %mul3A_4, %mul3A_8 : i32
    "tpu.region"() ({
      %run_scoped3A = tpu.sem_alloc : memref<!tpu.dma_semaphore, #tpu.memory_space<semaphore_mem>>
      %dma_start3A_65 = tpu.memref_slice %arg4[%mul3A_9] : memref<425984xi32, #tpu.memory_space<hbm>> -> memref<13312xi32, #tpu.memory_space<hbm>>
      %dma_start3A_66 = tpu.memref_slice %arg4[%mul3A_9] : memref<425984xi32, #tpu.memory_space<hbm>> -> memref<13312xi32, #tpu.memory_space<hbm>>
      tpu.enqueue_dma source(%dma_start3A_66 : memref<13312xi32, #tpu.memory_space<hbm>>) target(%arg7 : memref<13312xi32, #tpu.memory_space<vmem>>) target_semaphore(%run_scoped3A : memref<!tpu.dma_semaphore, #tpu.memory_space<semaphore_mem>>)
      %dma_wait3A_67 = tpu.memref_slice %arg4[%mul3A_9] : memref<425984xi32, #tpu.memory_space<hbm>> -> memref<13312xi32, #tpu.memory_space<hbm>>
      %dma_wait3A_68 = tpu.memref_slice %arg4[%mul3A_9] : memref<425984xi32, #tpu.memory_space<hbm>> -> memref<13312xi32, #tpu.memory_space<hbm>>
      tpu.wait_dma2 semaphore(%run_scoped3A : memref<!tpu.dma_semaphore, #tpu.memory_space<semaphore_mem>>) src(%dma_wait3A_68 : memref<13312xi32, #tpu.memory_space<hbm>>) dst(%arg7 : memref<13312xi32, #tpu.memory_space<vmem>>)
      tpu.yield
    }) : () -> ()
    %mul3A_10 = arith.constant 32 : i32
    %mul3A_11 = arith.muli %mul3A_4, %mul3A_10 : i32
    "tpu.region"() ({
      %run_scoped3A = tpu.sem_alloc : memref<!tpu.dma_semaphore, #tpu.memory_space<semaphore_mem>>
      %dma_start3A_65 = tpu.memref_slice %arg5[%mul3A_11] : memref<425984xi32, #tpu.memory_space<hbm>> -> memref<13312xi32, #tpu.memory_space<hbm>>
      %dma_start3A_66 = tpu.memref_slice %arg5[%mul3A_11] : memref<425984xi32, #tpu.memory_space<hbm>> -> memref<13312xi32, #tpu.memory_space<hbm>>
      tpu.enqueue_dma source(%dma_start3A_66 : memref<13312xi32, #tpu.memory_space<hbm>>) target(%arg8 : memref<13312xi32, #tpu.memory_space<vmem>>) target_semaphore(%run_scoped3A : memref<!tpu.dma_semaphore, #tpu.memory_space<semaphore_mem>>)
      %dma_wait3A_67 = tpu.memref_slice %arg5[%mul3A_11] : memref<425984xi32, #tpu.memory_space<hbm>> -> memref<13312xi32, #tpu.memory_space<hbm>>
      %dma_wait3A_68 = tpu.memref_slice %arg5[%mul3A_11] : memref<425984xi32, #tpu.memory_space<hbm>> -> memref<13312xi32, #tpu.memory_space<hbm>>
      tpu.wait_dma2 semaphore(%run_scoped3A : memref<!tpu.dma_semaphore, #tpu.memory_space<semaphore_mem>>) src(%dma_wait3A_68 : memref<13312xi32, #tpu.memory_space<hbm>>) dst(%arg8 : memref<13312xi32, #tpu.memory_space<vmem>>)
      tpu.yield
    }) : () -> ()
    %broadcast_in_dim3A = arith.constant 0.000000e+00 : f32
    %broadcast_in_dim3A_12 = vector.broadcast %broadcast_in_dim3A : f32 to vector<16xf32>
    %scan3A = arith.constant 0 : i32
    %scan3A_13 = arith.constant 0 : i32
    %scan3A_14 = arith.constant 32 : i32
    %scan3A_15 = arith.addi %scan3A_13, %scan3A_14 : i32
    %scan3A_16 = arith.constant 1 : i32
    scf.for %scan3A_65 = %scan3A_13 to %scan3A_15 step %scan3A_16  : i32 {
      %swap3A = arith.index_cast %scan3A_65 : i32 to index
      %swap3A_66 = arith.constant 0 : index
      %swap3A_67 = tpu.vector_load %arg14[%swap3A, %swap3A_66] {strides = array<i32>} : memref<32x128xf32, #tpu.memory_space<vmem>>, vector<1x16xf32>,
      %swap3A_68 = vector.shape_cast %swap3A_67 : vector<1x16xf32> to vector<16xf32>
      %swap3A_69 = vector.shape_cast %broadcast_in_dim3A_12 : vector<16xf32> to vector<1x16xf32>
      tpu.vector_store %arg14[%swap3A, %swap3A_66], %swap3A_69 {strides = array<i32>} : memref<32x128xf32, #tpu.memory_space<vmem>>, vector<1x16xf32>,
      %swap3A_70 = arith.index_cast %scan3A_65 : i32 to index
      %swap3A_71 = arith.constant 16 : index
      %swap3A_72 = tpu.vector_load %arg14[%swap3A_70, %swap3A_71] {strides = array<i32>} : memref<32x128xf32, #tpu.memory_space<vmem>>, vector<1x16xf32>,
      %swap3A_73 = vector.shape_cast %swap3A_72 : vector<1x16xf32> to vector<16xf32>
      %swap3A_74 = vector.shape_cast %broadcast_in_dim3A_12 : vector<16xf32> to vector<1x16xf32>
      tpu.vector_store %arg14[%swap3A_70, %swap3A_71], %swap3A_74 {strides = array<i32>} : memref<32x128xf32, #tpu.memory_space<vmem>>, vector<1x16xf32>,
      %swap3A_75 = arith.index_cast %scan3A_65 : i32 to index
      %swap3A_76 = arith.constant 32 : index
      %swap3A_77 = tpu.vector_load %arg14[%swap3A_75, %swap3A_76] {strides = array<i32>} : memref<32x128xf32, #tpu.memory_space<vmem>>, vector<1x16xf32>,
      %swap3A_78 = vector.shape_cast %swap3A_77 : vector<1x16xf32> to vector<16xf32>
      %swap3A_79 = vector.shape_cast %broadcast_in_dim3A_12 : vector<16xf32> to vector<1x16xf32>
      tpu.vector_store %arg14[%swap3A_75, %swap3A_76], %swap3A_79 {strides = array<i32>} : memref<32x128xf32, #tpu.memory_space<vmem>>, vector<1x16xf32>,
      %swap3A_80 = arith.index_cast %scan3A_65 : i32 to index
      %swap3A_81 = arith.constant 48 : index
      %swap3A_82 = tpu.vector_load %arg14[%swap3A_80, %swap3A_81] {strides = array<i32>} : memref<32x128xf32, #tpu.memory_space<vmem>>, vector<1x16xf32>,
      %swap3A_83 = vector.shape_cast %swap3A_82 : vector<1x16xf32> to vector<16xf32>
      %swap3A_84 = vector.shape_cast %broadcast_in_dim3A_12 : vector<16xf32> to vector<1x16xf32>
      tpu.vector_store %arg14[%swap3A_80, %swap3A_81], %swap3A_84 {strides = array<i32>} : memref<32x128xf32, #tpu.memory_space<vmem>>, vector<1x16xf32>,
      %swap3A_85 = arith.index_cast %scan3A_65 : i32 to index
      %swap3A_86 = arith.constant 64 : index
      %swap3A_87 = tpu.vector_load %arg14[%swap3A_85, %swap3A_86] {strides = array<i32>} : memref<32x128xf32, #tpu.memory_space<vmem>>, vector<1x16xf32>,
      %swap3A_88 = vector.shape_cast %swap3A_87 : vector<1x16xf32> to vector<16xf32>
      %swap3A_89 = vector.shape_cast %broadcast_in_dim3A_12 : vector<16xf32> to vector<1x16xf32>
      tpu.vector_store %arg14[%swap3A_85, %swap3A_86], %swap3A_89 {strides = array<i32>} : memref<32x128xf32, #tpu.memory_space<vmem>>, vector<1x16xf32>,
      %swap3A_90 = arith.index_cast %scan3A_65 : i32 to index
      %swap3A_91 = arith.constant 80 : index
      %swap3A_92 = tpu.vector_load %arg14[%swap3A_90, %swap3A_91] {strides = array<i32>} : memref<32x128xf32, #tpu.memory_space<vmem>>, vector<1x16xf32>,
      %swap3A_93 = vector.shape_cast %swap3A_92 : vector<1x16xf32> to vector<16xf32>
      %swap3A_94 = vector.shape_cast %broadcast_in_dim3A_12 : vector<16xf32> to vector<1x16xf32>
      tpu.vector_store %arg14[%swap3A_90, %swap3A_91], %swap3A_94 {strides = array<i32>} : memref<32x128xf32, #tpu.memory_space<vmem>>, vector<1x16xf32>,
      %swap3A_95 = arith.index_cast %scan3A_65 : i32 to index
      %swap3A_96 = arith.constant 96 : index
      %swap3A_97 = tpu.vector_load %arg14[%swap3A_95, %swap3A_96] {strides = array<i32>} : memref<32x128xf32, #tpu.memory_space<vmem>>, vector<1x16xf32>,
      %swap3A_98 = vector.shape_cast %swap3A_97 : vector<1x16xf32> to vector<16xf32>
      %swap3A_99 = vector.shape_cast %broadcast_in_dim3A_12 : vector<16xf32> to vector<1x16xf32>
      tpu.vector_store %arg14[%swap3A_95, %swap3A_96], %swap3A_99 {strides = array<i32>} : memref<32x128xf32, #tpu.memory_space<vmem>>, vector<1x16xf32>,
      %swap3A_100 = arith.index_cast %scan3A_65 : i32 to index
      %swap3A_101 = arith.constant 112 : index
      %swap3A_102 = tpu.vector_load %arg14[%swap3A_100, %swap3A_101] {strides = array<i32>} : memref<32x128xf32, #tpu.memory_space<vmem>>, vector<1x16xf32>,
      %swap3A_103 = vector.shape_cast %swap3A_102 : vector<1x16xf32> to vector<16xf32>
      %swap3A_104 = vector.shape_cast %broadcast_in_dim3A_12 : vector<16xf32> to vector<1x16xf32>
      tpu.vector_store %arg14[%swap3A_100, %swap3A_101], %swap3A_104 {strides = array<i32>} : memref<32x128xf32, #tpu.memory_space<vmem>>, vector<1x16xf32>,
    }
    %scan3A_17 = arith.constant 32 : i32
    %scan3A_18 = arith.constant 0 : i32
    %scan3A_19 = arith.constant 0 : i32
    %scan3A_20 = arith.constant 20 : i32
    %scan3A_21 = arith.addi %scan3A_19, %scan3A_20 : i32
    %scan3A_22 = arith.constant 1 : i32
    scf.for %scan3A_65 = %scan3A_19 to %scan3A_21 step %scan3A_22  : i32 {
      %mul3A_66 = arith.constant 32 : i32
      %mul3A_67 = arith.muli %scan3A_65, %mul3A_66 : i32
      %add3A_68 = arith.addi %mul3A_0, %mul3A_67 : i32
      "tpu.region"() ({
        %run_scoped3A = tpu.sem_alloc : memref<!tpu.dma_semaphore, #tpu.memory_space<semaphore_mem>>
        %dma_start3A_69 = arith.constant 0 : i32
        %dma_start3A_70 = tpu.memref_slice %arg15[%add3A_68, %dma_start3A_69] : memref<10240x128xf32, #tpu.memory_space<vmem_shared>> -> memref<32x128xf32, #tpu.memory_space<vmem_shared>>
        %dma_start3A_71 = arith.constant 0 : i32
        %dma_start3A_72 = tpu.memref_slice %arg15[%add3A_68, %dma_start3A_71] : memref<10240x128xf32, #tpu.memory_space<vmem_shared>> -> memref<32x128xf32, #tpu.memory_space<vmem_shared>>
        tpu.enqueue_dma source(%arg14 : memref<32x128xf32, #tpu.memory_space<vmem>>) target(%dma_start3A_72 : memref<32x128xf32, #tpu.memory_space<vmem_shared>>) target_semaphore(%run_scoped3A : memref<!tpu.dma_semaphore, #tpu.memory_space<semaphore_mem>>)
        %dma_wait3A_73 = arith.constant 0 : i32
        %dma_wait3A_74 = tpu.memref_slice %arg15[%add3A_68, %dma_wait3A_73] : memref<10240x128xf32, #tpu.memory_space<vmem_shared>> -> memref<32x128xf32, #tpu.memory_space<vmem_shared>>
        %dma_wait3A_75 = arith.constant 0 : i32
        %dma_wait3A_76 = tpu.memref_slice %arg15[%add3A_68, %dma_wait3A_75] : memref<10240x128xf32, #tpu.memory_space<vmem_shared>> -> memref<32x128xf32, #tpu.memory_space<vmem_shared>>
        tpu.wait_dma2 semaphore(%run_scoped3A : memref<!tpu.dma_semaphore, #tpu.memory_space<semaphore_mem>>) src(%arg14 : memref<32x128xf32, #tpu.memory_space<vmem>>) dst(%dma_wait3A_76 : memref<32x128xf32, #tpu.memory_space<vmem_shared>>)
        tpu.yield
      }) : () -> ()
    }
    %scan3A_23 = arith.constant 20 : i32
    %barrier3A = arith.constant 0 : index
    tpu.barrier barrier_id(%barrier3A)
    %dma_start3A = arith.constant 0 : i32
    %dma_start3A_24 = tpu.memref_slice %arg7[%dma_start3A] : memref<13312xi32, #tpu.memory_space<vmem>> -> memref<32xi32, #tpu.memory_space<vmem>>
    %dma_start3A_25 = arith.constant 0 : i32
    %dma_start3A_26 = arith.constant 0 : i32
    %dma_start3A_27 = tpu.memref_slice %arg2[%dma_start3A_25, %dma_start3A_26] : memref<10000x128xf32, #tpu.memory_space<hbm>> -> memref<10000x128xf32, #tpu.memory_space<hbm>>
    tpu.enqueue_indirect_dma source(%dma_start3A_27 : memref<10000x128xf32, #tpu.memory_space<hbm>>) target(%arg10 : memref<32x128xf32, #tpu.memory_space<vmem>>) offsets(%dma_start3A_24 : memref<32xi32, #tpu.memory_space<vmem>>) semaphore(%arg16 : memref<!tpu.dma_semaphore, #tpu.memory_space<semaphore_mem>>)
    %add3A_28 = arith.constant 0 : i32
    %add3A_29 = arith.addi %mul3A_4, %add3A_28 : i32
    %mul3A_30 = arith.constant 32 : i32
    %mul3A_31 = arith.muli %add3A_29, %mul3A_30 : i32
    %dma_start3A_32 = arith.constant 0 : i32
    %dma_start3A_33 = tpu.memref_slice %arg3[%mul3A_31, %dma_start3A_32] : memref<425984x128xf32, #tpu.memory_space<hbm>> -> memref<32x128xf32, #tpu.memory_space<hbm>>
    %dma_start3A_34 = arith.constant 0 : i32
    %dma_start3A_35 = tpu.memref_slice %arg3[%mul3A_31, %dma_start3A_34] : memref<425984x128xf32, #tpu.memory_space<hbm>> -> memref<32x128xf32, #tpu.memory_space<hbm>>
    tpu.enqueue_dma source(%dma_start3A_35 : memref<32x128xf32, #tpu.memory_space<hbm>>) target(%arg12 : memref<32x128xf32, #tpu.memory_space<vmem>>) target_semaphore(%arg16 : memref<!tpu.dma_semaphore, #tpu.memory_space<semaphore_mem>>)
    %dma_start3A_36 = arith.constant 32 : i32
    %dma_start3A_37 = tpu.memref_slice %arg7[%dma_start3A_36] : memref<13312xi32, #tpu.memory_space<vmem>> -> memref<32xi32, #tpu.memory_space<vmem>>
    %dma_start3A_38 = arith.constant 0 : i32
    %dma_start3A_39 = arith.constant 0 : i32
    %dma_start3A_40 = tpu.memref_slice %arg2[%dma_start3A_38, %dma_start3A_39] : memref<10000x128xf32, #tpu.memory_space<hbm>> -> memref<10000x128xf32, #tpu.memory_space<hbm>>
    tpu.enqueue_indirect_dma source(%dma_start3A_40 : memref<10000x128xf32, #tpu.memory_space<hbm>>) target(%arg11 : memref<32x128xf32, #tpu.memory_space<vmem>>) offsets(%dma_start3A_37 : memref<32xi32, #tpu.memory_space<vmem>>) semaphore(%arg17 : memref<!tpu.dma_semaphore, #tpu.memory_space<semaphore_mem>>)
    %add3A_41 = arith.constant 1 : i32
    %add3A_42 = arith.addi %mul3A_4, %add3A_41 : i32
    %mul3A_43 = arith.constant 32 : i32
    %mul3A_44 = arith.muli %add3A_42, %mul3A_43 : i32
    %dma_start3A_45 = arith.constant 0 : i32
    %dma_start3A_46 = tpu.memref_slice %arg3[%mul3A_44, %dma_start3A_45] : memref<425984x128xf32, #tpu.memory_space<hbm>> -> memref<32x128xf32, #tpu.memory_space<hbm>>
    %dma_start3A_47 = arith.constant 0 : i32
    %dma_start3A_48 = tpu.memref_slice %arg3[%mul3A_44, %dma_start3A_47] : memref<425984x128xf32, #tpu.memory_space<hbm>> -> memref<32x128xf32, #tpu.memory_space<hbm>>
    tpu.enqueue_dma source(%dma_start3A_48 : memref<32x128xf32, #tpu.memory_space<hbm>>) target(%arg13 : memref<32x128xf32, #tpu.memory_space<vmem>>) target_semaphore(%arg17 : memref<!tpu.dma_semaphore, #tpu.memory_space<semaphore_mem>>)
    %scan3A_49 = arith.constant 0 : i32
    %scan3A_50 = arith.constant 0 : i32
    %scan3A_51 = arith.constant 208 : i32
    %scan3A_52 = arith.addi %scan3A_50, %scan3A_51 : i32
    %scan3A_53 = arith.constant 1 : i32
    scf.for %scan3A_65 = %scan3A_50 to %scan3A_52 step %scan3A_53  : i32 {
      %mul3A_66 = arith.constant 2 : i32
      %mul3A_67 = arith.muli %mul3A_66, %scan3A_65 : i32
      %add3A_68 = arith.constant 0 : i32
      %add3A_69 = arith.addi %mul3A_67, %add3A_68 : i32
      %lt3A = arith.cmpi slt, %add3A_69, %sub3A_7 : i32
      %convert_element_type3A = arith.extui %lt3A : i1 to i32
      %cond3A = arith.constant 0 : i32
      %cond3A_70 = arith.cmpi ne, %convert_element_type3A, %cond3A : i32
      scf.if %cond3A_70 {
        %mul3A_79 = arith.constant 32 : i32
        %mul3A_80 = arith.muli %add3A_69, %mul3A_79 : i32
        %dma_wait3A_81 = tpu.memref_slice %arg7[%mul3A_80] : memref<13312xi32, #tpu.memory_space<vmem>> -> memref<32xi32, #tpu.memory_space<vmem>>
        %dma_wait3A_82 = arith.constant 0 : i32
        %dma_wait3A_83 = arith.constant 0 : i32
        %dma_wait3A_84 = tpu.memref_slice %arg2[%dma_wait3A_82, %dma_wait3A_83] : memref<10000x128xf32, #tpu.memory_space<hbm>> -> memref<10000x128xf32, #tpu.memory_space<hbm>>
        tpu.wait_indirect_dma semaphore(%arg16 : memref<!tpu.dma_semaphore, #tpu.memory_space<semaphore_mem>>) src(%dma_wait3A_84 : memref<10000x128xf32, #tpu.memory_space<hbm>>) dst(%arg10 : memref<32x128xf32, #tpu.memory_space<vmem>>)
        %add3A_85 = arith.addi %mul3A_4, %add3A_69 : i32
        %mul3A_86 = arith.constant 32 : i32
        %mul3A_87 = arith.muli %add3A_85, %mul3A_86 : i32
        %dma_wait3A_88 = arith.constant 0 : i32
        %dma_wait3A_89 = tpu.memref_slice %arg3[%mul3A_87, %dma_wait3A_88] : memref<425984x128xf32, #tpu.memory_space<hbm>> -> memref<32x128xf32, #tpu.memory_space<hbm>>
        %dma_wait3A_90 = arith.constant 0 : i32
        %dma_wait3A_91 = tpu.memref_slice %arg3[%mul3A_87, %dma_wait3A_90] : memref<425984x128xf32, #tpu.memory_space<hbm>> -> memref<32x128xf32, #tpu.memory_space<hbm>>
        tpu.wait_dma2 semaphore(%arg16 : memref<!tpu.dma_semaphore, #tpu.memory_space<semaphore_mem>>) src(%dma_wait3A_91 : memref<32x128xf32, #tpu.memory_space<hbm>>) dst(%arg12 : memref<32x128xf32, #tpu.memory_space<vmem>>)
        %gt3A = arith.constant 0 : i32
        %gt3A_92 = arith.cmpi sgt, %scan3A_65, %gt3A : i32
        %convert_element_type3A_93 = arith.extui %gt3A_92 : i1 to i32
        %cond3A_94 = arith.constant 0 : i32
        %cond3A_95 = arith.cmpi ne, %convert_element_type3A_93, %cond3A_94 : i32
        scf.if %cond3A_95 {
          %dma_wait3A_139 = arith.constant 1 : i32
          %dma_wait3A_140 = arith.constant 0 : i32
          %dma_wait3A_141 = tpu.memref_slice %arg9[%dma_wait3A_139, %dma_wait3A_140] : memref<2x32xi32, #tpu.memory_space<vmem>> -> memref<1x32xi32, #tpu.memory_space<vmem>>
          %dma_wait3A_142 = tpu.memref_squeeze %dma_wait3A_141 : memref<1x32xi32, #tpu.memory_space<vmem>> -> memref<32xi32, #tpu.memory_space<vmem>>
          %dma_wait3A_143 = arith.constant 0 : i32
          %dma_wait3A_144 = arith.constant 0 : i32
          %dma_wait3A_145 = tpu.memref_slice %arg15[%dma_wait3A_143, %dma_wait3A_144] : memref<10240x128xf32, #tpu.memory_space<vmem_shared>> -> memref<10240x128xf32, #tpu.memory_space<vmem_shared>>
          tpu.wait_indirect_dma semaphore(%arg18 : memref<!tpu.dma_semaphore, #tpu.memory_space<semaphore_mem>>) src(%arg14 : memref<32x128xf32, #tpu.memory_space<vmem>>) dst(%dma_wait3A_145 : memref<10240x128xf32, #tpu.memory_space<vmem_shared>>)
        } else {
        }
        %mul3A_96 = arith.constant 32 : i32
        %mul3A_97 = arith.muli %add3A_69, %mul3A_96 : i32
        %add3A_98 = arith.constant 0 : i32
        %add3A_99 = arith.addi %mul3A_97, %add3A_98 : i32
        %get3A = arith.index_cast %add3A_99 : i32 to index
        %get3A_100 = tpu.vector_load %arg8[%get3A] {strides = array<i32>} : memref<13312xi32, #tpu.memory_space<vmem>>, vector<16xi32>,
        %get3A_101 = vector.shape_cast %get3A_100 : vector<16xi32> to vector<16xi32>
        %swap3A = arith.constant 0 : i32
        %swap3A_102 = arith.index_cast %swap3A : i32 to index
        %swap3A_103 = arith.constant 0 : index
        %swap3A_104 = tpu.vector_load %arg9[%swap3A_102, %swap3A_103] {strides = array<i32>} : memref<2x32xi32, #tpu.memory_space<vmem>>, vector<1x16xi32>,
        %swap3A_105 = vector.shape_cast %swap3A_104 : vector<1x16xi32> to vector<16xi32>
        %swap3A_106 = vector.shape_cast %get3A_101 : vector<16xi32> to vector<1x16xi32>
        tpu.vector_store %arg9[%swap3A_102, %swap3A_103], %swap3A_106 {strides = array<i32>} : memref<2x32xi32, #tpu.memory_space<vmem>>, vector<1x16xi32>,
        %mul3A_107 = arith.constant 32 : i32
        %mul3A_108 = arith.muli %add3A_69, %mul3A_107 : i32
        %add3A_109 = arith.constant 16 : i32
        %add3A_110 = arith.addi %mul3A_108, %add3A_109 : i32
        %get3A_111 = arith.index_cast %add3A_110 : i32 to index
        %get3A_112 = tpu.vector_load %arg8[%get3A_111] {strides = array<i32>} : memref<13312xi32, #tpu.memory_space<vmem>>, vector<16xi32>,
        %get3A_113 = vector.shape_cast %get3A_112 : vector<16xi32> to vector<16xi32>
        %swap3A_114 = arith.constant 0 : i32
        %swap3A_115 = arith.index_cast %swap3A_114 : i32 to index
        %swap3A_116 = arith.constant 16 : index
        %swap3A_117 = tpu.vector_load %arg9[%swap3A_115, %swap3A_116] {strides = array<i32>} : memref<2x32xi32, #tpu.memory_space<vmem>>, vector<1x16xi32>,
        %swap3A_118 = vector.shape_cast %swap3A_117 : vector<1x16xi32> to vector<16xi32>
        %swap3A_119 = vector.shape_cast %get3A_113 : vector<16xi32> to vector<1x16xi32>
        tpu.vector_store %arg9[%swap3A_115, %swap3A_116], %swap3A_119 {strides = array<i32>} : memref<2x32xi32, #tpu.memory_space<vmem>>, vector<1x16xi32>,
        %scan3A_120 = arith.constant 0 : i32
        %scan3A_121 = arith.constant 0 : i32
        %scan3A_122 = arith.constant 32 : i32
        %scan3A_123 = arith.addi %scan3A_121, %scan3A_122 : i32
        %scan3A_124 = arith.constant 1 : i32
        scf.for %scan3A_139 = %scan3A_121 to %scan3A_123 step %scan3A_124  : i32 {
          %get3A_140 = arith.index_cast %scan3A_139 : i32 to index
          %get3A_141 = arith.constant 0 : index
          %get3A_142 = tpu.vector_load %arg12[%get3A_140, %get3A_141] {strides = array<i32>} : memref<32x128xf32, #tpu.memory_space<vmem>>, vector<1x16xf32>,
          %get3A_143 = vector.shape_cast %get3A_142 : vector<1x16xf32> to vector<16xf32>
          %get3A_144 = arith.index_cast %scan3A_139 : i32 to index
          %get3A_145 = arith.constant 0 : index
          %get3A_146 = tpu.vector_load %arg10[%get3A_144, %get3A_145] {strides = array<i32>} : memref<32x128xf32, #tpu.memory_space<vmem>>, vector<1x16xf32>,
          %get3A_147 = vector.shape_cast %get3A_146 : vector<1x16xf32> to vector<16xf32>
          %mul3A_148 = arith.mulf %get3A_143, %get3A_147 : vector<16xf32>
          %swap3A_149 = arith.index_cast %scan3A_139 : i32 to index
          %swap3A_150 = arith.constant 0 : index
          %swap3A_151 = tpu.vector_load %arg14[%swap3A_149, %swap3A_150] {strides = array<i32>} : memref<32x128xf32, #tpu.memory_space<vmem>>, vector<1x16xf32>,
          %swap3A_152 = vector.shape_cast %swap3A_151 : vector<1x16xf32> to vector<16xf32>
          %swap3A_153 = vector.shape_cast %mul3A_148 : vector<16xf32> to vector<1x16xf32>
          tpu.vector_store %arg14[%swap3A_149, %swap3A_150], %swap3A_153 {strides = array<i32>} : memref<32x128xf32, #tpu.memory_space<vmem>>, vector<1x16xf32>,
          %get3A_154 = arith.index_cast %scan3A_139 : i32 to index
          %get3A_155 = arith.constant 16 : index
          %get3A_156 = tpu.vector_load %arg12[%get3A_154, %get3A_155] {strides = array<i32>} : memref<32x128xf32, #tpu.memory_space<vmem>>, vector<1x16xf32>,
          %get3A_157 = vector.shape_cast %get3A_156 : vector<1x16xf32> to vector<16xf32>
          %get3A_158 = arith.index_cast %scan3A_139 : i32 to index
          %get3A_159 = arith.constant 16 : index
          %get3A_160 = tpu.vector_load %arg10[%get3A_158, %get3A_159] {strides = array<i32>} : memref<32x128xf32, #tpu.memory_space<vmem>>, vector<1x16xf32>,
          %get3A_161 = vector.shape_cast %get3A_160 : vector<1x16xf32> to vector<16xf32>
          %mul3A_162 = arith.mulf %get3A_157, %get3A_161 : vector<16xf32>
          %swap3A_163 = arith.index_cast %scan3A_139 : i32 to index
          %swap3A_164 = arith.constant 16 : index
          %swap3A_165 = tpu.vector_load %arg14[%swap3A_163, %swap3A_164] {strides = array<i32>} : memref<32x128xf32, #tpu.memory_space<vmem>>, vector<1x16xf32>,
          %swap3A_166 = vector.shape_cast %swap3A_165 : vector<1x16xf32> to vector<16xf32>
          %swap3A_167 = vector.shape_cast %mul3A_162 : vector<16xf32> to vector<1x16xf32>
          tpu.vector_store %arg14[%swap3A_163, %swap3A_164], %swap3A_167 {strides = array<i32>} : memref<32x128xf32, #tpu.memory_space<vmem>>, vector<1x16xf32>,
          %get3A_168 = arith.index_cast %scan3A_139 : i32 to index
          %get3A_169 = arith.constant 32 : index
          %get3A_170 = tpu.vector_load %arg12[%get3A_168, %get3A_169] {strides = array<i32>} : memref<32x128xf32, #tpu.memory_space<vmem>>, vector<1x16xf32>,
          %get3A_171 = vector.shape_cast %get3A_170 : vector<1x16xf32> to vector<16xf32>
          %get3A_172 = arith.index_cast %scan3A_139 : i32 to index
          %get3A_173 = arith.constant 32 : index
          %get3A_174 = tpu.vector_load %arg10[%get3A_172, %get3A_173] {strides = array<i32>} : memref<32x128xf32, #tpu.memory_space<vmem>>, vector<1x16xf32>,
          %get3A_175 = vector.shape_cast %get3A_174 : vector<1x16xf32> to vector<16xf32>
          %mul3A_176 = arith.mulf %get3A_171, %get3A_175 : vector<16xf32>
          %swap3A_177 = arith.index_cast %scan3A_139 : i32 to index
          %swap3A_178 = arith.constant 32 : index
          %swap3A_179 = tpu.vector_load %arg14[%swap3A_177, %swap3A_178] {strides = array<i32>} : memref<32x128xf32, #tpu.memory_space<vmem>>, vector<1x16xf32>,
          %swap3A_180 = vector.shape_cast %swap3A_179 : vector<1x16xf32> to vector<16xf32>
          %swap3A_181 = vector.shape_cast %mul3A_176 : vector<16xf32> to vector<1x16xf32>
          tpu.vector_store %arg14[%swap3A_177, %swap3A_178], %swap3A_181 {strides = array<i32>} : memref<32x128xf32, #tpu.memory_space<vmem>>, vector<1x16xf32>,
          %get3A_182 = arith.index_cast %scan3A_139 : i32 to index
          %get3A_183 = arith.constant 48 : index
          %get3A_184 = tpu.vector_load %arg12[%get3A_182, %get3A_183] {strides = array<i32>} : memref<32x128xf32, #tpu.memory_space<vmem>>, vector<1x16xf32>,
          %get3A_185 = vector.shape_cast %get3A_184 : vector<1x16xf32> to vector<16xf32>
          %get3A_186 = arith.index_cast %scan3A_139 : i32 to index
          %get3A_187 = arith.constant 48 : index
          %get3A_188 = tpu.vector_load %arg10[%get3A_186, %get3A_187] {strides = array<i32>} : memref<32x128xf32, #tpu.memory_space<vmem>>, vector<1x16xf32>,
          %get3A_189 = vector.shape_cast %get3A_188 : vector<1x16xf32> to vector<16xf32>
          %mul3A_190 = arith.mulf %get3A_185, %get3A_189 : vector<16xf32>
          %swap3A_191 = arith.index_cast %scan3A_139 : i32 to index
          %swap3A_192 = arith.constant 48 : index
          %swap3A_193 = tpu.vector_load %arg14[%swap3A_191, %swap3A_192] {strides = array<i32>} : memref<32x128xf32, #tpu.memory_space<vmem>>, vector<1x16xf32>,
          %swap3A_194 = vector.shape_cast %swap3A_193 : vector<1x16xf32> to vector<16xf32>
          %swap3A_195 = vector.shape_cast %mul3A_190 : vector<16xf32> to vector<1x16xf32>
          tpu.vector_store %arg14[%swap3A_191, %swap3A_192], %swap3A_195 {strides = array<i32>} : memref<32x128xf32, #tpu.memory_space<vmem>>, vector<1x16xf32>,
          %get3A_196 = arith.index_cast %scan3A_139 : i32 to index
          %get3A_197 = arith.constant 64 : index
          %get3A_198 = tpu.vector_load %arg12[%get3A_196, %get3A_197] {strides = array<i32>} : memref<32x128xf32, #tpu.memory_space<vmem>>, vector<1x16xf32>,
          %get3A_199 = vector.shape_cast %get3A_198 : vector<1x16xf32> to vector<16xf32>
          %get3A_200 = arith.index_cast %scan3A_139 : i32 to index
          %get3A_201 = arith.constant 64 : index
          %get3A_202 = tpu.vector_load %arg10[%get3A_200, %get3A_201] {strides = array<i32>} : memref<32x128xf32, #tpu.memory_space<vmem>>, vector<1x16xf32>,
          %get3A_203 = vector.shape_cast %get3A_202 : vector<1x16xf32> to vector<16xf32>
          %mul3A_204 = arith.mulf %get3A_199, %get3A_203 : vector<16xf32>
          %swap3A_205 = arith.index_cast %scan3A_139 : i32 to index
          %swap3A_206 = arith.constant 64 : index
          %swap3A_207 = tpu.vector_load %arg14[%swap3A_205, %swap3A_206] {strides = array<i32>} : memref<32x128xf32, #tpu.memory_space<vmem>>, vector<1x16xf32>,
          %swap3A_208 = vector.shape_cast %swap3A_207 : vector<1x16xf32> to vector<16xf32>
          %swap3A_209 = vector.shape_cast %mul3A_204 : vector<16xf32> to vector<1x16xf32>
          tpu.vector_store %arg14[%swap3A_205, %swap3A_206], %swap3A_209 {strides = array<i32>} : memref<32x128xf32, #tpu.memory_space<vmem>>, vector<1x16xf32>,
          %get3A_210 = arith.index_cast %scan3A_139 : i32 to index
          %get3A_211 = arith.constant 80 : index
          %get3A_212 = tpu.vector_load %arg12[%get3A_210, %get3A_211] {strides = array<i32>} : memref<32x128xf32, #tpu.memory_space<vmem>>, vector<1x16xf32>,
          %get3A_213 = vector.shape_cast %get3A_212 : vector<1x16xf32> to vector<16xf32>
          %get3A_214 = arith.index_cast %scan3A_139 : i32 to index
          %get3A_215 = arith.constant 80 : index
          %get3A_216 = tpu.vector_load %arg10[%get3A_214, %get3A_215] {strides = array<i32>} : memref<32x128xf32, #tpu.memory_space<vmem>>, vector<1x16xf32>,
          %get3A_217 = vector.shape_cast %get3A_216 : vector<1x16xf32> to vector<16xf32>
          %mul3A_218 = arith.mulf %get3A_213, %get3A_217 : vector<16xf32>
          %swap3A_219 = arith.index_cast %scan3A_139 : i32 to index
          %swap3A_220 = arith.constant 80 : index
          %swap3A_221 = tpu.vector_load %arg14[%swap3A_219, %swap3A_220] {strides = array<i32>} : memref<32x128xf32, #tpu.memory_space<vmem>>, vector<1x16xf32>,
          %swap3A_222 = vector.shape_cast %swap3A_221 : vector<1x16xf32> to vector<16xf32>
          %swap3A_223 = vector.shape_cast %mul3A_218 : vector<16xf32> to vector<1x16xf32>
          tpu.vector_store %arg14[%swap3A_219, %swap3A_220], %swap3A_223 {strides = array<i32>} : memref<32x128xf32, #tpu.memory_space<vmem>>, vector<1x16xf32>,
          %get3A_224 = arith.index_cast %scan3A_139 : i32 to index
          %get3A_225 = arith.constant 96 : index
          %get3A_226 = tpu.vector_load %arg12[%get3A_224, %get3A_225] {strides = array<i32>} : memref<32x128xf32, #tpu.memory_space<vmem>>, vector<1x16xf32>,
          %get3A_227 = vector.shape_cast %get3A_226 : vector<1x16xf32> to vector<16xf32>
          %get3A_228 = arith.index_cast %scan3A_139 : i32 to index
          %get3A_229 = arith.constant 96 : index
          %get3A_230 = tpu.vector_load %arg10[%get3A_228, %get3A_229] {strides = array<i32>} : memref<32x128xf32, #tpu.memory_space<vmem>>, vector<1x16xf32>,
          %get3A_231 = vector.shape_cast %get3A_230 : vector<1x16xf32> to vector<16xf32>
          %mul3A_232 = arith.mulf %get3A_227, %get3A_231 : vector<16xf32>
          %swap3A_233 = arith.index_cast %scan3A_139 : i32 to index
          %swap3A_234 = arith.constant 96 : index
          %swap3A_235 = tpu.vector_load %arg14[%swap3A_233, %swap3A_234] {strides = array<i32>} : memref<32x128xf32, #tpu.memory_space<vmem>>, vector<1x16xf32>,
          %swap3A_236 = vector.shape_cast %swap3A_235 : vector<1x16xf32> to vector<16xf32>
          %swap3A_237 = vector.shape_cast %mul3A_232 : vector<16xf32> to vector<1x16xf32>
          tpu.vector_store %arg14[%swap3A_233, %swap3A_234], %swap3A_237 {strides = array<i32>} : memref<32x128xf32, #tpu.memory_space<vmem>>, vector<1x16xf32>,
          %get3A_238 = arith.index_cast %scan3A_139 : i32 to index
          %get3A_239 = arith.constant 112 : index
          %get3A_240 = tpu.vector_load %arg12[%get3A_238, %get3A_239] {strides = array<i32>} : memref<32x128xf32, #tpu.memory_space<vmem>>, vector<1x16xf32>,
          %get3A_241 = vector.shape_cast %get3A_240 : vector<1x16xf32> to vector<16xf32>
          %get3A_242 = arith.index_cast %scan3A_139 : i32 to index
          %get3A_243 = arith.constant 112 : index
          %get3A_244 = tpu.vector_load %arg10[%get3A_242, %get3A_243] {strides = array<i32>} : memref<32x128xf32, #tpu.memory_space<vmem>>, vector<1x16xf32>,
          %get3A_245 = vector.shape_cast %get3A_244 : vector<1x16xf32> to vector<16xf32>
          %mul3A_246 = arith.mulf %get3A_241, %get3A_245 : vector<16xf32>
          %swap3A_247 = arith.index_cast %scan3A_139 : i32 to index
          %swap3A_248 = arith.constant 112 : index
          %swap3A_249 = tpu.vector_load %arg14[%swap3A_247, %swap3A_248] {strides = array<i32>} : memref<32x128xf32, #tpu.memory_space<vmem>>, vector<1x16xf32>,
          %swap3A_250 = vector.shape_cast %swap3A_249 : vector<1x16xf32> to vector<16xf32>
          %swap3A_251 = vector.shape_cast %mul3A_246 : vector<16xf32> to vector<1x16xf32>
          tpu.vector_store %arg14[%swap3A_247, %swap3A_248], %swap3A_251 {strides = array<i32>} : memref<32x128xf32, #tpu.memory_space<vmem>>, vector<1x16xf32>,
        }
        %scan3A_125 = arith.constant 32 : i32
        %dma_start3A_126 = arith.constant 0 : i32
        %dma_start3A_127 = arith.constant 0 : i32
        %dma_start3A_128 = tpu.memref_slice %arg9[%dma_start3A_126, %dma_start3A_127] : memref<2x32xi32, #tpu.memory_space<vmem>> -> memref<1x32xi32, #tpu.memory_space<vmem>>
        %dma_start3A_129 = tpu.memref_squeeze %dma_start3A_128 : memref<1x32xi32, #tpu.memory_space<vmem>> -> memref<32xi32, #tpu.memory_space<vmem>>
        %dma_start3A_130 = arith.constant 0 : i32
        %dma_start3A_131 = arith.constant 0 : i32
        %dma_start3A_132 = tpu.memref_slice %arg15[%dma_start3A_130, %dma_start3A_131] : memref<10240x128xf32, #tpu.memory_space<vmem_shared>> -> memref<10240x128xf32, #tpu.memory_space<vmem_shared>>
        tpu.enqueue_indirect_dma source(%arg14 : memref<32x128xf32, #tpu.memory_space<vmem>>) target(%dma_start3A_132 : memref<10240x128xf32, #tpu.memory_space<vmem_shared>>) offsets(%dma_start3A_129 : memref<32xi32, #tpu.memory_space<vmem>>) semaphore(%arg18 : memref<!tpu.dma_semaphore, #tpu.memory_space<semaphore_mem>>) {add = true}
        %add3A_133 = arith.constant 2 : i32
        %add3A_134 = arith.addi %add3A_69, %add3A_133 : i32
        %lt3A_135 = arith.cmpi slt, %add3A_134, %sub3A_7 : i32
        %convert_element_type3A_136 = arith.extui %lt3A_135 : i1 to i32
        %cond3A_137 = arith.constant 0 : i32
        %cond3A_138 = arith.cmpi ne, %convert_element_type3A_136, %cond3A_137 : i32
        scf.if %cond3A_138 {
          %add3A_139 = arith.constant 2 : i32
          %add3A_140 = arith.addi %add3A_69, %add3A_139 : i32
          %mul3A_141 = arith.constant 32 : i32
          %mul3A_142 = arith.muli %add3A_140, %mul3A_141 : i32
          %dma_start3A_143 = tpu.memref_slice %arg7[%mul3A_142] : memref<13312xi32, #tpu.memory_space<vmem>> -> memref<32xi32, #tpu.memory_space<vmem>>
          %dma_start3A_144 = arith.constant 0 : i32
          %dma_start3A_145 = arith.constant 0 : i32
          %dma_start3A_146 = tpu.memref_slice %arg2[%dma_start3A_144, %dma_start3A_145] : memref<10000x128xf32, #tpu.memory_space<hbm>> -> memref<10000x128xf32, #tpu.memory_space<hbm>>
          tpu.enqueue_indirect_dma source(%dma_start3A_146 : memref<10000x128xf32, #tpu.memory_space<hbm>>) target(%arg10 : memref<32x128xf32, #tpu.memory_space<vmem>>) offsets(%dma_start3A_143 : memref<32xi32, #tpu.memory_space<vmem>>) semaphore(%arg16 : memref<!tpu.dma_semaphore, #tpu.memory_space<semaphore_mem>>)
          %add3A_147 = arith.addi %mul3A_4, %add3A_140 : i32
          %mul3A_148 = arith.constant 32 : i32
          %mul3A_149 = arith.muli %add3A_147, %mul3A_148 : i32
          %dma_start3A_150 = arith.constant 0 : i32
          %dma_start3A_151 = tpu.memref_slice %arg3[%mul3A_149, %dma_start3A_150] : memref<425984x128xf32, #tpu.memory_space<hbm>> -> memref<32x128xf32, #tpu.memory_space<hbm>>
          %dma_start3A_152 = arith.constant 0 : i32
          %dma_start3A_153 = tpu.memref_slice %arg3[%mul3A_149, %dma_start3A_152] : memref<425984x128xf32, #tpu.memory_space<hbm>> -> memref<32x128xf32, #tpu.memory_space<hbm>>
          tpu.enqueue_dma source(%dma_start3A_153 : memref<32x128xf32, #tpu.memory_space<hbm>>) target(%arg12 : memref<32x128xf32, #tpu.memory_space<vmem>>) target_semaphore(%arg16 : memref<!tpu.dma_semaphore, #tpu.memory_space<semaphore_mem>>)
        } else {
        }
      } else {
      }
      %mul3A_71 = arith.constant 2 : i32
      %mul3A_72 = arith.muli %mul3A_71, %scan3A_65 : i32
      %add3A_73 = arith.constant 1 : i32
      %add3A_74 = arith.addi %mul3A_72, %add3A_73 : i32
      %lt3A_75 = arith.cmpi slt, %add3A_74, %sub3A_7 : i32
      %convert_element_type3A_76 = arith.extui %lt3A_75 : i1 to i32
      %cond3A_77 = arith.constant 0 : i32
      %cond3A_78 = arith.cmpi ne, %convert_element_type3A_76, %cond3A_77 : i32
      scf.if %cond3A_78 {
        %mul3A_79 = arith.constant 32 : i32
        %mul3A_80 = arith.muli %add3A_74, %mul3A_79 : i32
        %dma_wait3A_81 = tpu.memref_slice %arg7[%mul3A_80] : memref<13312xi32, #tpu.memory_space<vmem>> -> memref<32xi32, #tpu.memory_space<vmem>>
        %dma_wait3A_82 = arith.constant 0 : i32
        %dma_wait3A_83 = arith.constant 0 : i32
        %dma_wait3A_84 = tpu.memref_slice %arg2[%dma_wait3A_82, %dma_wait3A_83] : memref<10000x128xf32, #tpu.memory_space<hbm>> -> memref<10000x128xf32, #tpu.memory_space<hbm>>
        tpu.wait_indirect_dma semaphore(%arg17 : memref<!tpu.dma_semaphore, #tpu.memory_space<semaphore_mem>>) src(%dma_wait3A_84 : memref<10000x128xf32, #tpu.memory_space<hbm>>) dst(%arg11 : memref<32x128xf32, #tpu.memory_space<vmem>>)
        %add3A_85 = arith.addi %mul3A_4, %add3A_74 : i32
        %mul3A_86 = arith.constant 32 : i32
        %mul3A_87 = arith.muli %add3A_85, %mul3A_86 : i32
        %dma_wait3A_88 = arith.constant 0 : i32
        %dma_wait3A_89 = tpu.memref_slice %arg3[%mul3A_87, %dma_wait3A_88] : memref<425984x128xf32, #tpu.memory_space<hbm>> -> memref<32x128xf32, #tpu.memory_space<hbm>>
        %dma_wait3A_90 = arith.constant 0 : i32
        %dma_wait3A_91 = tpu.memref_slice %arg3[%mul3A_87, %dma_wait3A_90] : memref<425984x128xf32, #tpu.memory_space<hbm>> -> memref<32x128xf32, #tpu.memory_space<hbm>>
        tpu.wait_dma2 semaphore(%arg17 : memref<!tpu.dma_semaphore, #tpu.memory_space<semaphore_mem>>) src(%dma_wait3A_91 : memref<32x128xf32, #tpu.memory_space<hbm>>) dst(%arg13 : memref<32x128xf32, #tpu.memory_space<vmem>>)
        %dma_wait3A_92 = arith.constant 0 : i32
        %dma_wait3A_93 = arith.constant 0 : i32
        %dma_wait3A_94 = tpu.memref_slice %arg9[%dma_wait3A_92, %dma_wait3A_93] : memref<2x32xi32, #tpu.memory_space<vmem>> -> memref<1x32xi32, #tpu.memory_space<vmem>>
        %dma_wait3A_95 = tpu.memref_squeeze %dma_wait3A_94 : memref<1x32xi32, #tpu.memory_space<vmem>> -> memref<32xi32, #tpu.memory_space<vmem>>
        %dma_wait3A_96 = arith.constant 0 : i32
        %dma_wait3A_97 = arith.constant 0 : i32
        %dma_wait3A_98 = tpu.memref_slice %arg15[%dma_wait3A_96, %dma_wait3A_97] : memref<10240x128xf32, #tpu.memory_space<vmem_shared>> -> memref<10240x128xf32, #tpu.memory_space<vmem_shared>>
        tpu.wait_indirect_dma semaphore(%arg18 : memref<!tpu.dma_semaphore, #tpu.memory_space<semaphore_mem>>) src(%arg14 : memref<32x128xf32, #tpu.memory_space<vmem>>) dst(%dma_wait3A_98 : memref<10240x128xf32, #tpu.memory_space<vmem_shared>>)
        %mul3A_99 = arith.constant 32 : i32
        %mul3A_100 = arith.muli %add3A_74, %mul3A_99 : i32
        %add3A_101 = arith.constant 0 : i32
        %add3A_102 = arith.addi %mul3A_100, %add3A_101 : i32
        %get3A = arith.index_cast %add3A_102 : i32 to index
        %get3A_103 = tpu.vector_load %arg8[%get3A] {strides = array<i32>} : memref<13312xi32, #tpu.memory_space<vmem>>, vector<16xi32>,
        %get3A_104 = vector.shape_cast %get3A_103 : vector<16xi32> to vector<16xi32>
        %swap3A = arith.constant 1 : i32
        %swap3A_105 = arith.index_cast %swap3A : i32 to index
        %swap3A_106 = arith.constant 0 : index
        %swap3A_107 = tpu.vector_load %arg9[%swap3A_105, %swap3A_106] {strides = array<i32>} : memref<2x32xi32, #tpu.memory_space<vmem>>, vector<1x16xi32>,
        %swap3A_108 = vector.shape_cast %swap3A_107 : vector<1x16xi32> to vector<16xi32>
        %swap3A_109 = vector.shape_cast %get3A_104 : vector<16xi32> to vector<1x16xi32>
        tpu.vector_store %arg9[%swap3A_105, %swap3A_106], %swap3A_109 {strides = array<i32>} : memref<2x32xi32, #tpu.memory_space<vmem>>, vector<1x16xi32>,
        %mul3A_110 = arith.constant 32 : i32
        %mul3A_111 = arith.muli %add3A_74, %mul3A_110 : i32
        %add3A_112 = arith.constant 16 : i32
        %add3A_113 = arith.addi %mul3A_111, %add3A_112 : i32
        %get3A_114 = arith.index_cast %add3A_113 : i32 to index
        %get3A_115 = tpu.vector_load %arg8[%get3A_114] {strides = array<i32>} : memref<13312xi32, #tpu.memory_space<vmem>>, vector<16xi32>,
        %get3A_116 = vector.shape_cast %get3A_115 : vector<16xi32> to vector<16xi32>
        %swap3A_117 = arith.constant 1 : i32
        %swap3A_118 = arith.index_cast %swap3A_117 : i32 to index
        %swap3A_119 = arith.constant 16 : index
        %swap3A_120 = tpu.vector_load %arg9[%swap3A_118, %swap3A_119] {strides = array<i32>} : memref<2x32xi32, #tpu.memory_space<vmem>>, vector<1x16xi32>,
        %swap3A_121 = vector.shape_cast %swap3A_120 : vector<1x16xi32> to vector<16xi32>
        %swap3A_122 = vector.shape_cast %get3A_116 : vector<16xi32> to vector<1x16xi32>
        tpu.vector_store %arg9[%swap3A_118, %swap3A_119], %swap3A_122 {strides = array<i32>} : memref<2x32xi32, #tpu.memory_space<vmem>>, vector<1x16xi32>,
        %scan3A_123 = arith.constant 0 : i32
        %scan3A_124 = arith.constant 0 : i32
        %scan3A_125 = arith.constant 32 : i32
        %scan3A_126 = arith.addi %scan3A_124, %scan3A_125 : i32
        %scan3A_127 = arith.constant 1 : i32
        scf.for %scan3A_142 = %scan3A_124 to %scan3A_126 step %scan3A_127  : i32 {
          %get3A_143 = arith.index_cast %scan3A_142 : i32 to index
          %get3A_144 = arith.constant 0 : index
          %get3A_145 = tpu.vector_load %arg13[%get3A_143, %get3A_144] {strides = array<i32>} : memref<32x128xf32, #tpu.memory_space<vmem>>, vector<1x16xf32>,
          %get3A_146 = vector.shape_cast %get3A_145 : vector<1x16xf32> to vector<16xf32>
          %get3A_147 = arith.index_cast %scan3A_142 : i32 to index
          %get3A_148 = arith.constant 0 : index
          %get3A_149 = tpu.vector_load %arg11[%get3A_147, %get3A_148] {strides = array<i32>} : memref<32x128xf32, #tpu.memory_space<vmem>>, vector<1x16xf32>,
          %get3A_150 = vector.shape_cast %get3A_149 : vector<1x16xf32> to vector<16xf32>
          %mul3A_151 = arith.mulf %get3A_146, %get3A_150 : vector<16xf32>
          %swap3A_152 = arith.index_cast %scan3A_142 : i32 to index
          %swap3A_153 = arith.constant 0 : index
          %swap3A_154 = tpu.vector_load %arg14[%swap3A_152, %swap3A_153] {strides = array<i32>} : memref<32x128xf32, #tpu.memory_space<vmem>>, vector<1x16xf32>,
          %swap3A_155 = vector.shape_cast %swap3A_154 : vector<1x16xf32> to vector<16xf32>
          %swap3A_156 = vector.shape_cast %mul3A_151 : vector<16xf32> to vector<1x16xf32>
          tpu.vector_store %arg14[%swap3A_152, %swap3A_153], %swap3A_156 {strides = array<i32>} : memref<32x128xf32, #tpu.memory_space<vmem>>, vector<1x16xf32>,
          %get3A_157 = arith.index_cast %scan3A_142 : i32 to index
          %get3A_158 = arith.constant 16 : index
          %get3A_159 = tpu.vector_load %arg13[%get3A_157, %get3A_158] {strides = array<i32>} : memref<32x128xf32, #tpu.memory_space<vmem>>, vector<1x16xf32>,
          %get3A_160 = vector.shape_cast %get3A_159 : vector<1x16xf32> to vector<16xf32>
          %get3A_161 = arith.index_cast %scan3A_142 : i32 to index
          %get3A_162 = arith.constant 16 : index
          %get3A_163 = tpu.vector_load %arg11[%get3A_161, %get3A_162] {strides = array<i32>} : memref<32x128xf32, #tpu.memory_space<vmem>>, vector<1x16xf32>,
          %get3A_164 = vector.shape_cast %get3A_163 : vector<1x16xf32> to vector<16xf32>
          %mul3A_165 = arith.mulf %get3A_160, %get3A_164 : vector<16xf32>
          %swap3A_166 = arith.index_cast %scan3A_142 : i32 to index
          %swap3A_167 = arith.constant 16 : index
          %swap3A_168 = tpu.vector_load %arg14[%swap3A_166, %swap3A_167] {strides = array<i32>} : memref<32x128xf32, #tpu.memory_space<vmem>>, vector<1x16xf32>,
          %swap3A_169 = vector.shape_cast %swap3A_168 : vector<1x16xf32> to vector<16xf32>
          %swap3A_170 = vector.shape_cast %mul3A_165 : vector<16xf32> to vector<1x16xf32>
          tpu.vector_store %arg14[%swap3A_166, %swap3A_167], %swap3A_170 {strides = array<i32>} : memref<32x128xf32, #tpu.memory_space<vmem>>, vector<1x16xf32>,
          %get3A_171 = arith.index_cast %scan3A_142 : i32 to index
          %get3A_172 = arith.constant 32 : index
          %get3A_173 = tpu.vector_load %arg13[%get3A_171, %get3A_172] {strides = array<i32>} : memref<32x128xf32, #tpu.memory_space<vmem>>, vector<1x16xf32>,
          %get3A_174 = vector.shape_cast %get3A_173 : vector<1x16xf32> to vector<16xf32>
          %get3A_175 = arith.index_cast %scan3A_142 : i32 to index
          %get3A_176 = arith.constant 32 : index
          %get3A_177 = tpu.vector_load %arg11[%get3A_175, %get3A_176] {strides = array<i32>} : memref<32x128xf32, #tpu.memory_space<vmem>>, vector<1x16xf32>,
          %get3A_178 = vector.shape_cast %get3A_177 : vector<1x16xf32> to vector<16xf32>
          %mul3A_179 = arith.mulf %get3A_174, %get3A_178 : vector<16xf32>
          %swap3A_180 = arith.index_cast %scan3A_142 : i32 to index
          %swap3A_181 = arith.constant 32 : index
          %swap3A_182 = tpu.vector_load %arg14[%swap3A_180, %swap3A_181] {strides = array<i32>} : memref<32x128xf32, #tpu.memory_space<vmem>>, vector<1x16xf32>,
          %swap3A_183 = vector.shape_cast %swap3A_182 : vector<1x16xf32> to vector<16xf32>
          %swap3A_184 = vector.shape_cast %mul3A_179 : vector<16xf32> to vector<1x16xf32>
          tpu.vector_store %arg14[%swap3A_180, %swap3A_181], %swap3A_184 {strides = array<i32>} : memref<32x128xf32, #tpu.memory_space<vmem>>, vector<1x16xf32>,
          %get3A_185 = arith.index_cast %scan3A_142 : i32 to index
          %get3A_186 = arith.constant 48 : index
          %get3A_187 = tpu.vector_load %arg13[%get3A_185, %get3A_186] {strides = array<i32>} : memref<32x128xf32, #tpu.memory_space<vmem>>, vector<1x16xf32>,
          %get3A_188 = vector.shape_cast %get3A_187 : vector<1x16xf32> to vector<16xf32>
          %get3A_189 = arith.index_cast %scan3A_142 : i32 to index
          %get3A_190 = arith.constant 48 : index
          %get3A_191 = tpu.vector_load %arg11[%get3A_189, %get3A_190] {strides = array<i32>} : memref<32x128xf32, #tpu.memory_space<vmem>>, vector<1x16xf32>,
          %get3A_192 = vector.shape_cast %get3A_191 : vector<1x16xf32> to vector<16xf32>
          %mul3A_193 = arith.mulf %get3A_188, %get3A_192 : vector<16xf32>
          %swap3A_194 = arith.index_cast %scan3A_142 : i32 to index
          %swap3A_195 = arith.constant 48 : index
          %swap3A_196 = tpu.vector_load %arg14[%swap3A_194, %swap3A_195] {strides = array<i32>} : memref<32x128xf32, #tpu.memory_space<vmem>>, vector<1x16xf32>,
          %swap3A_197 = vector.shape_cast %swap3A_196 : vector<1x16xf32> to vector<16xf32>
          %swap3A_198 = vector.shape_cast %mul3A_193 : vector<16xf32> to vector<1x16xf32>
          tpu.vector_store %arg14[%swap3A_194, %swap3A_195], %swap3A_198 {strides = array<i32>} : memref<32x128xf32, #tpu.memory_space<vmem>>, vector<1x16xf32>,
          %get3A_199 = arith.index_cast %scan3A_142 : i32 to index
          %get3A_200 = arith.constant 64 : index
          %get3A_201 = tpu.vector_load %arg13[%get3A_199, %get3A_200] {strides = array<i32>} : memref<32x128xf32, #tpu.memory_space<vmem>>, vector<1x16xf32>,
          %get3A_202 = vector.shape_cast %get3A_201 : vector<1x16xf32> to vector<16xf32>
          %get3A_203 = arith.index_cast %scan3A_142 : i32 to index
          %get3A_204 = arith.constant 64 : index
          %get3A_205 = tpu.vector_load %arg11[%get3A_203, %get3A_204] {strides = array<i32>} : memref<32x128xf32, #tpu.memory_space<vmem>>, vector<1x16xf32>,
          %get3A_206 = vector.shape_cast %get3A_205 : vector<1x16xf32> to vector<16xf32>
          %mul3A_207 = arith.mulf %get3A_202, %get3A_206 : vector<16xf32>
          %swap3A_208 = arith.index_cast %scan3A_142 : i32 to index
          %swap3A_209 = arith.constant 64 : index
          %swap3A_210 = tpu.vector_load %arg14[%swap3A_208, %swap3A_209] {strides = array<i32>} : memref<32x128xf32, #tpu.memory_space<vmem>>, vector<1x16xf32>,
          %swap3A_211 = vector.shape_cast %swap3A_210 : vector<1x16xf32> to vector<16xf32>
          %swap3A_212 = vector.shape_cast %mul3A_207 : vector<16xf32> to vector<1x16xf32>
          tpu.vector_store %arg14[%swap3A_208, %swap3A_209], %swap3A_212 {strides = array<i32>} : memref<32x128xf32, #tpu.memory_space<vmem>>, vector<1x16xf32>,
          %get3A_213 = arith.index_cast %scan3A_142 : i32 to index
          %get3A_214 = arith.constant 80 : index
          %get3A_215 = tpu.vector_load %arg13[%get3A_213, %get3A_214] {strides = array<i32>} : memref<32x128xf32, #tpu.memory_space<vmem>>, vector<1x16xf32>,
          %get3A_216 = vector.shape_cast %get3A_215 : vector<1x16xf32> to vector<16xf32>
          %get3A_217 = arith.index_cast %scan3A_142 : i32 to index
          %get3A_218 = arith.constant 80 : index
          %get3A_219 = tpu.vector_load %arg11[%get3A_217, %get3A_218] {strides = array<i32>} : memref<32x128xf32, #tpu.memory_space<vmem>>, vector<1x16xf32>,
          %get3A_220 = vector.shape_cast %get3A_219 : vector<1x16xf32> to vector<16xf32>
          %mul3A_221 = arith.mulf %get3A_216, %get3A_220 : vector<16xf32>
          %swap3A_222 = arith.index_cast %scan3A_142 : i32 to index
          %swap3A_223 = arith.constant 80 : index
          %swap3A_224 = tpu.vector_load %arg14[%swap3A_222, %swap3A_223] {strides = array<i32>} : memref<32x128xf32, #tpu.memory_space<vmem>>, vector<1x16xf32>,
          %swap3A_225 = vector.shape_cast %swap3A_224 : vector<1x16xf32> to vector<16xf32>
          %swap3A_226 = vector.shape_cast %mul3A_221 : vector<16xf32> to vector<1x16xf32>
          tpu.vector_store %arg14[%swap3A_222, %swap3A_223], %swap3A_226 {strides = array<i32>} : memref<32x128xf32, #tpu.memory_space<vmem>>, vector<1x16xf32>,
          %get3A_227 = arith.index_cast %scan3A_142 : i32 to index
          %get3A_228 = arith.constant 96 : index
          %get3A_229 = tpu.vector_load %arg13[%get3A_227, %get3A_228] {strides = array<i32>} : memref<32x128xf32, #tpu.memory_space<vmem>>, vector<1x16xf32>,
          %get3A_230 = vector.shape_cast %get3A_229 : vector<1x16xf32> to vector<16xf32>
          %get3A_231 = arith.index_cast %scan3A_142 : i32 to index
          %get3A_232 = arith.constant 96 : index
          %get3A_233 = tpu.vector_load %arg11[%get3A_231, %get3A_232] {strides = array<i32>} : memref<32x128xf32, #tpu.memory_space<vmem>>, vector<1x16xf32>,
          %get3A_234 = vector.shape_cast %get3A_233 : vector<1x16xf32> to vector<16xf32>
          %mul3A_235 = arith.mulf %get3A_230, %get3A_234 : vector<16xf32>
          %swap3A_236 = arith.index_cast %scan3A_142 : i32 to index
          %swap3A_237 = arith.constant 96 : index
          %swap3A_238 = tpu.vector_load %arg14[%swap3A_236, %swap3A_237] {strides = array<i32>} : memref<32x128xf32, #tpu.memory_space<vmem>>, vector<1x16xf32>,
          %swap3A_239 = vector.shape_cast %swap3A_238 : vector<1x16xf32> to vector<16xf32>
          %swap3A_240 = vector.shape_cast %mul3A_235 : vector<16xf32> to vector<1x16xf32>
          tpu.vector_store %arg14[%swap3A_236, %swap3A_237], %swap3A_240 {strides = array<i32>} : memref<32x128xf32, #tpu.memory_space<vmem>>, vector<1x16xf32>,
          %get3A_241 = arith.index_cast %scan3A_142 : i32 to index
          %get3A_242 = arith.constant 112 : index
          %get3A_243 = tpu.vector_load %arg13[%get3A_241, %get3A_242] {strides = array<i32>} : memref<32x128xf32, #tpu.memory_space<vmem>>, vector<1x16xf32>,
          %get3A_244 = vector.shape_cast %get3A_243 : vector<1x16xf32> to vector<16xf32>
          %get3A_245 = arith.index_cast %scan3A_142 : i32 to index
          %get3A_246 = arith.constant 112 : index
          %get3A_247 = tpu.vector_load %arg11[%get3A_245, %get3A_246] {strides = array<i32>} : memref<32x128xf32, #tpu.memory_space<vmem>>, vector<1x16xf32>,
          %get3A_248 = vector.shape_cast %get3A_247 : vector<1x16xf32> to vector<16xf32>
          %mul3A_249 = arith.mulf %get3A_244, %get3A_248 : vector<16xf32>
          %swap3A_250 = arith.index_cast %scan3A_142 : i32 to index
          %swap3A_251 = arith.constant 112 : index
          %swap3A_252 = tpu.vector_load %arg14[%swap3A_250, %swap3A_251] {strides = array<i32>} : memref<32x128xf32, #tpu.memory_space<vmem>>, vector<1x16xf32>,
          %swap3A_253 = vector.shape_cast %swap3A_252 : vector<1x16xf32> to vector<16xf32>
          %swap3A_254 = vector.shape_cast %mul3A_249 : vector<16xf32> to vector<1x16xf32>
          tpu.vector_store %arg14[%swap3A_250, %swap3A_251], %swap3A_254 {strides = array<i32>} : memref<32x128xf32, #tpu.memory_space<vmem>>, vector<1x16xf32>,
        }
        %scan3A_128 = arith.constant 32 : i32
        %dma_start3A_129 = arith.constant 1 : i32
        %dma_start3A_130 = arith.constant 0 : i32
        %dma_start3A_131 = tpu.memref_slice %arg9[%dma_start3A_129, %dma_start3A_130] : memref<2x32xi32, #tpu.memory_space<vmem>> -> memref<1x32xi32, #tpu.memory_space<vmem>>
        %dma_start3A_132 = tpu.memref_squeeze %dma_start3A_131 : memref<1x32xi32, #tpu.memory_space<vmem>> -> memref<32xi32, #tpu.memory_space<vmem>>
        %dma_start3A_133 = arith.constant 0 : i32
        %dma_start3A_134 = arith.constant 0 : i32
        %dma_start3A_135 = tpu.memref_slice %arg15[%dma_start3A_133, %dma_start3A_134] : memref<10240x128xf32, #tpu.memory_space<vmem_shared>> -> memref<10240x128xf32, #tpu.memory_space<vmem_shared>>
        tpu.enqueue_indirect_dma source(%arg14 : memref<32x128xf32, #tpu.memory_space<vmem>>) target(%dma_start3A_135 : memref<10240x128xf32, #tpu.memory_space<vmem_shared>>) offsets(%dma_start3A_132 : memref<32xi32, #tpu.memory_space<vmem>>) semaphore(%arg18 : memref<!tpu.dma_semaphore, #tpu.memory_space<semaphore_mem>>) {add = true}
        %add3A_136 = arith.constant 2 : i32
        %add3A_137 = arith.addi %add3A_74, %add3A_136 : i32
        %lt3A_138 = arith.cmpi slt, %add3A_137, %sub3A_7 : i32
        %convert_element_type3A_139 = arith.extui %lt3A_138 : i1 to i32
        %cond3A_140 = arith.constant 0 : i32
        %cond3A_141 = arith.cmpi ne, %convert_element_type3A_139, %cond3A_140 : i32
        scf.if %cond3A_141 {
          %add3A_142 = arith.constant 2 : i32
          %add3A_143 = arith.addi %add3A_74, %add3A_142 : i32
          %mul3A_144 = arith.constant 32 : i32
          %mul3A_145 = arith.muli %add3A_143, %mul3A_144 : i32
          %dma_start3A_146 = tpu.memref_slice %arg7[%mul3A_145] : memref<13312xi32, #tpu.memory_space<vmem>> -> memref<32xi32, #tpu.memory_space<vmem>>
          %dma_start3A_147 = arith.constant 0 : i32
          %dma_start3A_148 = arith.constant 0 : i32
          %dma_start3A_149 = tpu.memref_slice %arg2[%dma_start3A_147, %dma_start3A_148] : memref<10000x128xf32, #tpu.memory_space<hbm>> -> memref<10000x128xf32, #tpu.memory_space<hbm>>
          tpu.enqueue_indirect_dma source(%dma_start3A_149 : memref<10000x128xf32, #tpu.memory_space<hbm>>) target(%arg11 : memref<32x128xf32, #tpu.memory_space<vmem>>) offsets(%dma_start3A_146 : memref<32xi32, #tpu.memory_space<vmem>>) semaphore(%arg17 : memref<!tpu.dma_semaphore, #tpu.memory_space<semaphore_mem>>)
          %add3A_150 = arith.addi %mul3A_4, %add3A_143 : i32
          %mul3A_151 = arith.constant 32 : i32
          %mul3A_152 = arith.muli %add3A_150, %mul3A_151 : i32
          %dma_start3A_153 = arith.constant 0 : i32
          %dma_start3A_154 = tpu.memref_slice %arg3[%mul3A_152, %dma_start3A_153] : memref<425984x128xf32, #tpu.memory_space<hbm>> -> memref<32x128xf32, #tpu.memory_space<hbm>>
          %dma_start3A_155 = arith.constant 0 : i32
          %dma_start3A_156 = tpu.memref_slice %arg3[%mul3A_152, %dma_start3A_155] : memref<425984x128xf32, #tpu.memory_space<hbm>> -> memref<32x128xf32, #tpu.memory_space<hbm>>
          tpu.enqueue_dma source(%dma_start3A_156 : memref<32x128xf32, #tpu.memory_space<hbm>>) target(%arg13 : memref<32x128xf32, #tpu.memory_space<vmem>>) target_semaphore(%arg17 : memref<!tpu.dma_semaphore, #tpu.memory_space<semaphore_mem>>)
        } else {
        }
      } else {
      }
    }
    %scan3A_54 = arith.constant 208 : i32
    %dma_wait3A = arith.constant 1 : i32
    %dma_wait3A_55 = arith.constant 0 : i32
    %dma_wait3A_56 = tpu.memref_slice %arg9[%dma_wait3A, %dma_wait3A_55] : memref<2x32xi32, #tpu.memory_space<vmem>> -> memref<1x32xi32, #tpu.memory_space<vmem>>
    %dma_wait3A_57 = tpu.memref_squeeze %dma_wait3A_56 : memref<1x32xi32, #tpu.memory_space<vmem>> -> memref<32xi32, #tpu.memory_space<vmem>>
    %dma_wait3A_58 = arith.constant 0 : i32
    %dma_wait3A_59 = arith.constant 0 : i32
    %dma_wait3A_60 = tpu.memref_slice %arg15[%dma_wait3A_58, %dma_wait3A_59] : memref<10240x128xf32, #tpu.memory_space<vmem_shared>> -> memref<10240x128xf32, #tpu.memory_space<vmem_shared>>
    tpu.wait_indirect_dma semaphore(%arg18 : memref<!tpu.dma_semaphore, #tpu.memory_space<semaphore_mem>>) src(%arg14 : memref<32x128xf32, #tpu.memory_space<vmem>>) dst(%dma_wait3A_60 : memref<10240x128xf32, #tpu.memory_space<vmem_shared>>)
    %barrier3A_61 = arith.constant 0 : index
    tpu.barrier barrier_id(%barrier3A_61)
    %mul3A_62 = arith.constant 10240 : i32
    %mul3A_63 = arith.muli %arg0, %mul3A_62 : i32
    %add3A_64 = arith.addi %mul3A_63, %mul3A_0 : i32
    "tpu.region"() ({
      %run_scoped3A = tpu.sem_alloc : memref<!tpu.dma_semaphore, #tpu.memory_space<semaphore_mem>>
      %dma_start3A_65 = arith.constant 0 : i32
      %dma_start3A_66 = tpu.memref_slice %arg6[%add3A_64, %dma_start3A_65] : memref<20480x128xf32, #tpu.memory_space<hbm>> -> memref<640x128xf32, #tpu.memory_space<hbm>>
      %dma_start3A_67 = arith.constant 0 : i32
      %dma_start3A_68 = tpu.memref_slice %arg15[%mul3A_0, %dma_start3A_67] : memref<10240x128xf32, #tpu.memory_space<vmem_shared>> -> memref<640x128xf32, #tpu.memory_space<vmem_shared>>
      tpu.enqueue_dma source(%dma_start3A_68 : memref<640x128xf32, #tpu.memory_space<vmem_shared>>) target(%dma_start3A_66 : memref<640x128xf32, #tpu.memory_space<hbm>>) target_semaphore(%run_scoped3A : memref<!tpu.dma_semaphore, #tpu.memory_space<semaphore_mem>>)
      %dma_wait3A_69 = arith.constant 0 : i32
      %dma_wait3A_70 = tpu.memref_slice %arg6[%add3A_64, %dma_wait3A_69] : memref<20480x128xf32, #tpu.memory_space<hbm>> -> memref<640x128xf32, #tpu.memory_space<hbm>>
      %dma_wait3A_71 = arith.constant 0 : i32
      %dma_wait3A_72 = tpu.memref_slice %arg15[%mul3A_0, %dma_wait3A_71] : memref<10240x128xf32, #tpu.memory_space<vmem_shared>> -> memref<640x128xf32, #tpu.memory_space<vmem_shared>>
      tpu.wait_dma2 semaphore(%run_scoped3A : memref<!tpu.dma_semaphore, #tpu.memory_space<semaphore_mem>>) src(%dma_wait3A_72 : memref<640x128xf32, #tpu.memory_space<vmem_shared>>) dst(%dma_wait3A_70 : memref<640x128xf32, #tpu.memory_space<hbm>>)
      tpu.yield
    }) : () -> ()
    return
  }
}

#map = affine_map<(d0, d1) -> (0, 0)>
#map1 = affine_map<(d0, d1) -> (0)>
module attributes {stable_mosaic.version = 14 : i64} {
  func.func @body(%arg0: i32, %arg1: i32, %arg2: memref<10000x128xf32, #tpu.memory_space<hbm>>, %arg3: memref<425984x128xf32, #tpu.memory_space<hbm>>, %arg4: memref<425984xi32, #tpu.memory_space<hbm>>, %arg5: memref<425984xi32, #tpu.memory_space<hbm>>, %arg6: memref<20480x128xf32, #tpu.memory_space<hbm>>, %arg7: memref<20480xf32, #tpu.memory_space<hbm>>, %arg8: memref<13312xi32, #tpu.memory_space<vmem>>, %arg9: memref<13312xi32, #tpu.memory_space<vmem>>, %arg10: memref<2x32xi32, #tpu.memory_space<vmem>>, %arg11: memref<32x128xf32, #tpu.memory_space<vmem>>, %arg12: memref<32x128xf32, #tpu.memory_space<vmem>>, %arg13: memref<32x128xf32, #tpu.memory_space<vmem>>, %arg14: memref<32x128xf32, #tpu.memory_space<vmem>>, %arg15: memref<32x128xf32, #tpu.memory_space<vmem>>, %arg16: memref<32xf32, #tpu.memory_space<vmem>>, %arg17: memref<640xf32, #tpu.memory_space<vmem>>, %arg18: memref<10240xf32, #tpu.memory_space<vmem_shared>>, %arg19: memref<10240x128xf32, #tpu.memory_space<vmem_shared>>, %arg20: memref<!tpu.dma_semaphore, #tpu.memory_space<semaphore_mem>>, %arg21: memref<!tpu.dma_semaphore, #tpu.memory_space<semaphore_mem>>, %arg22: memref<!tpu.dma_semaphore, #tpu.memory_space<semaphore_mem>>) attributes {dimension_semantics = [#tpu.dimension_semantics<core_parallel>, #tpu.dimension_semantics<subcore_parallel>], iteration_bounds = array<i64: 2, 16>, scalar_prefetch = 0 : i64, scratch_operands = 15 : i64, tpu.core_type = #tpu.core_type<sc_vector_subcore>, window_params = [{transform_indices = #map}, {transform_indices = #map}, {transform_indices = #map1}, {transform_indices = #map1}, {transform_indices = #map}, {transform_indices = #map1}]} {
    %mul3A = arith.constant 640 : i32
    %mul3A_0 = arith.muli %arg1, %mul3A : i32
    %mul3A_1 = arith.constant 16 : i32
    %mul3A_2 = arith.muli %arg0, %mul3A_1 : i32
    %add3A = arith.addi %mul3A_2, %arg1 : i32
    %mul3A_3 = arith.constant 416 : i32
    %mul3A_4 = arith.muli %add3A, %mul3A_3 : i32
    %mul3A_5 = arith.constant 192 : i32
    %mul3A_6 = arith.muli %arg0, %mul3A_5 : i32
    %sub3A = arith.constant 416 : i32
    %sub3A_7 = arith.subi %sub3A, %mul3A_6 : i32
    %mul3A_8 = arith.constant 32 : i32
    %mul3A_9 = arith.muli %mul3A_4, %mul3A_8 : i32
    "tpu.region"() ({
      %run_scoped3A = tpu.sem_alloc : memref<!tpu.dma_semaphore, #tpu.memory_space<semaphore_mem>>
      %dma_start3A_82 = tpu.memref_slice %arg4[%mul3A_9] : memref<425984xi32, #tpu.memory_space<hbm>> -> memref<13312xi32, #tpu.memory_space<hbm>>
      %dma_start3A_83 = tpu.memref_slice %arg4[%mul3A_9] : memref<425984xi32, #tpu.memory_space<hbm>> -> memref<13312xi32, #tpu.memory_space<hbm>>
      tpu.enqueue_dma source(%dma_start3A_83 : memref<13312xi32, #tpu.memory_space<hbm>>) target(%arg8 : memref<13312xi32, #tpu.memory_space<vmem>>) target_semaphore(%run_scoped3A : memref<!tpu.dma_semaphore, #tpu.memory_space<semaphore_mem>>)
      %dma_wait3A_84 = tpu.memref_slice %arg4[%mul3A_9] : memref<425984xi32, #tpu.memory_space<hbm>> -> memref<13312xi32, #tpu.memory_space<hbm>>
      %dma_wait3A_85 = tpu.memref_slice %arg4[%mul3A_9] : memref<425984xi32, #tpu.memory_space<hbm>> -> memref<13312xi32, #tpu.memory_space<hbm>>
      tpu.wait_dma2 semaphore(%run_scoped3A : memref<!tpu.dma_semaphore, #tpu.memory_space<semaphore_mem>>) src(%dma_wait3A_85 : memref<13312xi32, #tpu.memory_space<hbm>>) dst(%arg8 : memref<13312xi32, #tpu.memory_space<vmem>>)
      tpu.yield
    }) : () -> ()
    %mul3A_10 = arith.constant 32 : i32
    %mul3A_11 = arith.muli %mul3A_4, %mul3A_10 : i32
    "tpu.region"() ({
      %run_scoped3A = tpu.sem_alloc : memref<!tpu.dma_semaphore, #tpu.memory_space<semaphore_mem>>
      %dma_start3A_82 = tpu.memref_slice %arg5[%mul3A_11] : memref<425984xi32, #tpu.memory_space<hbm>> -> memref<13312xi32, #tpu.memory_space<hbm>>
      %dma_start3A_83 = tpu.memref_slice %arg5[%mul3A_11] : memref<425984xi32, #tpu.memory_space<hbm>> -> memref<13312xi32, #tpu.memory_space<hbm>>
      tpu.enqueue_dma source(%dma_start3A_83 : memref<13312xi32, #tpu.memory_space<hbm>>) target(%arg9 : memref<13312xi32, #tpu.memory_space<vmem>>) target_semaphore(%run_scoped3A : memref<!tpu.dma_semaphore, #tpu.memory_space<semaphore_mem>>)
      %dma_wait3A_84 = tpu.memref_slice %arg5[%mul3A_11] : memref<425984xi32, #tpu.memory_space<hbm>> -> memref<13312xi32, #tpu.memory_space<hbm>>
      %dma_wait3A_85 = tpu.memref_slice %arg5[%mul3A_11] : memref<425984xi32, #tpu.memory_space<hbm>> -> memref<13312xi32, #tpu.memory_space<hbm>>
      tpu.wait_dma2 semaphore(%run_scoped3A : memref<!tpu.dma_semaphore, #tpu.memory_space<semaphore_mem>>) src(%dma_wait3A_85 : memref<13312xi32, #tpu.memory_space<hbm>>) dst(%arg9 : memref<13312xi32, #tpu.memory_space<vmem>>)
      tpu.yield
    }) : () -> ()
    %broadcast_in_dim3A = arith.constant 0.000000e+00 : f32
    %broadcast_in_dim3A_12 = vector.broadcast %broadcast_in_dim3A : f32 to vector<16xf32>
    %scan3A = arith.constant 0 : i32
    %scan3A_13 = arith.constant 0 : i32
    %scan3A_14 = arith.constant 32 : i32
    %scan3A_15 = arith.addi %scan3A_13, %scan3A_14 : i32
    %scan3A_16 = arith.constant 1 : i32
    scf.for %scan3A_82 = %scan3A_13 to %scan3A_15 step %scan3A_16  : i32 {
      %swap3A = arith.index_cast %scan3A_82 : i32 to index
      %swap3A_83 = arith.constant 0 : index
      %swap3A_84 = tpu.vector_load %arg15[%swap3A, %swap3A_83] {strides = array<i32>} : memref<32x128xf32, #tpu.memory_space<vmem>>, vector<1x16xf32>,
      %swap3A_85 = vector.shape_cast %swap3A_84 : vector<1x16xf32> to vector<16xf32>
      %swap3A_86 = vector.shape_cast %broadcast_in_dim3A_12 : vector<16xf32> to vector<1x16xf32>
      tpu.vector_store %arg15[%swap3A, %swap3A_83], %swap3A_86 {strides = array<i32>} : memref<32x128xf32, #tpu.memory_space<vmem>>, vector<1x16xf32>,
      %swap3A_87 = arith.index_cast %scan3A_82 : i32 to index
      %swap3A_88 = arith.constant 16 : index
      %swap3A_89 = tpu.vector_load %arg15[%swap3A_87, %swap3A_88] {strides = array<i32>} : memref<32x128xf32, #tpu.memory_space<vmem>>, vector<1x16xf32>,
      %swap3A_90 = vector.shape_cast %swap3A_89 : vector<1x16xf32> to vector<16xf32>
      %swap3A_91 = vector.shape_cast %broadcast_in_dim3A_12 : vector<16xf32> to vector<1x16xf32>
      tpu.vector_store %arg15[%swap3A_87, %swap3A_88], %swap3A_91 {strides = array<i32>} : memref<32x128xf32, #tpu.memory_space<vmem>>, vector<1x16xf32>,
      %swap3A_92 = arith.index_cast %scan3A_82 : i32 to index
      %swap3A_93 = arith.constant 32 : index
      %swap3A_94 = tpu.vector_load %arg15[%swap3A_92, %swap3A_93] {strides = array<i32>} : memref<32x128xf32, #tpu.memory_space<vmem>>, vector<1x16xf32>,
      %swap3A_95 = vector.shape_cast %swap3A_94 : vector<1x16xf32> to vector<16xf32>
      %swap3A_96 = vector.shape_cast %broadcast_in_dim3A_12 : vector<16xf32> to vector<1x16xf32>
      tpu.vector_store %arg15[%swap3A_92, %swap3A_93], %swap3A_96 {strides = array<i32>} : memref<32x128xf32, #tpu.memory_space<vmem>>, vector<1x16xf32>,
      %swap3A_97 = arith.index_cast %scan3A_82 : i32 to index
      %swap3A_98 = arith.constant 48 : index
      %swap3A_99 = tpu.vector_load %arg15[%swap3A_97, %swap3A_98] {strides = array<i32>} : memref<32x128xf32, #tpu.memory_space<vmem>>, vector<1x16xf32>,
      %swap3A_100 = vector.shape_cast %swap3A_99 : vector<1x16xf32> to vector<16xf32>
      %swap3A_101 = vector.shape_cast %broadcast_in_dim3A_12 : vector<16xf32> to vector<1x16xf32>
      tpu.vector_store %arg15[%swap3A_97, %swap3A_98], %swap3A_101 {strides = array<i32>} : memref<32x128xf32, #tpu.memory_space<vmem>>, vector<1x16xf32>,
      %swap3A_102 = arith.index_cast %scan3A_82 : i32 to index
      %swap3A_103 = arith.constant 64 : index
      %swap3A_104 = tpu.vector_load %arg15[%swap3A_102, %swap3A_103] {strides = array<i32>} : memref<32x128xf32, #tpu.memory_space<vmem>>, vector<1x16xf32>,
      %swap3A_105 = vector.shape_cast %swap3A_104 : vector<1x16xf32> to vector<16xf32>
      %swap3A_106 = vector.shape_cast %broadcast_in_dim3A_12 : vector<16xf32> to vector<1x16xf32>
      tpu.vector_store %arg15[%swap3A_102, %swap3A_103], %swap3A_106 {strides = array<i32>} : memref<32x128xf32, #tpu.memory_space<vmem>>, vector<1x16xf32>,
      %swap3A_107 = arith.index_cast %scan3A_82 : i32 to index
      %swap3A_108 = arith.constant 80 : index
      %swap3A_109 = tpu.vector_load %arg15[%swap3A_107, %swap3A_108] {strides = array<i32>} : memref<32x128xf32, #tpu.memory_space<vmem>>, vector<1x16xf32>,
      %swap3A_110 = vector.shape_cast %swap3A_109 : vector<1x16xf32> to vector<16xf32>
      %swap3A_111 = vector.shape_cast %broadcast_in_dim3A_12 : vector<16xf32> to vector<1x16xf32>
      tpu.vector_store %arg15[%swap3A_107, %swap3A_108], %swap3A_111 {strides = array<i32>} : memref<32x128xf32, #tpu.memory_space<vmem>>, vector<1x16xf32>,
      %swap3A_112 = arith.index_cast %scan3A_82 : i32 to index
      %swap3A_113 = arith.constant 96 : index
      %swap3A_114 = tpu.vector_load %arg15[%swap3A_112, %swap3A_113] {strides = array<i32>} : memref<32x128xf32, #tpu.memory_space<vmem>>, vector<1x16xf32>,
      %swap3A_115 = vector.shape_cast %swap3A_114 : vector<1x16xf32> to vector<16xf32>
      %swap3A_116 = vector.shape_cast %broadcast_in_dim3A_12 : vector<16xf32> to vector<1x16xf32>
      tpu.vector_store %arg15[%swap3A_112, %swap3A_113], %swap3A_116 {strides = array<i32>} : memref<32x128xf32, #tpu.memory_space<vmem>>, vector<1x16xf32>,
      %swap3A_117 = arith.index_cast %scan3A_82 : i32 to index
      %swap3A_118 = arith.constant 112 : index
      %swap3A_119 = tpu.vector_load %arg15[%swap3A_117, %swap3A_118] {strides = array<i32>} : memref<32x128xf32, #tpu.memory_space<vmem>>, vector<1x16xf32>,
      %swap3A_120 = vector.shape_cast %swap3A_119 : vector<1x16xf32> to vector<16xf32>
      %swap3A_121 = vector.shape_cast %broadcast_in_dim3A_12 : vector<16xf32> to vector<1x16xf32>
      tpu.vector_store %arg15[%swap3A_117, %swap3A_118], %swap3A_121 {strides = array<i32>} : memref<32x128xf32, #tpu.memory_space<vmem>>, vector<1x16xf32>,
    }
    %scan3A_17 = arith.constant 32 : i32
    %scan3A_18 = arith.constant 0 : i32
    %scan3A_19 = arith.constant 0 : i32
    %scan3A_20 = arith.constant 20 : i32
    %scan3A_21 = arith.addi %scan3A_19, %scan3A_20 : i32
    %scan3A_22 = arith.constant 1 : i32
    scf.for %scan3A_82 = %scan3A_19 to %scan3A_21 step %scan3A_22  : i32 {
      %mul3A_83 = arith.constant 32 : i32
      %mul3A_84 = arith.muli %scan3A_82, %mul3A_83 : i32
      %add3A_85 = arith.addi %mul3A_0, %mul3A_84 : i32
      "tpu.region"() ({
        %run_scoped3A = tpu.sem_alloc : memref<!tpu.dma_semaphore, #tpu.memory_space<semaphore_mem>>
        %dma_start3A_86 = arith.constant 0 : i32
        %dma_start3A_87 = tpu.memref_slice %arg19[%add3A_85, %dma_start3A_86] : memref<10240x128xf32, #tpu.memory_space<vmem_shared>> -> memref<32x128xf32, #tpu.memory_space<vmem_shared>>
        %dma_start3A_88 = arith.constant 0 : i32
        %dma_start3A_89 = tpu.memref_slice %arg19[%add3A_85, %dma_start3A_88] : memref<10240x128xf32, #tpu.memory_space<vmem_shared>> -> memref<32x128xf32, #tpu.memory_space<vmem_shared>>
        tpu.enqueue_dma source(%arg15 : memref<32x128xf32, #tpu.memory_space<vmem>>) target(%dma_start3A_89 : memref<32x128xf32, #tpu.memory_space<vmem_shared>>) target_semaphore(%run_scoped3A : memref<!tpu.dma_semaphore, #tpu.memory_space<semaphore_mem>>)
        %dma_wait3A_90 = arith.constant 0 : i32
        %dma_wait3A_91 = tpu.memref_slice %arg19[%add3A_85, %dma_wait3A_90] : memref<10240x128xf32, #tpu.memory_space<vmem_shared>> -> memref<32x128xf32, #tpu.memory_space<vmem_shared>>
        %dma_wait3A_92 = arith.constant 0 : i32
        %dma_wait3A_93 = tpu.memref_slice %arg19[%add3A_85, %dma_wait3A_92] : memref<10240x128xf32, #tpu.memory_space<vmem_shared>> -> memref<32x128xf32, #tpu.memory_space<vmem_shared>>
        tpu.wait_dma2 semaphore(%run_scoped3A : memref<!tpu.dma_semaphore, #tpu.memory_space<semaphore_mem>>) src(%arg15 : memref<32x128xf32, #tpu.memory_space<vmem>>) dst(%dma_wait3A_93 : memref<32x128xf32, #tpu.memory_space<vmem_shared>>)
        tpu.yield
      }) : () -> ()
    }
    %scan3A_23 = arith.constant 20 : i32
    %broadcast_in_dim3A_24 = arith.constant 1.000000e+00 : f32
    %broadcast_in_dim3A_25 = vector.broadcast %broadcast_in_dim3A_24 : f32 to vector<16xf32>
    %scan3A_26 = arith.constant 0 : i32
    %scan3A_27 = arith.constant 0 : i32
    %scan3A_28 = arith.constant 2 : i32
    %scan3A_29 = arith.addi %scan3A_27, %scan3A_28 : i32
    %scan3A_30 = arith.constant 1 : i32
    scf.for %scan3A_82 = %scan3A_27 to %scan3A_29 step %scan3A_30  : i32 {
      %mul3A_83 = arith.constant 16 : i32
      %mul3A_84 = arith.muli %scan3A_82, %mul3A_83 : i32
      %swap3A = arith.index_cast %mul3A_84 : i32 to index
      %swap3A_85 = tpu.vector_load %arg16[%swap3A] {strides = array<i32>} : memref<32xf32, #tpu.memory_space<vmem>>, vector<16xf32>,
      %swap3A_86 = vector.shape_cast %swap3A_85 : vector<16xf32> to vector<16xf32>
      %swap3A_87 = vector.shape_cast %broadcast_in_dim3A_25 : vector<16xf32> to vector<16xf32>
      tpu.vector_store %arg16[%swap3A], %swap3A_87 {strides = array<i32>} : memref<32xf32, #tpu.memory_space<vmem>>, vector<16xf32>,
    }
    %scan3A_31 = arith.constant 2 : i32
    %scan3A_32 = arith.constant 0 : i32
    %scan3A_33 = arith.constant 0 : i32
    %scan3A_34 = arith.constant 40 : i32
    %scan3A_35 = arith.addi %scan3A_33, %scan3A_34 : i32
    %scan3A_36 = arith.constant 1 : i32
    scf.for %scan3A_82 = %scan3A_33 to %scan3A_35 step %scan3A_36  : i32 {
      %mul3A_83 = arith.constant 16 : i32
      %mul3A_84 = arith.muli %scan3A_82, %mul3A_83 : i32
      %swap3A = arith.index_cast %mul3A_84 : i32 to index
      %swap3A_85 = tpu.vector_load %arg17[%swap3A] {strides = array<i32>} : memref<640xf32, #tpu.memory_space<vmem>>, vector<16xf32>,
      %swap3A_86 = vector.shape_cast %swap3A_85 : vector<16xf32> to vector<16xf32>
      %swap3A_87 = vector.shape_cast %broadcast_in_dim3A_12 : vector<16xf32> to vector<16xf32>
      tpu.vector_store %arg17[%swap3A], %swap3A_87 {strides = array<i32>} : memref<640xf32, #tpu.memory_space<vmem>>, vector<16xf32>,
    }
    %scan3A_37 = arith.constant 40 : i32
    "tpu.region"() ({
      %run_scoped3A = tpu.sem_alloc : memref<!tpu.dma_semaphore, #tpu.memory_space<semaphore_mem>>
      %dma_start3A_82 = tpu.memref_slice %arg18[%mul3A_0] : memref<10240xf32, #tpu.memory_space<vmem_shared>> -> memref<640xf32, #tpu.memory_space<vmem_shared>>
      %dma_start3A_83 = tpu.memref_slice %arg18[%mul3A_0] : memref<10240xf32, #tpu.memory_space<vmem_shared>> -> memref<640xf32, #tpu.memory_space<vmem_shared>>
      tpu.enqueue_dma source(%arg17 : memref<640xf32, #tpu.memory_space<vmem>>) target(%dma_start3A_83 : memref<640xf32, #tpu.memory_space<vmem_shared>>) target_semaphore(%run_scoped3A : memref<!tpu.dma_semaphore, #tpu.memory_space<semaphore_mem>>)
      %dma_wait3A_84 = tpu.memref_slice %arg18[%mul3A_0] : memref<10240xf32, #tpu.memory_space<vmem_shared>> -> memref<640xf32, #tpu.memory_space<vmem_shared>>
      %dma_wait3A_85 = tpu.memref_slice %arg18[%mul3A_0] : memref<10240xf32, #tpu.memory_space<vmem_shared>> -> memref<640xf32, #tpu.memory_space<vmem_shared>>
      tpu.wait_dma2 semaphore(%run_scoped3A : memref<!tpu.dma_semaphore, #tpu.memory_space<semaphore_mem>>) src(%arg17 : memref<640xf32, #tpu.memory_space<vmem>>) dst(%dma_wait3A_85 : memref<640xf32, #tpu.memory_space<vmem_shared>>)
      tpu.yield
    }) : () -> ()
    %barrier3A = arith.constant 0 : index
    tpu.barrier barrier_id(%barrier3A)
    %dma_start3A = arith.constant 0 : i32
    %dma_start3A_38 = tpu.memref_slice %arg8[%dma_start3A] : memref<13312xi32, #tpu.memory_space<vmem>> -> memref<32xi32, #tpu.memory_space<vmem>>
    %dma_start3A_39 = arith.constant 0 : i32
    %dma_start3A_40 = arith.constant 0 : i32
    %dma_start3A_41 = tpu.memref_slice %arg2[%dma_start3A_39, %dma_start3A_40] : memref<10000x128xf32, #tpu.memory_space<hbm>> -> memref<10000x128xf32, #tpu.memory_space<hbm>>
    tpu.enqueue_indirect_dma source(%dma_start3A_41 : memref<10000x128xf32, #tpu.memory_space<hbm>>) target(%arg11 : memref<32x128xf32, #tpu.memory_space<vmem>>) offsets(%dma_start3A_38 : memref<32xi32, #tpu.memory_space<vmem>>) semaphore(%arg20 : memref<!tpu.dma_semaphore, #tpu.memory_space<semaphore_mem>>)
    %add3A_42 = arith.constant 0 : i32
    %add3A_43 = arith.addi %mul3A_4, %add3A_42 : i32
    %mul3A_44 = arith.constant 32 : i32
    %mul3A_45 = arith.muli %add3A_43, %mul3A_44 : i32
    %dma_start3A_46 = arith.constant 0 : i32
    %dma_start3A_47 = tpu.memref_slice %arg3[%mul3A_45, %dma_start3A_46] : memref<425984x128xf32, #tpu.memory_space<hbm>> -> memref<32x128xf32, #tpu.memory_space<hbm>>
    %dma_start3A_48 = arith.constant 0 : i32
    %dma_start3A_49 = tpu.memref_slice %arg3[%mul3A_45, %dma_start3A_48] : memref<425984x128xf32, #tpu.memory_space<hbm>> -> memref<32x128xf32, #tpu.memory_space<hbm>>
    tpu.enqueue_dma source(%dma_start3A_49 : memref<32x128xf32, #tpu.memory_space<hbm>>) target(%arg13 : memref<32x128xf32, #tpu.memory_space<vmem>>) target_semaphore(%arg20 : memref<!tpu.dma_semaphore, #tpu.memory_space<semaphore_mem>>)
    %dma_start3A_50 = arith.constant 32 : i32
    %dma_start3A_51 = tpu.memref_slice %arg8[%dma_start3A_50] : memref<13312xi32, #tpu.memory_space<vmem>> -> memref<32xi32, #tpu.memory_space<vmem>>
    %dma_start3A_52 = arith.constant 0 : i32
    %dma_start3A_53 = arith.constant 0 : i32
    %dma_start3A_54 = tpu.memref_slice %arg2[%dma_start3A_52, %dma_start3A_53] : memref<10000x128xf32, #tpu.memory_space<hbm>> -> memref<10000x128xf32, #tpu.memory_space<hbm>>
    tpu.enqueue_indirect_dma source(%dma_start3A_54 : memref<10000x128xf32, #tpu.memory_space<hbm>>) target(%arg12 : memref<32x128xf32, #tpu.memory_space<vmem>>) offsets(%dma_start3A_51 : memref<32xi32, #tpu.memory_space<vmem>>) semaphore(%arg21 : memref<!tpu.dma_semaphore, #tpu.memory_space<semaphore_mem>>)
    %add3A_55 = arith.constant 1 : i32
    %add3A_56 = arith.addi %mul3A_4, %add3A_55 : i32
    %mul3A_57 = arith.constant 32 : i32
    %mul3A_58 = arith.muli %add3A_56, %mul3A_57 : i32
    %dma_start3A_59 = arith.constant 0 : i32
    %dma_start3A_60 = tpu.memref_slice %arg3[%mul3A_58, %dma_start3A_59] : memref<425984x128xf32, #tpu.memory_space<hbm>> -> memref<32x128xf32, #tpu.memory_space<hbm>>
    %dma_start3A_61 = arith.constant 0 : i32
    %dma_start3A_62 = tpu.memref_slice %arg3[%mul3A_58, %dma_start3A_61] : memref<425984x128xf32, #tpu.memory_space<hbm>> -> memref<32x128xf32, #tpu.memory_space<hbm>>
    tpu.enqueue_dma source(%dma_start3A_62 : memref<32x128xf32, #tpu.memory_space<hbm>>) target(%arg14 : memref<32x128xf32, #tpu.memory_space<vmem>>) target_semaphore(%arg21 : memref<!tpu.dma_semaphore, #tpu.memory_space<semaphore_mem>>)
    %scan3A_63 = arith.constant 0 : i32
    %scan3A_64 = arith.constant 0 : i32
    %scan3A_65 = arith.constant 208 : i32
    %scan3A_66 = arith.addi %scan3A_64, %scan3A_65 : i32
    %scan3A_67 = arith.constant 1 : i32
    scf.for %scan3A_82 = %scan3A_64 to %scan3A_66 step %scan3A_67  : i32 {
      %mul3A_83 = arith.constant 2 : i32
      %mul3A_84 = arith.muli %mul3A_83, %scan3A_82 : i32
      %add3A_85 = arith.constant 0 : i32
      %add3A_86 = arith.addi %mul3A_84, %add3A_85 : i32
      %lt3A = arith.cmpi slt, %add3A_86, %sub3A_7 : i32
      %convert_element_type3A = arith.extui %lt3A : i1 to i32
      %cond3A = arith.constant 0 : i32
      %cond3A_87 = arith.cmpi ne, %convert_element_type3A, %cond3A : i32
      scf.if %cond3A_87 {
        %mul3A_96 = arith.constant 32 : i32
        %mul3A_97 = arith.muli %add3A_86, %mul3A_96 : i32
        %dma_wait3A_98 = tpu.memref_slice %arg8[%mul3A_97] : memref<13312xi32, #tpu.memory_space<vmem>> -> memref<32xi32, #tpu.memory_space<vmem>>
        %dma_wait3A_99 = arith.constant 0 : i32
        %dma_wait3A_100 = arith.constant 0 : i32
        %dma_wait3A_101 = tpu.memref_slice %arg2[%dma_wait3A_99, %dma_wait3A_100] : memref<10000x128xf32, #tpu.memory_space<hbm>> -> memref<10000x128xf32, #tpu.memory_space<hbm>>
        tpu.wait_indirect_dma semaphore(%arg20 : memref<!tpu.dma_semaphore, #tpu.memory_space<semaphore_mem>>) src(%dma_wait3A_101 : memref<10000x128xf32, #tpu.memory_space<hbm>>) dst(%arg11 : memref<32x128xf32, #tpu.memory_space<vmem>>)
        %add3A_102 = arith.addi %mul3A_4, %add3A_86 : i32
        %mul3A_103 = arith.constant 32 : i32
        %mul3A_104 = arith.muli %add3A_102, %mul3A_103 : i32
        %dma_wait3A_105 = arith.constant 0 : i32
        %dma_wait3A_106 = tpu.memref_slice %arg3[%mul3A_104, %dma_wait3A_105] : memref<425984x128xf32, #tpu.memory_space<hbm>> -> memref<32x128xf32, #tpu.memory_space<hbm>>
        %dma_wait3A_107 = arith.constant 0 : i32
        %dma_wait3A_108 = tpu.memref_slice %arg3[%mul3A_104, %dma_wait3A_107] : memref<425984x128xf32, #tpu.memory_space<hbm>> -> memref<32x128xf32, #tpu.memory_space<hbm>>
        tpu.wait_dma2 semaphore(%arg20 : memref<!tpu.dma_semaphore, #tpu.memory_space<semaphore_mem>>) src(%dma_wait3A_108 : memref<32x128xf32, #tpu.memory_space<hbm>>) dst(%arg13 : memref<32x128xf32, #tpu.memory_space<vmem>>)
        %gt3A = arith.constant 0 : i32
        %gt3A_109 = arith.cmpi sgt, %scan3A_82, %gt3A : i32
        %convert_element_type3A_110 = arith.extui %gt3A_109 : i1 to i32
        %cond3A_111 = arith.constant 0 : i32
        %cond3A_112 = arith.cmpi ne, %convert_element_type3A_110, %cond3A_111 : i32
        scf.if %cond3A_112 {
          %dma_wait3A_156 = arith.constant 1 : i32
          %dma_wait3A_157 = arith.constant 0 : i32
          %dma_wait3A_158 = tpu.memref_slice %arg10[%dma_wait3A_156, %dma_wait3A_157] : memref<2x32xi32, #tpu.memory_space<vmem>> -> memref<1x32xi32, #tpu.memory_space<vmem>>
          %dma_wait3A_159 = tpu.memref_squeeze %dma_wait3A_158 : memref<1x32xi32, #tpu.memory_space<vmem>> -> memref<32xi32, #tpu.memory_space<vmem>>
          %dma_wait3A_160 = arith.constant 0 : i32
          %dma_wait3A_161 = arith.constant 0 : i32
          %dma_wait3A_162 = tpu.memref_slice %arg19[%dma_wait3A_160, %dma_wait3A_161] : memref<10240x128xf32, #tpu.memory_space<vmem_shared>> -> memref<10240x128xf32, #tpu.memory_space<vmem_shared>>
          tpu.wait_indirect_dma semaphore(%arg22 : memref<!tpu.dma_semaphore, #tpu.memory_space<semaphore_mem>>) src(%arg15 : memref<32x128xf32, #tpu.memory_space<vmem>>) dst(%dma_wait3A_162 : memref<10240x128xf32, #tpu.memory_space<vmem_shared>>)
        } else {
        }
        %mul3A_113 = arith.constant 32 : i32
        %mul3A_114 = arith.muli %add3A_86, %mul3A_113 : i32
        %add3A_115 = arith.constant 0 : i32
        %add3A_116 = arith.addi %mul3A_114, %add3A_115 : i32
        %get3A = arith.index_cast %add3A_116 : i32 to index
        %get3A_117 = tpu.vector_load %arg9[%get3A] {strides = array<i32>} : memref<13312xi32, #tpu.memory_space<vmem>>, vector<16xi32>,
        %get3A_118 = vector.shape_cast %get3A_117 : vector<16xi32> to vector<16xi32>
        %swap3A = arith.constant 0 : i32
        %swap3A_119 = arith.index_cast %swap3A : i32 to index
        %swap3A_120 = arith.constant 0 : index
        %swap3A_121 = tpu.vector_load %arg10[%swap3A_119, %swap3A_120] {strides = array<i32>} : memref<2x32xi32, #tpu.memory_space<vmem>>, vector<1x16xi32>,
        %swap3A_122 = vector.shape_cast %swap3A_121 : vector<1x16xi32> to vector<16xi32>
        %swap3A_123 = vector.shape_cast %get3A_118 : vector<16xi32> to vector<1x16xi32>
        tpu.vector_store %arg10[%swap3A_119, %swap3A_120], %swap3A_123 {strides = array<i32>} : memref<2x32xi32, #tpu.memory_space<vmem>>, vector<1x16xi32>,
        %mul3A_124 = arith.constant 32 : i32
        %mul3A_125 = arith.muli %add3A_86, %mul3A_124 : i32
        %add3A_126 = arith.constant 16 : i32
        %add3A_127 = arith.addi %mul3A_125, %add3A_126 : i32
        %get3A_128 = arith.index_cast %add3A_127 : i32 to index
        %get3A_129 = tpu.vector_load %arg9[%get3A_128] {strides = array<i32>} : memref<13312xi32, #tpu.memory_space<vmem>>, vector<16xi32>,
        %get3A_130 = vector.shape_cast %get3A_129 : vector<16xi32> to vector<16xi32>
        %swap3A_131 = arith.constant 0 : i32
        %swap3A_132 = arith.index_cast %swap3A_131 : i32 to index
        %swap3A_133 = arith.constant 16 : index
        %swap3A_134 = tpu.vector_load %arg10[%swap3A_132, %swap3A_133] {strides = array<i32>} : memref<2x32xi32, #tpu.memory_space<vmem>>, vector<1x16xi32>,
        %swap3A_135 = vector.shape_cast %swap3A_134 : vector<1x16xi32> to vector<16xi32>
        %swap3A_136 = vector.shape_cast %get3A_130 : vector<16xi32> to vector<1x16xi32>
        tpu.vector_store %arg10[%swap3A_132, %swap3A_133], %swap3A_136 {strides = array<i32>} : memref<2x32xi32, #tpu.memory_space<vmem>>, vector<1x16xi32>,
        %scan3A_137 = arith.constant 0 : i32
        %scan3A_138 = arith.constant 0 : i32
        %scan3A_139 = arith.constant 32 : i32
        %scan3A_140 = arith.addi %scan3A_138, %scan3A_139 : i32
        %scan3A_141 = arith.constant 1 : i32
        scf.for %scan3A_156 = %scan3A_138 to %scan3A_140 step %scan3A_141  : i32 {
          %get3A_157 = arith.index_cast %scan3A_156 : i32 to index
          %get3A_158 = arith.constant 0 : index
          %get3A_159 = tpu.vector_load %arg13[%get3A_157, %get3A_158] {strides = array<i32>} : memref<32x128xf32, #tpu.memory_space<vmem>>, vector<1x16xf32>,
          %get3A_160 = vector.shape_cast %get3A_159 : vector<1x16xf32> to vector<16xf32>
          %get3A_161 = arith.index_cast %scan3A_156 : i32 to index
          %get3A_162 = arith.constant 0 : index
          %get3A_163 = tpu.vector_load %arg11[%get3A_161, %get3A_162] {strides = array<i32>} : memref<32x128xf32, #tpu.memory_space<vmem>>, vector<1x16xf32>,
          %get3A_164 = vector.shape_cast %get3A_163 : vector<1x16xf32> to vector<16xf32>
          %mul3A_165 = arith.mulf %get3A_160, %get3A_164 : vector<16xf32>
          %swap3A_166 = arith.index_cast %scan3A_156 : i32 to index
          %swap3A_167 = arith.constant 0 : index
          %swap3A_168 = tpu.vector_load %arg15[%swap3A_166, %swap3A_167] {strides = array<i32>} : memref<32x128xf32, #tpu.memory_space<vmem>>, vector<1x16xf32>,
          %swap3A_169 = vector.shape_cast %swap3A_168 : vector<1x16xf32> to vector<16xf32>
          %swap3A_170 = vector.shape_cast %mul3A_165 : vector<16xf32> to vector<1x16xf32>
          tpu.vector_store %arg15[%swap3A_166, %swap3A_167], %swap3A_170 {strides = array<i32>} : memref<32x128xf32, #tpu.memory_space<vmem>>, vector<1x16xf32>,
          %get3A_171 = arith.index_cast %scan3A_156 : i32 to index
          %get3A_172 = arith.constant 16 : index
          %get3A_173 = tpu.vector_load %arg13[%get3A_171, %get3A_172] {strides = array<i32>} : memref<32x128xf32, #tpu.memory_space<vmem>>, vector<1x16xf32>,
          %get3A_174 = vector.shape_cast %get3A_173 : vector<1x16xf32> to vector<16xf32>
          %get3A_175 = arith.index_cast %scan3A_156 : i32 to index
          %get3A_176 = arith.constant 16 : index
          %get3A_177 = tpu.vector_load %arg11[%get3A_175, %get3A_176] {strides = array<i32>} : memref<32x128xf32, #tpu.memory_space<vmem>>, vector<1x16xf32>,
          %get3A_178 = vector.shape_cast %get3A_177 : vector<1x16xf32> to vector<16xf32>
          %mul3A_179 = arith.mulf %get3A_174, %get3A_178 : vector<16xf32>
          %swap3A_180 = arith.index_cast %scan3A_156 : i32 to index
          %swap3A_181 = arith.constant 16 : index
          %swap3A_182 = tpu.vector_load %arg15[%swap3A_180, %swap3A_181] {strides = array<i32>} : memref<32x128xf32, #tpu.memory_space<vmem>>, vector<1x16xf32>,
          %swap3A_183 = vector.shape_cast %swap3A_182 : vector<1x16xf32> to vector<16xf32>
          %swap3A_184 = vector.shape_cast %mul3A_179 : vector<16xf32> to vector<1x16xf32>
          tpu.vector_store %arg15[%swap3A_180, %swap3A_181], %swap3A_184 {strides = array<i32>} : memref<32x128xf32, #tpu.memory_space<vmem>>, vector<1x16xf32>,
          %get3A_185 = arith.index_cast %scan3A_156 : i32 to index
          %get3A_186 = arith.constant 32 : index
          %get3A_187 = tpu.vector_load %arg13[%get3A_185, %get3A_186] {strides = array<i32>} : memref<32x128xf32, #tpu.memory_space<vmem>>, vector<1x16xf32>,
          %get3A_188 = vector.shape_cast %get3A_187 : vector<1x16xf32> to vector<16xf32>
          %get3A_189 = arith.index_cast %scan3A_156 : i32 to index
          %get3A_190 = arith.constant 32 : index
          %get3A_191 = tpu.vector_load %arg11[%get3A_189, %get3A_190] {strides = array<i32>} : memref<32x128xf32, #tpu.memory_space<vmem>>, vector<1x16xf32>,
          %get3A_192 = vector.shape_cast %get3A_191 : vector<1x16xf32> to vector<16xf32>
          %mul3A_193 = arith.mulf %get3A_188, %get3A_192 : vector<16xf32>
          %swap3A_194 = arith.index_cast %scan3A_156 : i32 to index
          %swap3A_195 = arith.constant 32 : index
          %swap3A_196 = tpu.vector_load %arg15[%swap3A_194, %swap3A_195] {strides = array<i32>} : memref<32x128xf32, #tpu.memory_space<vmem>>, vector<1x16xf32>,
          %swap3A_197 = vector.shape_cast %swap3A_196 : vector<1x16xf32> to vector<16xf32>
          %swap3A_198 = vector.shape_cast %mul3A_193 : vector<16xf32> to vector<1x16xf32>
          tpu.vector_store %arg15[%swap3A_194, %swap3A_195], %swap3A_198 {strides = array<i32>} : memref<32x128xf32, #tpu.memory_space<vmem>>, vector<1x16xf32>,
          %get3A_199 = arith.index_cast %scan3A_156 : i32 to index
          %get3A_200 = arith.constant 48 : index
          %get3A_201 = tpu.vector_load %arg13[%get3A_199, %get3A_200] {strides = array<i32>} : memref<32x128xf32, #tpu.memory_space<vmem>>, vector<1x16xf32>,
          %get3A_202 = vector.shape_cast %get3A_201 : vector<1x16xf32> to vector<16xf32>
          %get3A_203 = arith.index_cast %scan3A_156 : i32 to index
          %get3A_204 = arith.constant 48 : index
          %get3A_205 = tpu.vector_load %arg11[%get3A_203, %get3A_204] {strides = array<i32>} : memref<32x128xf32, #tpu.memory_space<vmem>>, vector<1x16xf32>,
          %get3A_206 = vector.shape_cast %get3A_205 : vector<1x16xf32> to vector<16xf32>
          %mul3A_207 = arith.mulf %get3A_202, %get3A_206 : vector<16xf32>
          %swap3A_208 = arith.index_cast %scan3A_156 : i32 to index
          %swap3A_209 = arith.constant 48 : index
          %swap3A_210 = tpu.vector_load %arg15[%swap3A_208, %swap3A_209] {strides = array<i32>} : memref<32x128xf32, #tpu.memory_space<vmem>>, vector<1x16xf32>,
          %swap3A_211 = vector.shape_cast %swap3A_210 : vector<1x16xf32> to vector<16xf32>
          %swap3A_212 = vector.shape_cast %mul3A_207 : vector<16xf32> to vector<1x16xf32>
          tpu.vector_store %arg15[%swap3A_208, %swap3A_209], %swap3A_212 {strides = array<i32>} : memref<32x128xf32, #tpu.memory_space<vmem>>, vector<1x16xf32>,
          %get3A_213 = arith.index_cast %scan3A_156 : i32 to index
          %get3A_214 = arith.constant 64 : index
          %get3A_215 = tpu.vector_load %arg13[%get3A_213, %get3A_214] {strides = array<i32>} : memref<32x128xf32, #tpu.memory_space<vmem>>, vector<1x16xf32>,
          %get3A_216 = vector.shape_cast %get3A_215 : vector<1x16xf32> to vector<16xf32>
          %get3A_217 = arith.index_cast %scan3A_156 : i32 to index
          %get3A_218 = arith.constant 64 : index
          %get3A_219 = tpu.vector_load %arg11[%get3A_217, %get3A_218] {strides = array<i32>} : memref<32x128xf32, #tpu.memory_space<vmem>>, vector<1x16xf32>,
          %get3A_220 = vector.shape_cast %get3A_219 : vector<1x16xf32> to vector<16xf32>
          %mul3A_221 = arith.mulf %get3A_216, %get3A_220 : vector<16xf32>
          %swap3A_222 = arith.index_cast %scan3A_156 : i32 to index
          %swap3A_223 = arith.constant 64 : index
          %swap3A_224 = tpu.vector_load %arg15[%swap3A_222, %swap3A_223] {strides = array<i32>} : memref<32x128xf32, #tpu.memory_space<vmem>>, vector<1x16xf32>,
          %swap3A_225 = vector.shape_cast %swap3A_224 : vector<1x16xf32> to vector<16xf32>
          %swap3A_226 = vector.shape_cast %mul3A_221 : vector<16xf32> to vector<1x16xf32>
          tpu.vector_store %arg15[%swap3A_222, %swap3A_223], %swap3A_226 {strides = array<i32>} : memref<32x128xf32, #tpu.memory_space<vmem>>, vector<1x16xf32>,
          %get3A_227 = arith.index_cast %scan3A_156 : i32 to index
          %get3A_228 = arith.constant 80 : index
          %get3A_229 = tpu.vector_load %arg13[%get3A_227, %get3A_228] {strides = array<i32>} : memref<32x128xf32, #tpu.memory_space<vmem>>, vector<1x16xf32>,
          %get3A_230 = vector.shape_cast %get3A_229 : vector<1x16xf32> to vector<16xf32>
          %get3A_231 = arith.index_cast %scan3A_156 : i32 to index
          %get3A_232 = arith.constant 80 : index
          %get3A_233 = tpu.vector_load %arg11[%get3A_231, %get3A_232] {strides = array<i32>} : memref<32x128xf32, #tpu.memory_space<vmem>>, vector<1x16xf32>,
          %get3A_234 = vector.shape_cast %get3A_233 : vector<1x16xf32> to vector<16xf32>
          %mul3A_235 = arith.mulf %get3A_230, %get3A_234 : vector<16xf32>
          %swap3A_236 = arith.index_cast %scan3A_156 : i32 to index
          %swap3A_237 = arith.constant 80 : index
          %swap3A_238 = tpu.vector_load %arg15[%swap3A_236, %swap3A_237] {strides = array<i32>} : memref<32x128xf32, #tpu.memory_space<vmem>>, vector<1x16xf32>,
          %swap3A_239 = vector.shape_cast %swap3A_238 : vector<1x16xf32> to vector<16xf32>
          %swap3A_240 = vector.shape_cast %mul3A_235 : vector<16xf32> to vector<1x16xf32>
          tpu.vector_store %arg15[%swap3A_236, %swap3A_237], %swap3A_240 {strides = array<i32>} : memref<32x128xf32, #tpu.memory_space<vmem>>, vector<1x16xf32>,
          %get3A_241 = arith.index_cast %scan3A_156 : i32 to index
          %get3A_242 = arith.constant 96 : index
          %get3A_243 = tpu.vector_load %arg13[%get3A_241, %get3A_242] {strides = array<i32>} : memref<32x128xf32, #tpu.memory_space<vmem>>, vector<1x16xf32>,
          %get3A_244 = vector.shape_cast %get3A_243 : vector<1x16xf32> to vector<16xf32>
          %get3A_245 = arith.index_cast %scan3A_156 : i32 to index
          %get3A_246 = arith.constant 96 : index
          %get3A_247 = tpu.vector_load %arg11[%get3A_245, %get3A_246] {strides = array<i32>} : memref<32x128xf32, #tpu.memory_space<vmem>>, vector<1x16xf32>,
          %get3A_248 = vector.shape_cast %get3A_247 : vector<1x16xf32> to vector<16xf32>
          %mul3A_249 = arith.mulf %get3A_244, %get3A_248 : vector<16xf32>
          %swap3A_250 = arith.index_cast %scan3A_156 : i32 to index
          %swap3A_251 = arith.constant 96 : index
          %swap3A_252 = tpu.vector_load %arg15[%swap3A_250, %swap3A_251] {strides = array<i32>} : memref<32x128xf32, #tpu.memory_space<vmem>>, vector<1x16xf32>,
          %swap3A_253 = vector.shape_cast %swap3A_252 : vector<1x16xf32> to vector<16xf32>
          %swap3A_254 = vector.shape_cast %mul3A_249 : vector<16xf32> to vector<1x16xf32>
          tpu.vector_store %arg15[%swap3A_250, %swap3A_251], %swap3A_254 {strides = array<i32>} : memref<32x128xf32, #tpu.memory_space<vmem>>, vector<1x16xf32>,
          %get3A_255 = arith.index_cast %scan3A_156 : i32 to index
          %get3A_256 = arith.constant 112 : index
          %get3A_257 = tpu.vector_load %arg13[%get3A_255, %get3A_256] {strides = array<i32>} : memref<32x128xf32, #tpu.memory_space<vmem>>, vector<1x16xf32>,
          %get3A_258 = vector.shape_cast %get3A_257 : vector<1x16xf32> to vector<16xf32>
          %get3A_259 = arith.index_cast %scan3A_156 : i32 to index
          %get3A_260 = arith.constant 112 : index
          %get3A_261 = tpu.vector_load %arg11[%get3A_259, %get3A_260] {strides = array<i32>} : memref<32x128xf32, #tpu.memory_space<vmem>>, vector<1x16xf32>,
          %get3A_262 = vector.shape_cast %get3A_261 : vector<1x16xf32> to vector<16xf32>
          %mul3A_263 = arith.mulf %get3A_258, %get3A_262 : vector<16xf32>
          %swap3A_264 = arith.index_cast %scan3A_156 : i32 to index
          %swap3A_265 = arith.constant 112 : index
          %swap3A_266 = tpu.vector_load %arg15[%swap3A_264, %swap3A_265] {strides = array<i32>} : memref<32x128xf32, #tpu.memory_space<vmem>>, vector<1x16xf32>,
          %swap3A_267 = vector.shape_cast %swap3A_266 : vector<1x16xf32> to vector<16xf32>
          %swap3A_268 = vector.shape_cast %mul3A_263 : vector<16xf32> to vector<1x16xf32>
          tpu.vector_store %arg15[%swap3A_264, %swap3A_265], %swap3A_268 {strides = array<i32>} : memref<32x128xf32, #tpu.memory_space<vmem>>, vector<1x16xf32>,
        }
        %scan3A_142 = arith.constant 32 : i32
        %dma_start3A_143 = arith.constant 0 : i32
        %dma_start3A_144 = arith.constant 0 : i32
        %dma_start3A_145 = tpu.memref_slice %arg10[%dma_start3A_143, %dma_start3A_144] : memref<2x32xi32, #tpu.memory_space<vmem>> -> memref<1x32xi32, #tpu.memory_space<vmem>>
        %dma_start3A_146 = tpu.memref_squeeze %dma_start3A_145 : memref<1x32xi32, #tpu.memory_space<vmem>> -> memref<32xi32, #tpu.memory_space<vmem>>
        %dma_start3A_147 = arith.constant 0 : i32
        %dma_start3A_148 = arith.constant 0 : i32
        %dma_start3A_149 = tpu.memref_slice %arg19[%dma_start3A_147, %dma_start3A_148] : memref<10240x128xf32, #tpu.memory_space<vmem_shared>> -> memref<10240x128xf32, #tpu.memory_space<vmem_shared>>
        tpu.enqueue_indirect_dma source(%arg15 : memref<32x128xf32, #tpu.memory_space<vmem>>) target(%dma_start3A_149 : memref<10240x128xf32, #tpu.memory_space<vmem_shared>>) offsets(%dma_start3A_146 : memref<32xi32, #tpu.memory_space<vmem>>) semaphore(%arg22 : memref<!tpu.dma_semaphore, #tpu.memory_space<semaphore_mem>>) {add = true}
        %run_scoped3A = arith.constant 0 : i32
        "tpu.region"() ({
          %run_scoped3A_156 = tpu.sem_alloc : memref<!tpu.dma_semaphore, #tpu.memory_space<semaphore_mem>>
          %dma_start3A_157 = arith.constant 0 : i32
          %dma_start3A_158 = tpu.memref_slice %arg10[%run_scoped3A, %dma_start3A_157] : memref<2x32xi32, #tpu.memory_space<vmem>> -> memref<1x32xi32, #tpu.memory_space<vmem>>
          %dma_start3A_159 = tpu.memref_squeeze %dma_start3A_158 : memref<1x32xi32, #tpu.memory_space<vmem>> -> memref<32xi32, #tpu.memory_space<vmem>>
          %dma_start3A_160 = arith.constant 0 : i32
          %dma_start3A_161 = tpu.memref_slice %arg18[%dma_start3A_160] : memref<10240xf32, #tpu.memory_space<vmem_shared>> -> memref<10240xf32, #tpu.memory_space<vmem_shared>>
          tpu.enqueue_indirect_dma source(%arg16 : memref<32xf32, #tpu.memory_space<vmem>>) target(%dma_start3A_161 : memref<10240xf32, #tpu.memory_space<vmem_shared>>) offsets(%dma_start3A_159 : memref<32xi32, #tpu.memory_space<vmem>>) semaphore(%run_scoped3A_156 : memref<!tpu.dma_semaphore, #tpu.memory_space<semaphore_mem>>) {add = true}
          %dma_wait3A_162 = arith.constant 0 : i32
          %dma_wait3A_163 = tpu.memref_slice %arg10[%run_scoped3A, %dma_wait3A_162] : memref<2x32xi32, #tpu.memory_space<vmem>> -> memref<1x32xi32, #tpu.memory_space<vmem>>
          %dma_wait3A_164 = tpu.memref_squeeze %dma_wait3A_163 : memref<1x32xi32, #tpu.memory_space<vmem>> -> memref<32xi32, #tpu.memory_space<vmem>>
          %dma_wait3A_165 = arith.constant 0 : i32
          %dma_wait3A_166 = tpu.memref_slice %arg18[%dma_wait3A_165] : memref<10240xf32, #tpu.memory_space<vmem_shared>> -> memref<10240xf32, #tpu.memory_space<vmem_shared>>
          tpu.wait_indirect_dma semaphore(%run_scoped3A_156 : memref<!tpu.dma_semaphore, #tpu.memory_space<semaphore_mem>>) src(%arg16 : memref<32xf32, #tpu.memory_space<vmem>>) dst(%dma_wait3A_166 : memref<10240xf32, #tpu.memory_space<vmem_shared>>)
          tpu.yield
        }) : () -> ()
        %add3A_150 = arith.constant 2 : i32
        %add3A_151 = arith.addi %add3A_86, %add3A_150 : i32
        %lt3A_152 = arith.cmpi slt, %add3A_151, %sub3A_7 : i32
        %convert_element_type3A_153 = arith.extui %lt3A_152 : i1 to i32
        %cond3A_154 = arith.constant 0 : i32
        %cond3A_155 = arith.cmpi ne, %convert_element_type3A_153, %cond3A_154 : i32
        scf.if %cond3A_155 {
          %add3A_156 = arith.constant 2 : i32
          %add3A_157 = arith.addi %add3A_86, %add3A_156 : i32
          %mul3A_158 = arith.constant 32 : i32
          %mul3A_159 = arith.muli %add3A_157, %mul3A_158 : i32
          %dma_start3A_160 = tpu.memref_slice %arg8[%mul3A_159] : memref<13312xi32, #tpu.memory_space<vmem>> -> memref<32xi32, #tpu.memory_space<vmem>>
          %dma_start3A_161 = arith.constant 0 : i32
          %dma_start3A_162 = arith.constant 0 : i32
          %dma_start3A_163 = tpu.memref_slice %arg2[%dma_start3A_161, %dma_start3A_162] : memref<10000x128xf32, #tpu.memory_space<hbm>> -> memref<10000x128xf32, #tpu.memory_space<hbm>>
          tpu.enqueue_indirect_dma source(%dma_start3A_163 : memref<10000x128xf32, #tpu.memory_space<hbm>>) target(%arg11 : memref<32x128xf32, #tpu.memory_space<vmem>>) offsets(%dma_start3A_160 : memref<32xi32, #tpu.memory_space<vmem>>) semaphore(%arg20 : memref<!tpu.dma_semaphore, #tpu.memory_space<semaphore_mem>>)
          %add3A_164 = arith.addi %mul3A_4, %add3A_157 : i32
          %mul3A_165 = arith.constant 32 : i32
          %mul3A_166 = arith.muli %add3A_164, %mul3A_165 : i32
          %dma_start3A_167 = arith.constant 0 : i32
          %dma_start3A_168 = tpu.memref_slice %arg3[%mul3A_166, %dma_start3A_167] : memref<425984x128xf32, #tpu.memory_space<hbm>> -> memref<32x128xf32, #tpu.memory_space<hbm>>
          %dma_start3A_169 = arith.constant 0 : i32
          %dma_start3A_170 = tpu.memref_slice %arg3[%mul3A_166, %dma_start3A_169] : memref<425984x128xf32, #tpu.memory_space<hbm>> -> memref<32x128xf32, #tpu.memory_space<hbm>>
          tpu.enqueue_dma source(%dma_start3A_170 : memref<32x128xf32, #tpu.memory_space<hbm>>) target(%arg13 : memref<32x128xf32, #tpu.memory_space<vmem>>) target_semaphore(%arg20 : memref<!tpu.dma_semaphore, #tpu.memory_space<semaphore_mem>>)
        } else {
        }
      } else {
      }
      %mul3A_88 = arith.constant 2 : i32
      %mul3A_89 = arith.muli %mul3A_88, %scan3A_82 : i32
      %add3A_90 = arith.constant 1 : i32
      %add3A_91 = arith.addi %mul3A_89, %add3A_90 : i32
      %lt3A_92 = arith.cmpi slt, %add3A_91, %sub3A_7 : i32
      %convert_element_type3A_93 = arith.extui %lt3A_92 : i1 to i32
      %cond3A_94 = arith.constant 0 : i32
      %cond3A_95 = arith.cmpi ne, %convert_element_type3A_93, %cond3A_94 : i32
      scf.if %cond3A_95 {
        %mul3A_96 = arith.constant 32 : i32
        %mul3A_97 = arith.muli %add3A_91, %mul3A_96 : i32
        %dma_wait3A_98 = tpu.memref_slice %arg8[%mul3A_97] : memref<13312xi32, #tpu.memory_space<vmem>> -> memref<32xi32, #tpu.memory_space<vmem>>
        %dma_wait3A_99 = arith.constant 0 : i32
        %dma_wait3A_100 = arith.constant 0 : i32
        %dma_wait3A_101 = tpu.memref_slice %arg2[%dma_wait3A_99, %dma_wait3A_100] : memref<10000x128xf32, #tpu.memory_space<hbm>> -> memref<10000x128xf32, #tpu.memory_space<hbm>>
        tpu.wait_indirect_dma semaphore(%arg21 : memref<!tpu.dma_semaphore, #tpu.memory_space<semaphore_mem>>) src(%dma_wait3A_101 : memref<10000x128xf32, #tpu.memory_space<hbm>>) dst(%arg12 : memref<32x128xf32, #tpu.memory_space<vmem>>)
        %add3A_102 = arith.addi %mul3A_4, %add3A_91 : i32
        %mul3A_103 = arith.constant 32 : i32
        %mul3A_104 = arith.muli %add3A_102, %mul3A_103 : i32
        %dma_wait3A_105 = arith.constant 0 : i32
        %dma_wait3A_106 = tpu.memref_slice %arg3[%mul3A_104, %dma_wait3A_105] : memref<425984x128xf32, #tpu.memory_space<hbm>> -> memref<32x128xf32, #tpu.memory_space<hbm>>
        %dma_wait3A_107 = arith.constant 0 : i32
        %dma_wait3A_108 = tpu.memref_slice %arg3[%mul3A_104, %dma_wait3A_107] : memref<425984x128xf32, #tpu.memory_space<hbm>> -> memref<32x128xf32, #tpu.memory_space<hbm>>
        tpu.wait_dma2 semaphore(%arg21 : memref<!tpu.dma_semaphore, #tpu.memory_space<semaphore_mem>>) src(%dma_wait3A_108 : memref<32x128xf32, #tpu.memory_space<hbm>>) dst(%arg14 : memref<32x128xf32, #tpu.memory_space<vmem>>)
        %dma_wait3A_109 = arith.constant 0 : i32
        %dma_wait3A_110 = arith.constant 0 : i32
        %dma_wait3A_111 = tpu.memref_slice %arg10[%dma_wait3A_109, %dma_wait3A_110] : memref<2x32xi32, #tpu.memory_space<vmem>> -> memref<1x32xi32, #tpu.memory_space<vmem>>
        %dma_wait3A_112 = tpu.memref_squeeze %dma_wait3A_111 : memref<1x32xi32, #tpu.memory_space<vmem>> -> memref<32xi32, #tpu.memory_space<vmem>>
        %dma_wait3A_113 = arith.constant 0 : i32
        %dma_wait3A_114 = arith.constant 0 : i32
        %dma_wait3A_115 = tpu.memref_slice %arg19[%dma_wait3A_113, %dma_wait3A_114] : memref<10240x128xf32, #tpu.memory_space<vmem_shared>> -> memref<10240x128xf32, #tpu.memory_space<vmem_shared>>
        tpu.wait_indirect_dma semaphore(%arg22 : memref<!tpu.dma_semaphore, #tpu.memory_space<semaphore_mem>>) src(%arg15 : memref<32x128xf32, #tpu.memory_space<vmem>>) dst(%dma_wait3A_115 : memref<10240x128xf32, #tpu.memory_space<vmem_shared>>)
        %mul3A_116 = arith.constant 32 : i32
        %mul3A_117 = arith.muli %add3A_91, %mul3A_116 : i32
        %add3A_118 = arith.constant 0 : i32
        %add3A_119 = arith.addi %mul3A_117, %add3A_118 : i32
        %get3A = arith.index_cast %add3A_119 : i32 to index
        %get3A_120 = tpu.vector_load %arg9[%get3A] {strides = array<i32>} : memref<13312xi32, #tpu.memory_space<vmem>>, vector<16xi32>,
        %get3A_121 = vector.shape_cast %get3A_120 : vector<16xi32> to vector<16xi32>
        %swap3A = arith.constant 1 : i32
        %swap3A_122 = arith.index_cast %swap3A : i32 to index
        %swap3A_123 = arith.constant 0 : index
        %swap3A_124 = tpu.vector_load %arg10[%swap3A_122, %swap3A_123] {strides = array<i32>} : memref<2x32xi32, #tpu.memory_space<vmem>>, vector<1x16xi32>,
        %swap3A_125 = vector.shape_cast %swap3A_124 : vector<1x16xi32> to vector<16xi32>
        %swap3A_126 = vector.shape_cast %get3A_121 : vector<16xi32> to vector<1x16xi32>
        tpu.vector_store %arg10[%swap3A_122, %swap3A_123], %swap3A_126 {strides = array<i32>} : memref<2x32xi32, #tpu.memory_space<vmem>>, vector<1x16xi32>,
        %mul3A_127 = arith.constant 32 : i32
        %mul3A_128 = arith.muli %add3A_91, %mul3A_127 : i32
        %add3A_129 = arith.constant 16 : i32
        %add3A_130 = arith.addi %mul3A_128, %add3A_129 : i32
        %get3A_131 = arith.index_cast %add3A_130 : i32 to index
        %get3A_132 = tpu.vector_load %arg9[%get3A_131] {strides = array<i32>} : memref<13312xi32, #tpu.memory_space<vmem>>, vector<16xi32>,
        %get3A_133 = vector.shape_cast %get3A_132 : vector<16xi32> to vector<16xi32>
        %swap3A_134 = arith.constant 1 : i32
        %swap3A_135 = arith.index_cast %swap3A_134 : i32 to index
        %swap3A_136 = arith.constant 16 : index
        %swap3A_137 = tpu.vector_load %arg10[%swap3A_135, %swap3A_136] {strides = array<i32>} : memref<2x32xi32, #tpu.memory_space<vmem>>, vector<1x16xi32>,
        %swap3A_138 = vector.shape_cast %swap3A_137 : vector<1x16xi32> to vector<16xi32>
        %swap3A_139 = vector.shape_cast %get3A_133 : vector<16xi32> to vector<1x16xi32>
        tpu.vector_store %arg10[%swap3A_135, %swap3A_136], %swap3A_139 {strides = array<i32>} : memref<2x32xi32, #tpu.memory_space<vmem>>, vector<1x16xi32>,
        %scan3A_140 = arith.constant 0 : i32
        %scan3A_141 = arith.constant 0 : i32
        %scan3A_142 = arith.constant 32 : i32
        %scan3A_143 = arith.addi %scan3A_141, %scan3A_142 : i32
        %scan3A_144 = arith.constant 1 : i32
        scf.for %scan3A_159 = %scan3A_141 to %scan3A_143 step %scan3A_144  : i32 {
          %get3A_160 = arith.index_cast %scan3A_159 : i32 to index
          %get3A_161 = arith.constant 0 : index
          %get3A_162 = tpu.vector_load %arg14[%get3A_160, %get3A_161] {strides = array<i32>} : memref<32x128xf32, #tpu.memory_space<vmem>>, vector<1x16xf32>,
          %get3A_163 = vector.shape_cast %get3A_162 : vector<1x16xf32> to vector<16xf32>
          %get3A_164 = arith.index_cast %scan3A_159 : i32 to index
          %get3A_165 = arith.constant 0 : index
          %get3A_166 = tpu.vector_load %arg12[%get3A_164, %get3A_165] {strides = array<i32>} : memref<32x128xf32, #tpu.memory_space<vmem>>, vector<1x16xf32>,
          %get3A_167 = vector.shape_cast %get3A_166 : vector<1x16xf32> to vector<16xf32>
          %mul3A_168 = arith.mulf %get3A_163, %get3A_167 : vector<16xf32>
          %swap3A_169 = arith.index_cast %scan3A_159 : i32 to index
          %swap3A_170 = arith.constant 0 : index
          %swap3A_171 = tpu.vector_load %arg15[%swap3A_169, %swap3A_170] {strides = array<i32>} : memref<32x128xf32, #tpu.memory_space<vmem>>, vector<1x16xf32>,
          %swap3A_172 = vector.shape_cast %swap3A_171 : vector<1x16xf32> to vector<16xf32>
          %swap3A_173 = vector.shape_cast %mul3A_168 : vector<16xf32> to vector<1x16xf32>
          tpu.vector_store %arg15[%swap3A_169, %swap3A_170], %swap3A_173 {strides = array<i32>} : memref<32x128xf32, #tpu.memory_space<vmem>>, vector<1x16xf32>,
          %get3A_174 = arith.index_cast %scan3A_159 : i32 to index
          %get3A_175 = arith.constant 16 : index
          %get3A_176 = tpu.vector_load %arg14[%get3A_174, %get3A_175] {strides = array<i32>} : memref<32x128xf32, #tpu.memory_space<vmem>>, vector<1x16xf32>,
          %get3A_177 = vector.shape_cast %get3A_176 : vector<1x16xf32> to vector<16xf32>
          %get3A_178 = arith.index_cast %scan3A_159 : i32 to index
          %get3A_179 = arith.constant 16 : index
          %get3A_180 = tpu.vector_load %arg12[%get3A_178, %get3A_179] {strides = array<i32>} : memref<32x128xf32, #tpu.memory_space<vmem>>, vector<1x16xf32>,
          %get3A_181 = vector.shape_cast %get3A_180 : vector<1x16xf32> to vector<16xf32>
          %mul3A_182 = arith.mulf %get3A_177, %get3A_181 : vector<16xf32>
          %swap3A_183 = arith.index_cast %scan3A_159 : i32 to index
          %swap3A_184 = arith.constant 16 : index
          %swap3A_185 = tpu.vector_load %arg15[%swap3A_183, %swap3A_184] {strides = array<i32>} : memref<32x128xf32, #tpu.memory_space<vmem>>, vector<1x16xf32>,
          %swap3A_186 = vector.shape_cast %swap3A_185 : vector<1x16xf32> to vector<16xf32>
          %swap3A_187 = vector.shape_cast %mul3A_182 : vector<16xf32> to vector<1x16xf32>
          tpu.vector_store %arg15[%swap3A_183, %swap3A_184], %swap3A_187 {strides = array<i32>} : memref<32x128xf32, #tpu.memory_space<vmem>>, vector<1x16xf32>,
          %get3A_188 = arith.index_cast %scan3A_159 : i32 to index
          %get3A_189 = arith.constant 32 : index
          %get3A_190 = tpu.vector_load %arg14[%get3A_188, %get3A_189] {strides = array<i32>} : memref<32x128xf32, #tpu.memory_space<vmem>>, vector<1x16xf32>,
          %get3A_191 = vector.shape_cast %get3A_190 : vector<1x16xf32> to vector<16xf32>
          %get3A_192 = arith.index_cast %scan3A_159 : i32 to index
          %get3A_193 = arith.constant 32 : index
          %get3A_194 = tpu.vector_load %arg12[%get3A_192, %get3A_193] {strides = array<i32>} : memref<32x128xf32, #tpu.memory_space<vmem>>, vector<1x16xf32>,
          %get3A_195 = vector.shape_cast %get3A_194 : vector<1x16xf32> to vector<16xf32>
          %mul3A_196 = arith.mulf %get3A_191, %get3A_195 : vector<16xf32>
          %swap3A_197 = arith.index_cast %scan3A_159 : i32 to index
          %swap3A_198 = arith.constant 32 : index
          %swap3A_199 = tpu.vector_load %arg15[%swap3A_197, %swap3A_198] {strides = array<i32>} : memref<32x128xf32, #tpu.memory_space<vmem>>, vector<1x16xf32>,
          %swap3A_200 = vector.shape_cast %swap3A_199 : vector<1x16xf32> to vector<16xf32>
          %swap3A_201 = vector.shape_cast %mul3A_196 : vector<16xf32> to vector<1x16xf32>
          tpu.vector_store %arg15[%swap3A_197, %swap3A_198], %swap3A_201 {strides = array<i32>} : memref<32x128xf32, #tpu.memory_space<vmem>>, vector<1x16xf32>,
          %get3A_202 = arith.index_cast %scan3A_159 : i32 to index
          %get3A_203 = arith.constant 48 : index
          %get3A_204 = tpu.vector_load %arg14[%get3A_202, %get3A_203] {strides = array<i32>} : memref<32x128xf32, #tpu.memory_space<vmem>>, vector<1x16xf32>,
          %get3A_205 = vector.shape_cast %get3A_204 : vector<1x16xf32> to vector<16xf32>
          %get3A_206 = arith.index_cast %scan3A_159 : i32 to index
          %get3A_207 = arith.constant 48 : index
          %get3A_208 = tpu.vector_load %arg12[%get3A_206, %get3A_207] {strides = array<i32>} : memref<32x128xf32, #tpu.memory_space<vmem>>, vector<1x16xf32>,
          %get3A_209 = vector.shape_cast %get3A_208 : vector<1x16xf32> to vector<16xf32>
          %mul3A_210 = arith.mulf %get3A_205, %get3A_209 : vector<16xf32>
          %swap3A_211 = arith.index_cast %scan3A_159 : i32 to index
          %swap3A_212 = arith.constant 48 : index
          %swap3A_213 = tpu.vector_load %arg15[%swap3A_211, %swap3A_212] {strides = array<i32>} : memref<32x128xf32, #tpu.memory_space<vmem>>, vector<1x16xf32>,
          %swap3A_214 = vector.shape_cast %swap3A_213 : vector<1x16xf32> to vector<16xf32>
          %swap3A_215 = vector.shape_cast %mul3A_210 : vector<16xf32> to vector<1x16xf32>
          tpu.vector_store %arg15[%swap3A_211, %swap3A_212], %swap3A_215 {strides = array<i32>} : memref<32x128xf32, #tpu.memory_space<vmem>>, vector<1x16xf32>,
          %get3A_216 = arith.index_cast %scan3A_159 : i32 to index
          %get3A_217 = arith.constant 64 : index
          %get3A_218 = tpu.vector_load %arg14[%get3A_216, %get3A_217] {strides = array<i32>} : memref<32x128xf32, #tpu.memory_space<vmem>>, vector<1x16xf32>,
          %get3A_219 = vector.shape_cast %get3A_218 : vector<1x16xf32> to vector<16xf32>
          %get3A_220 = arith.index_cast %scan3A_159 : i32 to index
          %get3A_221 = arith.constant 64 : index
          %get3A_222 = tpu.vector_load %arg12[%get3A_220, %get3A_221] {strides = array<i32>} : memref<32x128xf32, #tpu.memory_space<vmem>>, vector<1x16xf32>,
          %get3A_223 = vector.shape_cast %get3A_222 : vector<1x16xf32> to vector<16xf32>
          %mul3A_224 = arith.mulf %get3A_219, %get3A_223 : vector<16xf32>
          %swap3A_225 = arith.index_cast %scan3A_159 : i32 to index
          %swap3A_226 = arith.constant 64 : index
          %swap3A_227 = tpu.vector_load %arg15[%swap3A_225, %swap3A_226] {strides = array<i32>} : memref<32x128xf32, #tpu.memory_space<vmem>>, vector<1x16xf32>,
          %swap3A_228 = vector.shape_cast %swap3A_227 : vector<1x16xf32> to vector<16xf32>
          %swap3A_229 = vector.shape_cast %mul3A_224 : vector<16xf32> to vector<1x16xf32>
          tpu.vector_store %arg15[%swap3A_225, %swap3A_226], %swap3A_229 {strides = array<i32>} : memref<32x128xf32, #tpu.memory_space<vmem>>, vector<1x16xf32>,
          %get3A_230 = arith.index_cast %scan3A_159 : i32 to index
          %get3A_231 = arith.constant 80 : index
          %get3A_232 = tpu.vector_load %arg14[%get3A_230, %get3A_231] {strides = array<i32>} : memref<32x128xf32, #tpu.memory_space<vmem>>, vector<1x16xf32>,
          %get3A_233 = vector.shape_cast %get3A_232 : vector<1x16xf32> to vector<16xf32>
          %get3A_234 = arith.index_cast %scan3A_159 : i32 to index
          %get3A_235 = arith.constant 80 : index
          %get3A_236 = tpu.vector_load %arg12[%get3A_234, %get3A_235] {strides = array<i32>} : memref<32x128xf32, #tpu.memory_space<vmem>>, vector<1x16xf32>,
          %get3A_237 = vector.shape_cast %get3A_236 : vector<1x16xf32> to vector<16xf32>
          %mul3A_238 = arith.mulf %get3A_233, %get3A_237 : vector<16xf32>
          %swap3A_239 = arith.index_cast %scan3A_159 : i32 to index
          %swap3A_240 = arith.constant 80 : index
          %swap3A_241 = tpu.vector_load %arg15[%swap3A_239, %swap3A_240] {strides = array<i32>} : memref<32x128xf32, #tpu.memory_space<vmem>>, vector<1x16xf32>,
          %swap3A_242 = vector.shape_cast %swap3A_241 : vector<1x16xf32> to vector<16xf32>
          %swap3A_243 = vector.shape_cast %mul3A_238 : vector<16xf32> to vector<1x16xf32>
          tpu.vector_store %arg15[%swap3A_239, %swap3A_240], %swap3A_243 {strides = array<i32>} : memref<32x128xf32, #tpu.memory_space<vmem>>, vector<1x16xf32>,
          %get3A_244 = arith.index_cast %scan3A_159 : i32 to index
          %get3A_245 = arith.constant 96 : index
          %get3A_246 = tpu.vector_load %arg14[%get3A_244, %get3A_245] {strides = array<i32>} : memref<32x128xf32, #tpu.memory_space<vmem>>, vector<1x16xf32>,
          %get3A_247 = vector.shape_cast %get3A_246 : vector<1x16xf32> to vector<16xf32>
          %get3A_248 = arith.index_cast %scan3A_159 : i32 to index
          %get3A_249 = arith.constant 96 : index
          %get3A_250 = tpu.vector_load %arg12[%get3A_248, %get3A_249] {strides = array<i32>} : memref<32x128xf32, #tpu.memory_space<vmem>>, vector<1x16xf32>,
          %get3A_251 = vector.shape_cast %get3A_250 : vector<1x16xf32> to vector<16xf32>
          %mul3A_252 = arith.mulf %get3A_247, %get3A_251 : vector<16xf32>
          %swap3A_253 = arith.index_cast %scan3A_159 : i32 to index
          %swap3A_254 = arith.constant 96 : index
          %swap3A_255 = tpu.vector_load %arg15[%swap3A_253, %swap3A_254] {strides = array<i32>} : memref<32x128xf32, #tpu.memory_space<vmem>>, vector<1x16xf32>,
          %swap3A_256 = vector.shape_cast %swap3A_255 : vector<1x16xf32> to vector<16xf32>
          %swap3A_257 = vector.shape_cast %mul3A_252 : vector<16xf32> to vector<1x16xf32>
          tpu.vector_store %arg15[%swap3A_253, %swap3A_254], %swap3A_257 {strides = array<i32>} : memref<32x128xf32, #tpu.memory_space<vmem>>, vector<1x16xf32>,
          %get3A_258 = arith.index_cast %scan3A_159 : i32 to index
          %get3A_259 = arith.constant 112 : index
          %get3A_260 = tpu.vector_load %arg14[%get3A_258, %get3A_259] {strides = array<i32>} : memref<32x128xf32, #tpu.memory_space<vmem>>, vector<1x16xf32>,
          %get3A_261 = vector.shape_cast %get3A_260 : vector<1x16xf32> to vector<16xf32>
          %get3A_262 = arith.index_cast %scan3A_159 : i32 to index
          %get3A_263 = arith.constant 112 : index
          %get3A_264 = tpu.vector_load %arg12[%get3A_262, %get3A_263] {strides = array<i32>} : memref<32x128xf32, #tpu.memory_space<vmem>>, vector<1x16xf32>,
          %get3A_265 = vector.shape_cast %get3A_264 : vector<1x16xf32> to vector<16xf32>
          %mul3A_266 = arith.mulf %get3A_261, %get3A_265 : vector<16xf32>
          %swap3A_267 = arith.index_cast %scan3A_159 : i32 to index
          %swap3A_268 = arith.constant 112 : index
          %swap3A_269 = tpu.vector_load %arg15[%swap3A_267, %swap3A_268] {strides = array<i32>} : memref<32x128xf32, #tpu.memory_space<vmem>>, vector<1x16xf32>,
          %swap3A_270 = vector.shape_cast %swap3A_269 : vector<1x16xf32> to vector<16xf32>
          %swap3A_271 = vector.shape_cast %mul3A_266 : vector<16xf32> to vector<1x16xf32>
          tpu.vector_store %arg15[%swap3A_267, %swap3A_268], %swap3A_271 {strides = array<i32>} : memref<32x128xf32, #tpu.memory_space<vmem>>, vector<1x16xf32>,
        }
        %scan3A_145 = arith.constant 32 : i32
        %dma_start3A_146 = arith.constant 1 : i32
        %dma_start3A_147 = arith.constant 0 : i32
        %dma_start3A_148 = tpu.memref_slice %arg10[%dma_start3A_146, %dma_start3A_147] : memref<2x32xi32, #tpu.memory_space<vmem>> -> memref<1x32xi32, #tpu.memory_space<vmem>>
        %dma_start3A_149 = tpu.memref_squeeze %dma_start3A_148 : memref<1x32xi32, #tpu.memory_space<vmem>> -> memref<32xi32, #tpu.memory_space<vmem>>
        %dma_start3A_150 = arith.constant 0 : i32
        %dma_start3A_151 = arith.constant 0 : i32
        %dma_start3A_152 = tpu.memref_slice %arg19[%dma_start3A_150, %dma_start3A_151] : memref<10240x128xf32, #tpu.memory_space<vmem_shared>> -> memref<10240x128xf32, #tpu.memory_space<vmem_shared>>
        tpu.enqueue_indirect_dma source(%arg15 : memref<32x128xf32, #tpu.memory_space<vmem>>) target(%dma_start3A_152 : memref<10240x128xf32, #tpu.memory_space<vmem_shared>>) offsets(%dma_start3A_149 : memref<32xi32, #tpu.memory_space<vmem>>) semaphore(%arg22 : memref<!tpu.dma_semaphore, #tpu.memory_space<semaphore_mem>>) {add = true}
        %run_scoped3A = arith.constant 1 : i32
        "tpu.region"() ({
          %run_scoped3A_159 = tpu.sem_alloc : memref<!tpu.dma_semaphore, #tpu.memory_space<semaphore_mem>>
          %dma_start3A_160 = arith.constant 0 : i32
          %dma_start3A_161 = tpu.memref_slice %arg10[%run_scoped3A, %dma_start3A_160] : memref<2x32xi32, #tpu.memory_space<vmem>> -> memref<1x32xi32, #tpu.memory_space<vmem>>
          %dma_start3A_162 = tpu.memref_squeeze %dma_start3A_161 : memref<1x32xi32, #tpu.memory_space<vmem>> -> memref<32xi32, #tpu.memory_space<vmem>>
          %dma_start3A_163 = arith.constant 0 : i32
          %dma_start3A_164 = tpu.memref_slice %arg18[%dma_start3A_163] : memref<10240xf32, #tpu.memory_space<vmem_shared>> -> memref<10240xf32, #tpu.memory_space<vmem_shared>>
          tpu.enqueue_indirect_dma source(%arg16 : memref<32xf32, #tpu.memory_space<vmem>>) target(%dma_start3A_164 : memref<10240xf32, #tpu.memory_space<vmem_shared>>) offsets(%dma_start3A_162 : memref<32xi32, #tpu.memory_space<vmem>>) semaphore(%run_scoped3A_159 : memref<!tpu.dma_semaphore, #tpu.memory_space<semaphore_mem>>) {add = true}
          %dma_wait3A_165 = arith.constant 0 : i32
          %dma_wait3A_166 = tpu.memref_slice %arg10[%run_scoped3A, %dma_wait3A_165] : memref<2x32xi32, #tpu.memory_space<vmem>> -> memref<1x32xi32, #tpu.memory_space<vmem>>
          %dma_wait3A_167 = tpu.memref_squeeze %dma_wait3A_166 : memref<1x32xi32, #tpu.memory_space<vmem>> -> memref<32xi32, #tpu.memory_space<vmem>>
          %dma_wait3A_168 = arith.constant 0 : i32
          %dma_wait3A_169 = tpu.memref_slice %arg18[%dma_wait3A_168] : memref<10240xf32, #tpu.memory_space<vmem_shared>> -> memref<10240xf32, #tpu.memory_space<vmem_shared>>
          tpu.wait_indirect_dma semaphore(%run_scoped3A_159 : memref<!tpu.dma_semaphore, #tpu.memory_space<semaphore_mem>>) src(%arg16 : memref<32xf32, #tpu.memory_space<vmem>>) dst(%dma_wait3A_169 : memref<10240xf32, #tpu.memory_space<vmem_shared>>)
          tpu.yield
        }) : () -> ()
        %add3A_153 = arith.constant 2 : i32
        %add3A_154 = arith.addi %add3A_91, %add3A_153 : i32
        %lt3A_155 = arith.cmpi slt, %add3A_154, %sub3A_7 : i32
        %convert_element_type3A_156 = arith.extui %lt3A_155 : i1 to i32
        %cond3A_157 = arith.constant 0 : i32
        %cond3A_158 = arith.cmpi ne, %convert_element_type3A_156, %cond3A_157 : i32
        scf.if %cond3A_158 {
          %add3A_159 = arith.constant 2 : i32
          %add3A_160 = arith.addi %add3A_91, %add3A_159 : i32
          %mul3A_161 = arith.constant 32 : i32
          %mul3A_162 = arith.muli %add3A_160, %mul3A_161 : i32
          %dma_start3A_163 = tpu.memref_slice %arg8[%mul3A_162] : memref<13312xi32, #tpu.memory_space<vmem>> -> memref<32xi32, #tpu.memory_space<vmem>>
          %dma_start3A_164 = arith.constant 0 : i32
          %dma_start3A_165 = arith.constant 0 : i32
          %dma_start3A_166 = tpu.memref_slice %arg2[%dma_start3A_164, %dma_start3A_165] : memref<10000x128xf32, #tpu.memory_space<hbm>> -> memref<10000x128xf32, #tpu.memory_space<hbm>>
          tpu.enqueue_indirect_dma source(%dma_start3A_166 : memref<10000x128xf32, #tpu.memory_space<hbm>>) target(%arg12 : memref<32x128xf32, #tpu.memory_space<vmem>>) offsets(%dma_start3A_163 : memref<32xi32, #tpu.memory_space<vmem>>) semaphore(%arg21 : memref<!tpu.dma_semaphore, #tpu.memory_space<semaphore_mem>>)
          %add3A_167 = arith.addi %mul3A_4, %add3A_160 : i32
          %mul3A_168 = arith.constant 32 : i32
          %mul3A_169 = arith.muli %add3A_167, %mul3A_168 : i32
          %dma_start3A_170 = arith.constant 0 : i32
          %dma_start3A_171 = tpu.memref_slice %arg3[%mul3A_169, %dma_start3A_170] : memref<425984x128xf32, #tpu.memory_space<hbm>> -> memref<32x128xf32, #tpu.memory_space<hbm>>
          %dma_start3A_172 = arith.constant 0 : i32
          %dma_start3A_173 = tpu.memref_slice %arg3[%mul3A_169, %dma_start3A_172] : memref<425984x128xf32, #tpu.memory_space<hbm>> -> memref<32x128xf32, #tpu.memory_space<hbm>>
          tpu.enqueue_dma source(%dma_start3A_173 : memref<32x128xf32, #tpu.memory_space<hbm>>) target(%arg14 : memref<32x128xf32, #tpu.memory_space<vmem>>) target_semaphore(%arg21 : memref<!tpu.dma_semaphore, #tpu.memory_space<semaphore_mem>>)
        } else {
        }
      } else {
      }
    }
    %scan3A_68 = arith.constant 208 : i32
    %dma_wait3A = arith.constant 1 : i32
    %dma_wait3A_69 = arith.constant 0 : i32
    %dma_wait3A_70 = tpu.memref_slice %arg10[%dma_wait3A, %dma_wait3A_69] : memref<2x32xi32, #tpu.memory_space<vmem>> -> memref<1x32xi32, #tpu.memory_space<vmem>>
    %dma_wait3A_71 = tpu.memref_squeeze %dma_wait3A_70 : memref<1x32xi32, #tpu.memory_space<vmem>> -> memref<32xi32, #tpu.memory_space<vmem>>
    %dma_wait3A_72 = arith.constant 0 : i32
    %dma_wait3A_73 = arith.constant 0 : i32
    %dma_wait3A_74 = tpu.memref_slice %arg19[%dma_wait3A_72, %dma_wait3A_73] : memref<10240x128xf32, #tpu.memory_space<vmem_shared>> -> memref<10240x128xf32, #tpu.memory_space<vmem_shared>>
    tpu.wait_indirect_dma semaphore(%arg22 : memref<!tpu.dma_semaphore, #tpu.memory_space<semaphore_mem>>) src(%arg15 : memref<32x128xf32, #tpu.memory_space<vmem>>) dst(%dma_wait3A_74 : memref<10240x128xf32, #tpu.memory_space<vmem_shared>>)
    %barrier3A_75 = arith.constant 0 : index
    tpu.barrier barrier_id(%barrier3A_75)
    %mul3A_76 = arith.constant 10240 : i32
    %mul3A_77 = arith.muli %arg0, %mul3A_76 : i32
    %add3A_78 = arith.addi %mul3A_77, %mul3A_0 : i32
    "tpu.region"() ({
      %run_scoped3A = tpu.sem_alloc : memref<!tpu.dma_semaphore, #tpu.memory_space<semaphore_mem>>
      %dma_start3A_82 = arith.constant 0 : i32
      %dma_start3A_83 = tpu.memref_slice %arg6[%add3A_78, %dma_start3A_82] : memref<20480x128xf32, #tpu.memory_space<hbm>> -> memref<640x128xf32, #tpu.memory_space<hbm>>
      %dma_start3A_84 = arith.constant 0 : i32
      %dma_start3A_85 = tpu.memref_slice %arg19[%mul3A_0, %dma_start3A_84] : memref<10240x128xf32, #tpu.memory_space<vmem_shared>> -> memref<640x128xf32, #tpu.memory_space<vmem_shared>>
      tpu.enqueue_dma source(%dma_start3A_85 : memref<640x128xf32, #tpu.memory_space<vmem_shared>>) target(%dma_start3A_83 : memref<640x128xf32, #tpu.memory_space<hbm>>) target_semaphore(%run_scoped3A : memref<!tpu.dma_semaphore, #tpu.memory_space<semaphore_mem>>)
      %dma_wait3A_86 = arith.constant 0 : i32
      %dma_wait3A_87 = tpu.memref_slice %arg6[%add3A_78, %dma_wait3A_86] : memref<20480x128xf32, #tpu.memory_space<hbm>> -> memref<640x128xf32, #tpu.memory_space<hbm>>
      %dma_wait3A_88 = arith.constant 0 : i32
      %dma_wait3A_89 = tpu.memref_slice %arg19[%mul3A_0, %dma_wait3A_88] : memref<10240x128xf32, #tpu.memory_space<vmem_shared>> -> memref<640x128xf32, #tpu.memory_space<vmem_shared>>
      tpu.wait_dma2 semaphore(%run_scoped3A : memref<!tpu.dma_semaphore, #tpu.memory_space<semaphore_mem>>) src(%dma_wait3A_89 : memref<640x128xf32, #tpu.memory_space<vmem_shared>>) dst(%dma_wait3A_87 : memref<640x128xf32, #tpu.memory_space<hbm>>)
      tpu.yield
    }) : () -> ()
    %mul3A_79 = arith.constant 10240 : i32
    %mul3A_80 = arith.muli %arg0, %mul3A_79 : i32
    %add3A_81 = arith.addi %mul3A_80, %mul3A_0 : i32
    "tpu.region"() ({
      %run_scoped3A = tpu.sem_alloc : memref<!tpu.dma_semaphore, #tpu.memory_space<semaphore_mem>>
      %dma_start3A_82 = tpu.memref_slice %arg7[%add3A_81] : memref<20480xf32, #tpu.memory_space<hbm>> -> memref<640xf32, #tpu.memory_space<hbm>>
      %dma_start3A_83 = tpu.memref_slice %arg18[%mul3A_0] : memref<10240xf32, #tpu.memory_space<vmem_shared>> -> memref<640xf32, #tpu.memory_space<vmem_shared>>
      tpu.enqueue_dma source(%dma_start3A_83 : memref<640xf32, #tpu.memory_space<vmem_shared>>) target(%dma_start3A_82 : memref<640xf32, #tpu.memory_space<hbm>>) target_semaphore(%run_scoped3A : memref<!tpu.dma_semaphore, #tpu.memory_space<semaphore_mem>>)
      %dma_wait3A_84 = tpu.memref_slice %arg7[%add3A_81] : memref<20480xf32, #tpu.memory_space<hbm>> -> memref<640xf32, #tpu.memory_space<hbm>>
      %dma_wait3A_85 = tpu.memref_slice %arg18[%mul3A_0] : memref<10240xf32, #tpu.memory_space<vmem_shared>> -> memref<640xf32, #tpu.memory_space<vmem_shared>>
      tpu.wait_dma2 semaphore(%run_scoped3A : memref<!tpu.dma_semaphore, #tpu.memory_space<semaphore_mem>>) src(%dma_wait3A_85 : memref<640xf32, #tpu.memory_space<vmem_shared>>) dst(%dma_wait3A_84 : memref<640xf32, #tpu.memory_space<hbm>>)
      tpu.yield
    }) : () -> ()
    return
  }
}

module attributes {stable_mosaic.version = 14 : i64} {
  func.func @_w_body(%arg0: i32, %arg1: memref<6656x16xf32, #tpu.memory_space<vmem>>, %arg2: memref<64x16xf32, #tpu.memory_space<vmem>>, %arg3: memref<1x64xf32, #tpu.memory_space<vmem>>, %arg4: memref<128x64xf32, #tpu.memory_space<vmem>>, %arg5: memref<6656x128xf32, #tpu.memory_space<vmem>>) attributes {dimension_semantics = [#tpu.dimension_semantics<arbitrary>], iteration_bounds = array<i64: 64>, scalar_prefetch = 0 : i64, scratch_operands = 0 : i64, tpu.core_type = #tpu.core_type<tc>, window_params = [{transform_indices = @transform_0, window_bounds = array<i64: 6656, 16>}, {pipeline_mode = #tpu.pipeline_mode<synchronous>, transform_indices = @transform_1, window_bounds = array<i64: 64, 16>}, {pipeline_mode = #tpu.pipeline_mode<synchronous>, transform_indices = @transform_2, window_bounds = array<i64: 1, 64>}, {pipeline_mode = #tpu.pipeline_mode<synchronous>, transform_indices = @transform_3, window_bounds = array<i64: 128, 64>}, {transform_indices = @transform_4, window_bounds = array<i64: 6656, 128>}]} {
    %get3A = arith.constant 0 : index
    %get3A_0 = arith.constant 0 : index
    %get3A_1 = vector.load %arg1[%get3A, %get3A_0] : memref<6656x16xf32, #tpu.memory_space<vmem>>, vector<6656x16xf32>
    %get3A_2 = arith.constant 0 : index
    %get3A_3 = arith.constant 0 : index
    %get3A_4 = vector.load %arg2[%get3A_2, %get3A_3] : memref<64x16xf32, #tpu.memory_space<vmem>>, vector<64x16xf32>
    %dot_general3A = arith.constant dense<0.000000e+00> : vector<6656x64xf32>
    %dot_general3A_5 = tpu.matmul %get3A_1, %get3A_4, %dot_general3A {dimension_numbers = #tpu.dot_dimension_numbers<[1], [1], [0], [0], [0, 0, 1, 0], [], []>, transpose_lhs_hint = false} : vector<6656x16xf32>, vector<64x16xf32>, vector<6656x64xf32> -> vector<6656x64xf32>
    %get3A_6 = arith.constant 0 : index
    %get3A_7 = arith.constant 0 : index
    %get3A_8 = vector.load %arg3[%get3A_6, %get3A_7] : memref<1x64xf32, #tpu.memory_space<vmem>>, vector<1x64xf32>
    %add3A = vector.broadcast %get3A_8 : vector<1x64xf32> to vector<6656x64xf32>
    %add3A_9 = arith.addf %dot_general3A_5, %add3A : vector<6656x64xf32>
    %max3A = arith.constant 0.000000e+00 : f32
    %max3A_10 = vector.broadcast %max3A : f32 to vector<6656x64xf32>
    %max3A_11 = arith.maximumf %add3A_9, %max3A_10 : vector<6656x64xf32>
    %get3A_12 = arith.constant 0 : index
    %get3A_13 = arith.constant 0 : index
    %get3A_14 = vector.load %arg4[%get3A_12, %get3A_13] : memref<128x64xf32, #tpu.memory_space<vmem>>, vector<128x64xf32>
    %dot_general3A_15 = arith.constant dense<0.000000e+00> : vector<6656x128xf32>
    %dot_general3A_16 = tpu.matmul %max3A_11, %get3A_14, %dot_general3A_15 {dimension_numbers = #tpu.dot_dimension_numbers<[1], [1], [0], [0], [0, 0, 1, 0], [], []>, transpose_lhs_hint = false} : vector<6656x64xf32>, vector<128x64xf32>, vector<6656x128xf32> -> vector<6656x128xf32>
    %swap3A = arith.constant 0 : index
    %swap3A_17 = arith.constant 0 : index
    %swap3A_18 = vector.load %arg5[%swap3A, %swap3A_17] : memref<6656x128xf32, #tpu.memory_space<vmem>>, vector<6656x128xf32>
    tpu.vector_store %arg5[%swap3A, %swap3A_17], %dot_general3A_16 {strides = array<i32>} : memref<6656x128xf32, #tpu.memory_space<vmem>>, vector<6656x128xf32>,
    return
  }
  func.func @transform_0(%arg0: i32) -> (i32, i32) {
    %c0_i32 = arith.constant 0 : i32
    %c0_i32_0 = arith.constant 0 : i32
    return %arg0, %c0_i32 : i32, i32
  }
  func.func @transform_1(%arg0: i32) -> (i32, i32) {
    %c0_i32 = arith.constant 0 : i32
    %c0_i32_0 = arith.constant 0 : i32
    %c0_i32_1 = arith.constant 0 : i32
    return %c0_i32, %c0_i32_0 : i32, i32
  }
  func.func @transform_2(%arg0: i32) -> (i32, i32) {
    %c0_i32 = arith.constant 0 : i32
    %c0_i32_0 = arith.constant 0 : i32
    %c0_i32_1 = arith.constant 0 : i32
    return %c0_i32, %c0_i32_0 : i32, i32
  }
  func.func @transform_3(%arg0: i32) -> (i32, i32) {
    %c0_i32 = arith.constant 0 : i32
    %c0_i32_0 = arith.constant 0 : i32
    %c0_i32_1 = arith.constant 0 : i32
    return %c0_i32, %c0_i32_0 : i32, i32
  }
  func.func @transform_4(%arg0: i32) -> (i32, i32) {
    %c0_i32 = arith.constant 0 : i32
    %c0_i32_0 = arith.constant 0 : i32
    return %arg0, %c0_i32 : i32, i32
  }
}

module attributes {stable_mosaic.version = 14 : i64} {
  func.func @_gru_body(%arg0: i32, %arg1: memref<1000x128xf32, #tpu.memory_space<vmem>>, %arg2: memref<2x1000x128xf32, #tpu.memory_space<vmem>>, %arg3: memref<2x1000x1xf32, #tpu.memory_space<vmem>>, %arg4: memref<384x128xf32, #tpu.memory_space<vmem>>, %arg5: memref<384x128xf32, #tpu.memory_space<vmem>>, %arg6: memref<1x384xf32, #tpu.memory_space<vmem>>, %arg7: memref<1x384xf32, #tpu.memory_space<vmem>>, %arg8: memref<128x128xf32, #tpu.memory_space<vmem>>, %arg9: memref<1x128xf32, #tpu.memory_space<vmem>>, %arg10: memref<1000x128xf32, #tpu.memory_space<vmem>>) attributes {dimension_semantics = [#tpu.dimension_semantics<arbitrary>], iteration_bounds = array<i64: 10>, scalar_prefetch = 0 : i64, scratch_operands = 0 : i64, tpu.core_type = #tpu.core_type<tc>, window_params = [{transform_indices = @transform_0, window_bounds = array<i64: 1000, 128>}, {transform_indices = @transform_1, window_bounds = array<i64: 2, 1000, 128>}, {transform_indices = @transform_2, window_bounds = array<i64: 2, 1000, 1>}, {pipeline_mode = #tpu.pipeline_mode<synchronous>, transform_indices = @transform_3, window_bounds = array<i64: 384, 128>}, {pipeline_mode = #tpu.pipeline_mode<synchronous>, transform_indices = @transform_4, window_bounds = array<i64: 384, 128>}, {pipeline_mode = #tpu.pipeline_mode<synchronous>, transform_indices = @transform_5, window_bounds = array<i64: 1, 384>}, {pipeline_mode = #tpu.pipeline_mode<synchronous>, transform_indices = @transform_6, window_bounds = array<i64: 1, 384>}, {pipeline_mode = #tpu.pipeline_mode<synchronous>, transform_indices = @transform_7, window_bounds = array<i64: 128, 128>}, {pipeline_mode = #tpu.pipeline_mode<synchronous>, transform_indices = @transform_8, window_bounds = array<i64: 1, 128>}, {transform_indices = @transform_9, window_bounds = array<i64: 1000, 128>}]} {
    %get3A = arith.constant 0 : index
    %get3A_0 = arith.constant 0 : index
    %get3A_1 = vector.load %arg1[%get3A, %get3A_0] : memref<1000x128xf32, #tpu.memory_space<vmem>>, vector<1000x128xf32>
    %get3A_2 = arith.constant 0 : index
    %get3A_3 = arith.constant 0 : index
    %get3A_4 = arith.constant 0 : index
    %get3A_5 = vector.load %arg2[%get3A_2, %get3A_3, %get3A_4] : memref<2x1000x128xf32, #tpu.memory_space<vmem>>, vector<1x1000x128xf32>
    %get3A_6 = vector.shape_cast %get3A_5 : vector<1x1000x128xf32> to vector<1000x128xf32>
    %get3A_7 = arith.constant 1 : index
    %get3A_8 = arith.constant 0 : index
    %get3A_9 = arith.constant 0 : index
    %get3A_10 = vector.load %arg2[%get3A_7, %get3A_8, %get3A_9] : memref<2x1000x128xf32, #tpu.memory_space<vmem>>, vector<1x1000x128xf32>
    %get3A_11 = vector.shape_cast %get3A_10 : vector<1x1000x128xf32> to vector<1000x128xf32>
    %add3A = arith.addf %get3A_6, %get3A_11 : vector<1000x128xf32>
    %get3A_12 = arith.constant 0 : index
    %get3A_13 = arith.constant 0 : index
    %get3A_14 = arith.constant 0 : index
    %get3A_15 = vector.load %arg3[%get3A_12, %get3A_13, %get3A_14] : memref<2x1000x1xf32, #tpu.memory_space<vmem>>, vector<1x1000x1xf32>
    %get3A_16 = vector.shape_cast %get3A_15 : vector<1x1000x1xf32> to vector<1000x1xf32>
    %get3A_17 = arith.constant 1 : index
    %get3A_18 = arith.constant 0 : index
    %get3A_19 = arith.constant 0 : index
    %get3A_20 = vector.load %arg3[%get3A_17, %get3A_18, %get3A_19] : memref<2x1000x1xf32, #tpu.memory_space<vmem>>, vector<1x1000x1xf32>
    %get3A_21 = vector.shape_cast %get3A_20 : vector<1x1000x1xf32> to vector<1000x1xf32>
    %add3A_22 = arith.addf %get3A_16, %get3A_21 : vector<1000x1xf32>
    %max3A = arith.constant 1.000000e+00 : f32
    %max3A_23 = vector.broadcast %max3A : f32 to vector<1000x1xf32>
    %max3A_24 = arith.maximumf %add3A_22, %max3A_23 : vector<1000x1xf32>
    %div3A = vector.broadcast %max3A_24 : vector<1000x1xf32> to vector<1000x128xf32>
    %div3A_25 = arith.divf %add3A, %div3A : vector<1000x128xf32>
    %get3A_26 = arith.constant 0 : index
    %get3A_27 = arith.constant 0 : index
    %get3A_28 = vector.load %arg8[%get3A_26, %get3A_27] : memref<128x128xf32, #tpu.memory_space<vmem>>, vector<128x128xf32>
    %dot_general3A = arith.constant dense<0.000000e+00> : vector<1000x128xf32>
    %dot_general3A_29 = tpu.matmul %get3A_1, %get3A_28, %dot_general3A {dimension_numbers = #tpu.dot_dimension_numbers<[1], [1], [0], [0], [0, 0, 1, 0], [], []>, transpose_lhs_hint = false} : vector<1000x128xf32>, vector<128x128xf32>, vector<1000x128xf32> -> vector<1000x128xf32>
    %get3A_30 = arith.constant 0 : index
    %get3A_31 = arith.constant 0 : index
    %get3A_32 = vector.load %arg9[%get3A_30, %get3A_31] : memref<1x128xf32, #tpu.memory_space<vmem>>, vector<1x128xf32>
    %add3A_33 = vector.broadcast %get3A_32 : vector<1x128xf32> to vector<1000x128xf32>
    %add3A_34 = arith.addf %dot_general3A_29, %add3A_33 : vector<1000x128xf32>
    %logistic3A = arith.negf %add3A_34 : vector<1000x128xf32>
    %logistic3A_35 = math.exp %logistic3A : vector<1000x128xf32>
    %logistic3A_36 = arith.constant 1.000000e+00 : f32
    %logistic3A_37 = vector.broadcast %logistic3A_36 : f32 to vector<1000x128xf32>
    %logistic3A_38 = arith.addf %logistic3A_37, %logistic3A_35 : vector<1000x128xf32>
    %logistic3A_39 = arith.divf %logistic3A_37, %logistic3A_38 : vector<1000x128xf32>
    %mul3A = arith.mulf %logistic3A_39, %div3A_25 : vector<1000x128xf32>
    %get3A_40 = arith.constant 0 : index
    %get3A_41 = arith.constant 0 : index
    %get3A_42 = vector.load %arg4[%get3A_40, %get3A_41] : memref<384x128xf32, #tpu.memory_space<vmem>>, vector<384x128xf32>
    %dot_general3A_43 = arith.constant dense<0.000000e+00> : vector<1000x384xf32>
    %dot_general3A_44 = tpu.matmul %mul3A, %get3A_42, %dot_general3A_43 {dimension_numbers = #tpu.dot_dimension_numbers<[1], [1], [0], [0], [0, 0, 1, 0], [], []>, transpose_lhs_hint = false} : vector<1000x128xf32>, vector<384x128xf32>, vector<1000x384xf32> -> vector<1000x384xf32>
    %reduce_sum3A = arith.constant dense<0.000000e+00> : vector<1000xf32>
    %reduce_sum3A_45 = vector.multi_reduction <add>, %dot_general3A_44, %reduce_sum3A [1] : vector<1000x384xf32> to vector<1000xf32>
    %broadcast_in_dim3A = vector.shape_cast %reduce_sum3A_45 : vector<1000xf32> to vector<1000x1xf32>
    %div3A_46 = arith.constant 3.840000e+02 : f32
    %div3A_47 = vector.broadcast %div3A_46 : f32 to vector<1000x1xf32>
    %div3A_48 = arith.divf %broadcast_in_dim3A, %div3A_47 : vector<1000x1xf32>
    %jit3A = arith.constant 0 : i32
    %reduce_sum3A_49 = arith.constant dense<0.000000e+00> : vector<1000xf32>
    %reduce_sum3A_50 = vector.multi_reduction <add>, %dot_general3A_44, %reduce_sum3A_49 [1] : vector<1000x384xf32> to vector<1000xf32>
    %broadcast_in_dim3A_51 = vector.shape_cast %reduce_sum3A_50 : vector<1000xf32> to vector<1000x1xf32>
    %div3A_52 = arith.constant 3.840000e+02 : f32
    %div3A_53 = vector.broadcast %div3A_52 : f32 to vector<1000x1xf32>
    %div3A_54 = arith.divf %broadcast_in_dim3A_51, %div3A_53 : vector<1000x1xf32>
    %sub3A = vector.broadcast %div3A_54 : vector<1000x1xf32> to vector<1000x384xf32>
    %sub3A_55 = arith.subf %dot_general3A_44, %sub3A : vector<1000x384xf32>
    %square3A = arith.mulf %sub3A_55, %sub3A_55 : vector<1000x384xf32>
    %convert_element_type3A = arith.sitofp %jit3A : i32 to f32
    %sub3A_56 = arith.constant 3.840000e+02 : f32
    %sub3A_57 = arith.subf %sub3A_56, %convert_element_type3A : f32
    %reduce_sum3A_58 = arith.constant dense<0.000000e+00> : vector<1000xf32>
    %reduce_sum3A_59 = vector.multi_reduction <add>, %square3A, %reduce_sum3A_58 [1] : vector<1000x384xf32> to vector<1000xf32>
    %broadcast_in_dim3A_60 = vector.shape_cast %reduce_sum3A_59 : vector<1000xf32> to vector<1000x1xf32>
    %div3A_61 = vector.broadcast %sub3A_57 : f32 to vector<1000x1xf32>
    %div3A_62 = arith.divf %broadcast_in_dim3A_60, %div3A_61 : vector<1000x1xf32>
    %gt3A = arith.constant 0.000000e+00 : f32
    %gt3A_63 = arith.cmpf ogt, %sub3A_57, %gt3A : f32
    %jit3A_64 = arith.constant 0x7FC00000 : f32
    %broadcast_in_dim3A_65 = vector.broadcast %jit3A_64 : f32 to vector<1000x1xf32>
    %select_n3A = arith.select %gt3A_63, %div3A_62, %broadcast_in_dim3A_65 : vector<1000x1xf32>
    %sub3A_66 = vector.broadcast %div3A_48 : vector<1000x1xf32> to vector<1000x384xf32>
    %sub3A_67 = arith.subf %dot_general3A_44, %sub3A_66 : vector<1000x384xf32>
    %add3A_68 = arith.constant 9.99999974E-6 : f32
    %add3A_69 = vector.broadcast %add3A_68 : f32 to vector<1000x1xf32>
    %add3A_70 = arith.addf %select_n3A, %add3A_69 : vector<1000x1xf32>
    %sqrt3A = math.sqrt %add3A_70 : vector<1000x1xf32>
    %div3A_71 = vector.broadcast %sqrt3A : vector<1000x1xf32> to vector<1000x384xf32>
    %div3A_72 = arith.divf %sub3A_67, %div3A_71 : vector<1000x384xf32>
    %get3A_73 = arith.constant 0 : index
    %get3A_74 = arith.constant 0 : index
    %get3A_75 = vector.load %arg5[%get3A_73, %get3A_74] : memref<384x128xf32, #tpu.memory_space<vmem>>, vector<384x128xf32>
    %dot_general3A_76 = arith.constant dense<0.000000e+00> : vector<1000x384xf32>
    %dot_general3A_77 = tpu.matmul %get3A_1, %get3A_75, %dot_general3A_76 {dimension_numbers = #tpu.dot_dimension_numbers<[1], [1], [0], [0], [0, 0, 1, 0], [], []>, transpose_lhs_hint = false} : vector<1000x128xf32>, vector<384x128xf32>, vector<1000x384xf32> -> vector<1000x384xf32>
    %reduce_sum3A_78 = arith.constant dense<0.000000e+00> : vector<1000xf32>
    %reduce_sum3A_79 = vector.multi_reduction <add>, %dot_general3A_77, %reduce_sum3A_78 [1] : vector<1000x384xf32> to vector<1000xf32>
    %broadcast_in_dim3A_80 = vector.shape_cast %reduce_sum3A_79 : vector<1000xf32> to vector<1000x1xf32>
    %div3A_81 = arith.constant 3.840000e+02 : f32
    %div3A_82 = vector.broadcast %div3A_81 : f32 to vector<1000x1xf32>
    %div3A_83 = arith.divf %broadcast_in_dim3A_80, %div3A_82 : vector<1000x1xf32>
    %jit3A_84 = arith.constant 0 : i32
    %reduce_sum3A_85 = arith.constant dense<0.000000e+00> : vector<1000xf32>
    %reduce_sum3A_86 = vector.multi_reduction <add>, %dot_general3A_77, %reduce_sum3A_85 [1] : vector<1000x384xf32> to vector<1000xf32>
    %broadcast_in_dim3A_87 = vector.shape_cast %reduce_sum3A_86 : vector<1000xf32> to vector<1000x1xf32>
    %div3A_88 = arith.constant 3.840000e+02 : f32
    %div3A_89 = vector.broadcast %div3A_88 : f32 to vector<1000x1xf32>
    %div3A_90 = arith.divf %broadcast_in_dim3A_87, %div3A_89 : vector<1000x1xf32>
    %sub3A_91 = vector.broadcast %div3A_90 : vector<1000x1xf32> to vector<1000x384xf32>
    %sub3A_92 = arith.subf %dot_general3A_77, %sub3A_91 : vector<1000x384xf32>
    %square3A_93 = arith.mulf %sub3A_92, %sub3A_92 : vector<1000x384xf32>
    %convert_element_type3A_94 = arith.sitofp %jit3A_84 : i32 to f32
    %sub3A_95 = arith.constant 3.840000e+02 : f32
    %sub3A_96 = arith.subf %sub3A_95, %convert_element_type3A_94 : f32
    %reduce_sum3A_97 = arith.constant dense<0.000000e+00> : vector<1000xf32>
    %reduce_sum3A_98 = vector.multi_reduction <add>, %square3A_93, %reduce_sum3A_97 [1] : vector<1000x384xf32> to vector<1000xf32>
    %broadcast_in_dim3A_99 = vector.shape_cast %reduce_sum3A_98 : vector<1000xf32> to vector<1000x1xf32>
    %div3A_100 = vector.broadcast %sub3A_96 : f32 to vector<1000x1xf32>
    %div3A_101 = arith.divf %broadcast_in_dim3A_99, %div3A_100 : vector<1000x1xf32>
    %gt3A_102 = arith.constant 0.000000e+00 : f32
    %gt3A_103 = arith.cmpf ogt, %sub3A_96, %gt3A_102 : f32
    %jit3A_104 = arith.constant 0x7FC00000 : f32
    %broadcast_in_dim3A_105 = vector.broadcast %jit3A_104 : f32 to vector<1000x1xf32>
    %select_n3A_106 = arith.select %gt3A_103, %div3A_101, %broadcast_in_dim3A_105 : vector<1000x1xf32>
    %sub3A_107 = vector.broadcast %div3A_83 : vector<1000x1xf32> to vector<1000x384xf32>
    %sub3A_108 = arith.subf %dot_general3A_77, %sub3A_107 : vector<1000x384xf32>
    %add3A_109 = arith.constant 9.99999974E-6 : f32
    %add3A_110 = vector.broadcast %add3A_109 : f32 to vector<1000x1xf32>
    %add3A_111 = arith.addf %select_n3A_106, %add3A_110 : vector<1000x1xf32>
    %sqrt3A_112 = math.sqrt %add3A_111 : vector<1000x1xf32>
    %div3A_113 = vector.broadcast %sqrt3A_112 : vector<1000x1xf32> to vector<1000x384xf32>
    %div3A_114 = arith.divf %sub3A_108, %div3A_113 : vector<1000x384xf32>
    %get3A_115 = arith.constant 0 : index
    %get3A_116 = arith.constant 0 : index
    %get3A_117 = vector.load %arg6[%get3A_115, %get3A_116] : memref<1x384xf32, #tpu.memory_space<vmem>>, vector<1x384xf32>
    %get3A_118 = arith.constant 0 : index
    %get3A_119 = arith.constant 0 : index
    %get3A_120 = vector.load %arg7[%get3A_118, %get3A_119] : memref<1x384xf32, #tpu.memory_space<vmem>>, vector<1x384xf32>
    %slice3A = vector.extract_strided_slice %div3A_72 {offsets = [0, 0], sizes = [1000, 128], strides = [1, 1]} : vector<1000x384xf32> to vector<1000x128xf32>
    %slice3A_121 = vector.extract_strided_slice %div3A_72 {offsets = [0, 128], sizes = [1000, 128], strides = [1, 1]} : vector<1000x384xf32> to vector<1000x128xf32>
    %slice3A_122 = vector.extract_strided_slice %div3A_72 {offsets = [0, 256], sizes = [1000, 128], strides = [1, 1]} : vector<1000x384xf32> to vector<1000x128xf32>
    %slice3A_123 = vector.extract_strided_slice %div3A_114 {offsets = [0, 0], sizes = [1000, 128], strides = [1, 1]} : vector<1000x384xf32> to vector<1000x128xf32>
    %slice3A_124 = vector.extract_strided_slice %div3A_114 {offsets = [0, 128], sizes = [1000, 128], strides = [1, 1]} : vector<1000x384xf32> to vector<1000x128xf32>
    %slice3A_125 = vector.extract_strided_slice %div3A_114 {offsets = [0, 256], sizes = [1000, 128], strides = [1, 1]} : vector<1000x384xf32> to vector<1000x128xf32>
    %slice3A_126 = vector.extract_strided_slice %get3A_117 {offsets = [0, 0], sizes = [1, 128], strides = [1, 1]} : vector<1x384xf32> to vector<1x128xf32>
    %slice3A_127 = vector.extract_strided_slice %get3A_117 {offsets = [0, 128], sizes = [1, 128], strides = [1, 1]} : vector<1x384xf32> to vector<1x128xf32>
    %slice3A_128 = vector.extract_strided_slice %get3A_117 {offsets = [0, 256], sizes = [1, 128], strides = [1, 1]} : vector<1x384xf32> to vector<1x128xf32>
    %slice3A_129 = vector.extract_strided_slice %get3A_120 {offsets = [0, 0], sizes = [1, 128], strides = [1, 1]} : vector<1x384xf32> to vector<1x128xf32>
    %slice3A_130 = vector.extract_strided_slice %get3A_120 {offsets = [0, 128], sizes = [1, 128], strides = [1, 1]} : vector<1x384xf32> to vector<1x128xf32>
    %slice3A_131 = vector.extract_strided_slice %get3A_120 {offsets = [0, 256], sizes = [1, 128], strides = [1, 1]} : vector<1x384xf32> to vector<1x128xf32>
    %add3A_132 = vector.broadcast %slice3A_126 : vector<1x128xf32> to vector<1000x128xf32>
    %add3A_133 = arith.addf %slice3A, %add3A_132 : vector<1000x128xf32>
    %add3A_134 = arith.addf %add3A_133, %slice3A_123 : vector<1000x128xf32>
    %add3A_135 = vector.broadcast %slice3A_129 : vector<1x128xf32> to vector<1000x128xf32>
    %add3A_136 = arith.addf %add3A_134, %add3A_135 : vector<1000x128xf32>
    %logistic3A_137 = arith.negf %add3A_136 : vector<1000x128xf32>
    %logistic3A_138 = math.exp %logistic3A_137 : vector<1000x128xf32>
    %logistic3A_139 = arith.constant 1.000000e+00 : f32
    %logistic3A_140 = vector.broadcast %logistic3A_139 : f32 to vector<1000x128xf32>
    %logistic3A_141 = arith.addf %logistic3A_140, %logistic3A_138 : vector<1000x128xf32>
    %logistic3A_142 = arith.divf %logistic3A_140, %logistic3A_141 : vector<1000x128xf32>
    %add3A_143 = vector.broadcast %slice3A_127 : vector<1x128xf32> to vector<1000x128xf32>
    %add3A_144 = arith.addf %slice3A_121, %add3A_143 : vector<1000x128xf32>
    %add3A_145 = arith.addf %add3A_144, %slice3A_124 : vector<1000x128xf32>
    %add3A_146 = vector.broadcast %slice3A_130 : vector<1x128xf32> to vector<1000x128xf32>
    %add3A_147 = arith.addf %add3A_145, %add3A_146 : vector<1000x128xf32>
    %logistic3A_148 = arith.negf %add3A_147 : vector<1000x128xf32>
    %logistic3A_149 = math.exp %logistic3A_148 : vector<1000x128xf32>
    %logistic3A_150 = arith.constant 1.000000e+00 : f32
    %logistic3A_151 = vector.broadcast %logistic3A_150 : f32 to vector<1000x128xf32>
    %logistic3A_152 = arith.addf %logistic3A_151, %logistic3A_149 : vector<1000x128xf32>
    %logistic3A_153 = arith.divf %logistic3A_151, %logistic3A_152 : vector<1000x128xf32>
    %add3A_154 = vector.broadcast %slice3A_128 : vector<1x128xf32> to vector<1000x128xf32>
    %add3A_155 = arith.addf %slice3A_122, %add3A_154 : vector<1000x128xf32>
    %add3A_156 = vector.broadcast %slice3A_131 : vector<1x128xf32> to vector<1000x128xf32>
    %add3A_157 = arith.addf %slice3A_125, %add3A_156 : vector<1000x128xf32>
    %mul3A_158 = arith.mulf %logistic3A_142, %add3A_157 : vector<1000x128xf32>
    %add3A_159 = arith.addf %add3A_155, %mul3A_158 : vector<1000x128xf32>
    %tanh3A = math.tanh %add3A_159 : vector<1000x128xf32>
    %sub3A_160 = arith.subf %get3A_1, %tanh3A : vector<1000x128xf32>
    %mul3A_161 = arith.mulf %logistic3A_153, %sub3A_160 : vector<1000x128xf32>
    %add3A_162 = arith.addf %tanh3A, %mul3A_161 : vector<1000x128xf32>
    %swap3A = arith.constant 0 : index
    %swap3A_163 = arith.constant 0 : index
    %swap3A_164 = vector.load %arg10[%swap3A, %swap3A_163] : memref<1000x128xf32, #tpu.memory_space<vmem>>, vector<1000x128xf32>
    tpu.vector_store %arg10[%swap3A, %swap3A_163], %add3A_162 {strides = array<i32>} : memref<1000x128xf32, #tpu.memory_space<vmem>>, vector<1000x128xf32>,
    return
  }
  func.func @transform_0(%arg0: i32) -> (i32, i32) {
    %c0_i32 = arith.constant 0 : i32
    %c0_i32_0 = arith.constant 0 : i32
    return %arg0, %c0_i32 : i32, i32
  }
  func.func @transform_1(%arg0: i32) -> (i32, i32, i32) {
    %c0_i32 = arith.constant 0 : i32
    %c0_i32_0 = arith.constant 0 : i32
    %c0_i32_1 = arith.constant 0 : i32
    return %c0_i32, %arg0, %c0_i32_0 : i32, i32, i32
  }
  func.func @transform_2(%arg0: i32) -> (i32, i32, i32) {
    %c0_i32 = arith.constant 0 : i32
    %c0_i32_0 = arith.constant 0 : i32
    %c0_i32_1 = arith.constant 0 : i32
    return %c0_i32, %arg0, %c0_i32_0 : i32, i32, i32
  }
  func.func @transform_3(%arg0: i32) -> (i32, i32) {
    %c0_i32 = arith.constant 0 : i32
    %c0_i32_0 = arith.constant 0 : i32
    %c0_i32_1 = arith.constant 0 : i32
    return %c0_i32, %c0_i32_0 : i32, i32
  }
  func.func @transform_4(%arg0: i32) -> (i32, i32) {
    %c0_i32 = arith.constant 0 : i32
    %c0_i32_0 = arith.constant 0 : i32
    %c0_i32_1 = arith.constant 0 : i32
    return %c0_i32, %c0_i32_0 : i32, i32
  }
  func.func @transform_5(%arg0: i32) -> (i32, i32) {
    %c0_i32 = arith.constant 0 : i32
    %c0_i32_0 = arith.constant 0 : i32
    %c0_i32_1 = arith.constant 0 : i32
    return %c0_i32, %c0_i32_0 : i32, i32
  }
  func.func @transform_6(%arg0: i32) -> (i32, i32) {
    %c0_i32 = arith.constant 0 : i32
    %c0_i32_0 = arith.constant 0 : i32
    %c0_i32_1 = arith.constant 0 : i32
    return %c0_i32, %c0_i32_0 : i32, i32
  }
  func.func @transform_7(%arg0: i32) -> (i32, i32) {
    %c0_i32 = arith.constant 0 : i32
    %c0_i32_0 = arith.constant 0 : i32
    %c0_i32_1 = arith.constant 0 : i32
    return %c0_i32, %c0_i32_0 : i32, i32
  }
  func.func @transform_8(%arg0: i32) -> (i32, i32) {
    %c0_i32 = arith.constant 0 : i32
    %c0_i32_0 = arith.constant 0 : i32
    %c0_i32_1 = arith.constant 0 : i32
    return %c0_i32, %c0_i32_0 : i32, i32
  }
  func.func @transform_9(%arg0: i32) -> (i32, i32) {
    %c0_i32 = arith.constant 0 : i32
    %c0_i32_0 = arith.constant 0 : i32
    return %arg0, %c0_i32 : i32, i32
  }
}

module attributes {stable_mosaic.version = 14 : i64} {
  func.func @_gru_body(%arg0: i32, %arg1: memref<1000x128xf32, #tpu.memory_space<vmem>>, %arg2: memref<2x1000x128xf32, #tpu.memory_space<vmem>>, %arg3: memref<2x1000x1xf32, #tpu.memory_space<vmem>>, %arg4: memref<384x128xf32, #tpu.memory_space<vmem>>, %arg5: memref<384x128xf32, #tpu.memory_space<vmem>>, %arg6: memref<1x384xf32, #tpu.memory_space<vmem>>, %arg7: memref<1x384xf32, #tpu.memory_space<vmem>>, %arg8: memref<128x128xf32, #tpu.memory_space<vmem>>, %arg9: memref<1x128xf32, #tpu.memory_space<vmem>>, %arg10: memref<1000x128xf32, #tpu.memory_space<vmem>>) attributes {dimension_semantics = [#tpu.dimension_semantics<arbitrary>], iteration_bounds = array<i64: 10>, scalar_prefetch = 0 : i64, scratch_operands = 0 : i64, tpu.core_type = #tpu.core_type<tc>, window_params = [{transform_indices = @transform_0, window_bounds = array<i64: 1000, 128>}, {transform_indices = @transform_1, window_bounds = array<i64: 2, 1000, 128>}, {transform_indices = @transform_2, window_bounds = array<i64: 2, 1000, 1>}, {pipeline_mode = #tpu.pipeline_mode<synchronous>, transform_indices = @transform_3, window_bounds = array<i64: 384, 128>}, {pipeline_mode = #tpu.pipeline_mode<synchronous>, transform_indices = @transform_4, window_bounds = array<i64: 384, 128>}, {pipeline_mode = #tpu.pipeline_mode<synchronous>, transform_indices = @transform_5, window_bounds = array<i64: 1, 384>}, {pipeline_mode = #tpu.pipeline_mode<synchronous>, transform_indices = @transform_6, window_bounds = array<i64: 1, 384>}, {pipeline_mode = #tpu.pipeline_mode<synchronous>, transform_indices = @transform_7, window_bounds = array<i64: 128, 128>}, {pipeline_mode = #tpu.pipeline_mode<synchronous>, transform_indices = @transform_8, window_bounds = array<i64: 1, 128>}, {transform_indices = @transform_9, window_bounds = array<i64: 1000, 128>}]} {
    %get3A = arith.constant 0 : index
    %get3A_0 = arith.constant 0 : index
    %get3A_1 = vector.load %arg1[%get3A, %get3A_0] : memref<1000x128xf32, #tpu.memory_space<vmem>>, vector<1000x128xf32>
    %get3A_2 = arith.constant 0 : index
    %get3A_3 = arith.constant 0 : index
    %get3A_4 = arith.constant 0 : index
    %get3A_5 = vector.load %arg2[%get3A_2, %get3A_3, %get3A_4] : memref<2x1000x128xf32, #tpu.memory_space<vmem>>, vector<1x1000x128xf32>
    %get3A_6 = vector.shape_cast %get3A_5 : vector<1x1000x128xf32> to vector<1000x128xf32>
    %get3A_7 = arith.constant 1 : index
    %get3A_8 = arith.constant 0 : index
    %get3A_9 = arith.constant 0 : index
    %get3A_10 = vector.load %arg2[%get3A_7, %get3A_8, %get3A_9] : memref<2x1000x128xf32, #tpu.memory_space<vmem>>, vector<1x1000x128xf32>
    %get3A_11 = vector.shape_cast %get3A_10 : vector<1x1000x128xf32> to vector<1000x128xf32>
    %add3A = arith.addf %get3A_6, %get3A_11 : vector<1000x128xf32>
    %get3A_12 = arith.constant 0 : index
    %get3A_13 = arith.constant 0 : index
    %get3A_14 = arith.constant 0 : index
    %get3A_15 = vector.load %arg3[%get3A_12, %get3A_13, %get3A_14] : memref<2x1000x1xf32, #tpu.memory_space<vmem>>, vector<1x1000x1xf32>
    %get3A_16 = vector.shape_cast %get3A_15 : vector<1x1000x1xf32> to vector<1000x1xf32>
    %get3A_17 = arith.constant 1 : index
    %get3A_18 = arith.constant 0 : index
    %get3A_19 = arith.constant 0 : index
    %get3A_20 = vector.load %arg3[%get3A_17, %get3A_18, %get3A_19] : memref<2x1000x1xf32, #tpu.memory_space<vmem>>, vector<1x1000x1xf32>
    %get3A_21 = vector.shape_cast %get3A_20 : vector<1x1000x1xf32> to vector<1000x1xf32>
    %add3A_22 = arith.addf %get3A_16, %get3A_21 : vector<1000x1xf32>
    %max3A = arith.constant 1.000000e+00 : f32
    %max3A_23 = vector.broadcast %max3A : f32 to vector<1000x1xf32>
    %max3A_24 = arith.maximumf %add3A_22, %max3A_23 : vector<1000x1xf32>
    %div3A = vector.broadcast %max3A_24 : vector<1000x1xf32> to vector<1000x128xf32>
    %div3A_25 = arith.divf %add3A, %div3A : vector<1000x128xf32>
    %get3A_26 = arith.constant 0 : index
    %get3A_27 = arith.constant 0 : index
    %get3A_28 = vector.load %arg8[%get3A_26, %get3A_27] : memref<128x128xf32, #tpu.memory_space<vmem>>, vector<128x128xf32>
    %dot_general3A = arith.constant dense<0.000000e+00> : vector<1000x128xf32>
    %dot_general3A_29 = tpu.matmul %get3A_1, %get3A_28, %dot_general3A {dimension_numbers = #tpu.dot_dimension_numbers<[1], [1], [0], [0], [0, 0, 1, 0], [], []>, transpose_lhs_hint = false} : vector<1000x128xf32>, vector<128x128xf32>, vector<1000x128xf32> -> vector<1000x128xf32>
    %get3A_30 = arith.constant 0 : index
    %get3A_31 = arith.constant 0 : index
    %get3A_32 = vector.load %arg9[%get3A_30, %get3A_31] : memref<1x128xf32, #tpu.memory_space<vmem>>, vector<1x128xf32>
    %add3A_33 = vector.broadcast %get3A_32 : vector<1x128xf32> to vector<1000x128xf32>
    %add3A_34 = arith.addf %dot_general3A_29, %add3A_33 : vector<1000x128xf32>
    %logistic3A = arith.negf %add3A_34 : vector<1000x128xf32>
    %logistic3A_35 = math.exp %logistic3A : vector<1000x128xf32>
    %logistic3A_36 = arith.constant 1.000000e+00 : f32
    %logistic3A_37 = vector.broadcast %logistic3A_36 : f32 to vector<1000x128xf32>
    %logistic3A_38 = arith.addf %logistic3A_37, %logistic3A_35 : vector<1000x128xf32>
    %logistic3A_39 = arith.divf %logistic3A_37, %logistic3A_38 : vector<1000x128xf32>
    %mul3A = arith.mulf %logistic3A_39, %div3A_25 : vector<1000x128xf32>
    %get3A_40 = arith.constant 0 : index
    %get3A_41 = arith.constant 0 : index
    %get3A_42 = vector.load %arg4[%get3A_40, %get3A_41] : memref<384x128xf32, #tpu.memory_space<vmem>>, vector<384x128xf32>
    %dot_general3A_43 = arith.constant dense<0.000000e+00> : vector<1000x384xf32>
    %dot_general3A_44 = tpu.matmul %mul3A, %get3A_42, %dot_general3A_43 {dimension_numbers = #tpu.dot_dimension_numbers<[1], [1], [0], [0], [0, 0, 1, 0], [], []>, transpose_lhs_hint = false} : vector<1000x128xf32>, vector<384x128xf32>, vector<1000x384xf32> -> vector<1000x384xf32>
    %reduce_sum3A = arith.constant dense<0.000000e+00> : vector<1000xf32>
    %reduce_sum3A_45 = vector.multi_reduction <add>, %dot_general3A_44, %reduce_sum3A [1] : vector<1000x384xf32> to vector<1000xf32>
    %broadcast_in_dim3A = vector.shape_cast %reduce_sum3A_45 : vector<1000xf32> to vector<1000x1xf32>
    %div3A_46 = arith.constant 3.840000e+02 : f32
    %div3A_47 = vector.broadcast %div3A_46 : f32 to vector<1000x1xf32>
    %div3A_48 = arith.divf %broadcast_in_dim3A, %div3A_47 : vector<1000x1xf32>
    %jit3A = arith.constant 0 : i32
    %reduce_sum3A_49 = arith.constant dense<0.000000e+00> : vector<1000xf32>
    %reduce_sum3A_50 = vector.multi_reduction <add>, %dot_general3A_44, %reduce_sum3A_49 [1] : vector<1000x384xf32> to vector<1000xf32>
    %broadcast_in_dim3A_51 = vector.shape_cast %reduce_sum3A_50 : vector<1000xf32> to vector<1000x1xf32>
    %div3A_52 = arith.constant 3.840000e+02 : f32
    %div3A_53 = vector.broadcast %div3A_52 : f32 to vector<1000x1xf32>
    %div3A_54 = arith.divf %broadcast_in_dim3A_51, %div3A_53 : vector<1000x1xf32>
    %sub3A = vector.broadcast %div3A_54 : vector<1000x1xf32> to vector<1000x384xf32>
    %sub3A_55 = arith.subf %dot_general3A_44, %sub3A : vector<1000x384xf32>
    %square3A = arith.mulf %sub3A_55, %sub3A_55 : vector<1000x384xf32>
    %convert_element_type3A = arith.sitofp %jit3A : i32 to f32
    %sub3A_56 = arith.constant 3.840000e+02 : f32
    %sub3A_57 = arith.subf %sub3A_56, %convert_element_type3A : f32
    %reduce_sum3A_58 = arith.constant dense<0.000000e+00> : vector<1000xf32>
    %reduce_sum3A_59 = vector.multi_reduction <add>, %square3A, %reduce_sum3A_58 [1] : vector<1000x384xf32> to vector<1000xf32>
    %broadcast_in_dim3A_60 = vector.shape_cast %reduce_sum3A_59 : vector<1000xf32> to vector<1000x1xf32>
    %div3A_61 = vector.broadcast %sub3A_57 : f32 to vector<1000x1xf32>
    %div3A_62 = arith.divf %broadcast_in_dim3A_60, %div3A_61 : vector<1000x1xf32>
    %gt3A = arith.constant 0.000000e+00 : f32
    %gt3A_63 = arith.cmpf ogt, %sub3A_57, %gt3A : f32
    %jit3A_64 = arith.constant 0x7FC00000 : f32
    %broadcast_in_dim3A_65 = vector.broadcast %jit3A_64 : f32 to vector<1000x1xf32>
    %select_n3A = arith.select %gt3A_63, %div3A_62, %broadcast_in_dim3A_65 : vector<1000x1xf32>
    %sub3A_66 = vector.broadcast %div3A_48 : vector<1000x1xf32> to vector<1000x384xf32>
    %sub3A_67 = arith.subf %dot_general3A_44, %sub3A_66 : vector<1000x384xf32>
    %add3A_68 = arith.constant 9.99999974E-6 : f32
    %add3A_69 = vector.broadcast %add3A_68 : f32 to vector<1000x1xf32>
    %add3A_70 = arith.addf %select_n3A, %add3A_69 : vector<1000x1xf32>
    %sqrt3A = math.sqrt %add3A_70 : vector<1000x1xf32>
    %div3A_71 = vector.broadcast %sqrt3A : vector<1000x1xf32> to vector<1000x384xf32>
    %div3A_72 = arith.divf %sub3A_67, %div3A_71 : vector<1000x384xf32>
    %get3A_73 = arith.constant 0 : index
    %get3A_74 = arith.constant 0 : index
    %get3A_75 = vector.load %arg5[%get3A_73, %get3A_74] : memref<384x128xf32, #tpu.memory_space<vmem>>, vector<384x128xf32>
    %dot_general3A_76 = arith.constant dense<0.000000e+00> : vector<1000x384xf32>
    %dot_general3A_77 = tpu.matmul %get3A_1, %get3A_75, %dot_general3A_76 {dimension_numbers = #tpu.dot_dimension_numbers<[1], [1], [0], [0], [0, 0, 1, 0], [], []>, transpose_lhs_hint = false} : vector<1000x128xf32>, vector<384x128xf32>, vector<1000x384xf32> -> vector<1000x384xf32>
    %reduce_sum3A_78 = arith.constant dense<0.000000e+00> : vector<1000xf32>
    %reduce_sum3A_79 = vector.multi_reduction <add>, %dot_general3A_77, %reduce_sum3A_78 [1] : vector<1000x384xf32> to vector<1000xf32>
    %broadcast_in_dim3A_80 = vector.shape_cast %reduce_sum3A_79 : vector<1000xf32> to vector<1000x1xf32>
    %div3A_81 = arith.constant 3.840000e+02 : f32
    %div3A_82 = vector.broadcast %div3A_81 : f32 to vector<1000x1xf32>
    %div3A_83 = arith.divf %broadcast_in_dim3A_80, %div3A_82 : vector<1000x1xf32>
    %jit3A_84 = arith.constant 0 : i32
    %reduce_sum3A_85 = arith.constant dense<0.000000e+00> : vector<1000xf32>
    %reduce_sum3A_86 = vector.multi_reduction <add>, %dot_general3A_77, %reduce_sum3A_85 [1] : vector<1000x384xf32> to vector<1000xf32>
    %broadcast_in_dim3A_87 = vector.shape_cast %reduce_sum3A_86 : vector<1000xf32> to vector<1000x1xf32>
    %div3A_88 = arith.constant 3.840000e+02 : f32
    %div3A_89 = vector.broadcast %div3A_88 : f32 to vector<1000x1xf32>
    %div3A_90 = arith.divf %broadcast_in_dim3A_87, %div3A_89 : vector<1000x1xf32>
    %sub3A_91 = vector.broadcast %div3A_90 : vector<1000x1xf32> to vector<1000x384xf32>
    %sub3A_92 = arith.subf %dot_general3A_77, %sub3A_91 : vector<1000x384xf32>
    %square3A_93 = arith.mulf %sub3A_92, %sub3A_92 : vector<1000x384xf32>
    %convert_element_type3A_94 = arith.sitofp %jit3A_84 : i32 to f32
    %sub3A_95 = arith.constant 3.840000e+02 : f32
    %sub3A_96 = arith.subf %sub3A_95, %convert_element_type3A_94 : f32
    %reduce_sum3A_97 = arith.constant dense<0.000000e+00> : vector<1000xf32>
    %reduce_sum3A_98 = vector.multi_reduction <add>, %square3A_93, %reduce_sum3A_97 [1] : vector<1000x384xf32> to vector<1000xf32>
    %broadcast_in_dim3A_99 = vector.shape_cast %reduce_sum3A_98 : vector<1000xf32> to vector<1000x1xf32>
    %div3A_100 = vector.broadcast %sub3A_96 : f32 to vector<1000x1xf32>
    %div3A_101 = arith.divf %broadcast_in_dim3A_99, %div3A_100 : vector<1000x1xf32>
    %gt3A_102 = arith.constant 0.000000e+00 : f32
    %gt3A_103 = arith.cmpf ogt, %sub3A_96, %gt3A_102 : f32
    %jit3A_104 = arith.constant 0x7FC00000 : f32
    %broadcast_in_dim3A_105 = vector.broadcast %jit3A_104 : f32 to vector<1000x1xf32>
    %select_n3A_106 = arith.select %gt3A_103, %div3A_101, %broadcast_in_dim3A_105 : vector<1000x1xf32>
    %sub3A_107 = vector.broadcast %div3A_83 : vector<1000x1xf32> to vector<1000x384xf32>
    %sub3A_108 = arith.subf %dot_general3A_77, %sub3A_107 : vector<1000x384xf32>
    %add3A_109 = arith.constant 9.99999974E-6 : f32
    %add3A_110 = vector.broadcast %add3A_109 : f32 to vector<1000x1xf32>
    %add3A_111 = arith.addf %select_n3A_106, %add3A_110 : vector<1000x1xf32>
    %sqrt3A_112 = math.sqrt %add3A_111 : vector<1000x1xf32>
    %div3A_113 = vector.broadcast %sqrt3A_112 : vector<1000x1xf32> to vector<1000x384xf32>
    %div3A_114 = arith.divf %sub3A_108, %div3A_113 : vector<1000x384xf32>
    %get3A_115 = arith.constant 0 : index
    %get3A_116 = arith.constant 0 : index
    %get3A_117 = vector.load %arg6[%get3A_115, %get3A_116] : memref<1x384xf32, #tpu.memory_space<vmem>>, vector<1x384xf32>
    %get3A_118 = arith.constant 0 : index
    %get3A_119 = arith.constant 0 : index
    %get3A_120 = vector.load %arg7[%get3A_118, %get3A_119] : memref<1x384xf32, #tpu.memory_space<vmem>>, vector<1x384xf32>
    %slice3A = vector.extract_strided_slice %div3A_72 {offsets = [0, 0], sizes = [1000, 128], strides = [1, 1]} : vector<1000x384xf32> to vector<1000x128xf32>
    %slice3A_121 = vector.extract_strided_slice %div3A_72 {offsets = [0, 128], sizes = [1000, 128], strides = [1, 1]} : vector<1000x384xf32> to vector<1000x128xf32>
    %slice3A_122 = vector.extract_strided_slice %div3A_72 {offsets = [0, 256], sizes = [1000, 128], strides = [1, 1]} : vector<1000x384xf32> to vector<1000x128xf32>
    %slice3A_123 = vector.extract_strided_slice %div3A_114 {offsets = [0, 0], sizes = [1000, 128], strides = [1, 1]} : vector<1000x384xf32> to vector<1000x128xf32>
    %slice3A_124 = vector.extract_strided_slice %div3A_114 {offsets = [0, 128], sizes = [1000, 128], strides = [1, 1]} : vector<1000x384xf32> to vector<1000x128xf32>
    %slice3A_125 = vector.extract_strided_slice %div3A_114 {offsets = [0, 256], sizes = [1000, 128], strides = [1, 1]} : vector<1000x384xf32> to vector<1000x128xf32>
    %slice3A_126 = vector.extract_strided_slice %get3A_117 {offsets = [0, 0], sizes = [1, 128], strides = [1, 1]} : vector<1x384xf32> to vector<1x128xf32>
    %slice3A_127 = vector.extract_strided_slice %get3A_117 {offsets = [0, 128], sizes = [1, 128], strides = [1, 1]} : vector<1x384xf32> to vector<1x128xf32>
    %slice3A_128 = vector.extract_strided_slice %get3A_117 {offsets = [0, 256], sizes = [1, 128], strides = [1, 1]} : vector<1x384xf32> to vector<1x128xf32>
    %slice3A_129 = vector.extract_strided_slice %get3A_120 {offsets = [0, 0], sizes = [1, 128], strides = [1, 1]} : vector<1x384xf32> to vector<1x128xf32>
    %slice3A_130 = vector.extract_strided_slice %get3A_120 {offsets = [0, 128], sizes = [1, 128], strides = [1, 1]} : vector<1x384xf32> to vector<1x128xf32>
    %slice3A_131 = vector.extract_strided_slice %get3A_120 {offsets = [0, 256], sizes = [1, 128], strides = [1, 1]} : vector<1x384xf32> to vector<1x128xf32>
    %add3A_132 = vector.broadcast %slice3A_126 : vector<1x128xf32> to vector<1000x128xf32>
    %add3A_133 = arith.addf %slice3A, %add3A_132 : vector<1000x128xf32>
    %add3A_134 = arith.addf %add3A_133, %slice3A_123 : vector<1000x128xf32>
    %add3A_135 = vector.broadcast %slice3A_129 : vector<1x128xf32> to vector<1000x128xf32>
    %add3A_136 = arith.addf %add3A_134, %add3A_135 : vector<1000x128xf32>
    %logistic3A_137 = arith.negf %add3A_136 : vector<1000x128xf32>
    %logistic3A_138 = math.exp %logistic3A_137 : vector<1000x128xf32>
    %logistic3A_139 = arith.constant 1.000000e+00 : f32
    %logistic3A_140 = vector.broadcast %logistic3A_139 : f32 to vector<1000x128xf32>
    %logistic3A_141 = arith.addf %logistic3A_140, %logistic3A_138 : vector<1000x128xf32>
    %logistic3A_142 = arith.divf %logistic3A_140, %logistic3A_141 : vector<1000x128xf32>
    %add3A_143 = vector.broadcast %slice3A_127 : vector<1x128xf32> to vector<1000x128xf32>
    %add3A_144 = arith.addf %slice3A_121, %add3A_143 : vector<1000x128xf32>
    %add3A_145 = arith.addf %add3A_144, %slice3A_124 : vector<1000x128xf32>
    %add3A_146 = vector.broadcast %slice3A_130 : vector<1x128xf32> to vector<1000x128xf32>
    %add3A_147 = arith.addf %add3A_145, %add3A_146 : vector<1000x128xf32>
    %logistic3A_148 = arith.negf %add3A_147 : vector<1000x128xf32>
    %logistic3A_149 = math.exp %logistic3A_148 : vector<1000x128xf32>
    %logistic3A_150 = arith.constant 1.000000e+00 : f32
    %logistic3A_151 = vector.broadcast %logistic3A_150 : f32 to vector<1000x128xf32>
    %logistic3A_152 = arith.addf %logistic3A_151, %logistic3A_149 : vector<1000x128xf32>
    %logistic3A_153 = arith.divf %logistic3A_151, %logistic3A_152 : vector<1000x128xf32>
    %add3A_154 = vector.broadcast %slice3A_128 : vector<1x128xf32> to vector<1000x128xf32>
    %add3A_155 = arith.addf %slice3A_122, %add3A_154 : vector<1000x128xf32>
    %add3A_156 = vector.broadcast %slice3A_131 : vector<1x128xf32> to vector<1000x128xf32>
    %add3A_157 = arith.addf %slice3A_125, %add3A_156 : vector<1000x128xf32>
    %mul3A_158 = arith.mulf %logistic3A_142, %add3A_157 : vector<1000x128xf32>
    %add3A_159 = arith.addf %add3A_155, %mul3A_158 : vector<1000x128xf32>
    %tanh3A = math.tanh %add3A_159 : vector<1000x128xf32>
    %sub3A_160 = arith.subf %get3A_1, %tanh3A : vector<1000x128xf32>
    %mul3A_161 = arith.mulf %logistic3A_153, %sub3A_160 : vector<1000x128xf32>
    %add3A_162 = arith.addf %tanh3A, %mul3A_161 : vector<1000x128xf32>
    %swap3A = arith.constant 0 : index
    %swap3A_163 = arith.constant 0 : index
    %swap3A_164 = vector.load %arg10[%swap3A, %swap3A_163] : memref<1000x128xf32, #tpu.memory_space<vmem>>, vector<1000x128xf32>
    tpu.vector_store %arg10[%swap3A, %swap3A_163], %add3A_162 {strides = array<i32>} : memref<1000x128xf32, #tpu.memory_space<vmem>>, vector<1000x128xf32>,
    return
  }
  func.func @transform_0(%arg0: i32) -> (i32, i32) {
    %c0_i32 = arith.constant 0 : i32
    %c0_i32_0 = arith.constant 0 : i32
    return %arg0, %c0_i32 : i32, i32
  }
  func.func @transform_1(%arg0: i32) -> (i32, i32, i32) {
    %c0_i32 = arith.constant 0 : i32
    %c0_i32_0 = arith.constant 0 : i32
    %c0_i32_1 = arith.constant 0 : i32
    return %c0_i32, %arg0, %c0_i32_0 : i32, i32, i32
  }
  func.func @transform_2(%arg0: i32) -> (i32, i32, i32) {
    %c0_i32 = arith.constant 0 : i32
    %c0_i32_0 = arith.constant 0 : i32
    %c0_i32_1 = arith.constant 0 : i32
    return %c0_i32, %arg0, %c0_i32_0 : i32, i32, i32
  }
  func.func @transform_3(%arg0: i32) -> (i32, i32) {
    %c0_i32 = arith.constant 0 : i32
    %c0_i32_0 = arith.constant 0 : i32
    %c0_i32_1 = arith.constant 0 : i32
    return %c0_i32, %c0_i32_0 : i32, i32
  }
  func.func @transform_4(%arg0: i32) -> (i32, i32) {
    %c0_i32 = arith.constant 0 : i32
    %c0_i32_0 = arith.constant 0 : i32
    %c0_i32_1 = arith.constant 0 : i32
    return %c0_i32, %c0_i32_0 : i32, i32
  }
  func.func @transform_5(%arg0: i32) -> (i32, i32) {
    %c0_i32 = arith.constant 0 : i32
    %c0_i32_0 = arith.constant 0 : i32
    %c0_i32_1 = arith.constant 0 : i32
    return %c0_i32, %c0_i32_0 : i32, i32
  }
  func.func @transform_6(%arg0: i32) -> (i32, i32) {
    %c0_i32 = arith.constant 0 : i32
    %c0_i32_0 = arith.constant 0 : i32
    %c0_i32_1 = arith.constant 0 : i32
    return %c0_i32, %c0_i32_0 : i32, i32
  }
  func.func @transform_7(%arg0: i32) -> (i32, i32) {
    %c0_i32 = arith.constant 0 : i32
    %c0_i32_0 = arith.constant 0 : i32
    %c0_i32_1 = arith.constant 0 : i32
    return %c0_i32, %c0_i32_0 : i32, i32
  }
  func.func @transform_8(%arg0: i32) -> (i32, i32) {
    %c0_i32 = arith.constant 0 : i32
    %c0_i32_0 = arith.constant 0 : i32
    %c0_i32_1 = arith.constant 0 : i32
    return %c0_i32, %c0_i32_0 : i32, i32
  }
  func.func @transform_9(%arg0: i32) -> (i32, i32) {
    %c0_i32 = arith.constant 0 : i32
    %c0_i32_0 = arith.constant 0 : i32
    return %arg0, %c0_i32 : i32, i32
  }
}

</mosaic_0001>

<sc_bundles>
// kernel: kernel.10.cloned.1.call-start
scs
__scs_entry_jumppad:
0x0: {  	(pc) =	sbr.rel $0x88, $3  }
0x1: {  	(tag) =	ssettag $0x0;
	lr =	simm.s32 $0x1  }
0x2: {  	[smem:$0x3F95] =	sst lr;
	_ =	strace $0xD0000000  }
0x3: {  	_ = 	snop  }
0x4: {  	_ = 	snop  }
0x5: {  	_ = 	snop  }
0x6: {  	_ = 	snop  }
0x7: {  	_ = 	snop  }
__scs_overlays_trampoline_lowered:
0x8: {  	[smem:$0x3FA4] =	sst s0  }
0x9: {  	[smem:$0x3FA5] =	sst s1  }
0xa: {  	[smem:$0x3FA6] =	sst s2  }
0xb: {  	[smem:$0x3FA7] =	sst s3  }
0xc: {  	[smem:$0x3FA8] =	sst s4  }
0xd: {  	[smem:$0x3FA9] =	sst s5  }
0xe: {  	[smem:$0x3FAA] =	sst s6  }
0xf: {  	[smem:$0x3FAB] =	sst s7  }
0x10: {  	[smem:$0x3FAC] =	sst s8  }
0x11: {  	[smem:$0x3FAD] =	sst s9;
	s0 =	simm.s32 @!p0 $0x0  }
0x12: {  	s1 =	sld [smem:$0x3F93];
	s0 =	simm.s32 @p0 $0x1  }
0x13: {  	[smem:$0x3FAE] =	sst s0;
	s0 =	simm.s32 @!p1 $0x0  }
0x14: {  	s2 =	sld [smem:$0x3F92];
	s0 =	simm.s32 @p1 $0x1  }
0x15: {  	[smem:$0x3FAF] =	sst s0;
	s0 =	simm.s32 @!p2 $0x0  }
0x16: {  	s3 =	sld [smem:$0x3FDB];
	s0 =	simm.s32 @p2 $0x1  }
0x17: {  	s4 =	simm.s32 $0x1BF5;
	[smem:$0x3FB1] =	sst s0  }
0x18: {  	s0 =	sld [smem:$0x3F94];
	_ =	swait.ge [sflag:s4], $0x0  }
0x19: {  	s7 =	sld [smem:$0x3F95]  }
0x1a: {  	s8 =	sadd.s32 $0xFFFFE003, lr  }
0x1b: {  	s9 =	sadd.s32 $0xFFFFFEF7, lr;
	s5 =	simm.s32 $0xFFFFFFFF;
	p2 =	slt.u32 s8, $0xFFFFF086  }
0x1c: {  	p1 =	slt.u32 s9, $0xF7A;
	s5 =	simm.s32 @!p2 $0x0  }
0x1d: {  	s5 =	simm.s32 @p1 $0x1;
	p0 =	seq.s32 s7, s2  }
0x1e: {  	s7 =	smul.u32 @!p0 $0xF7A, s2;
	p2 =	seq.s32 @!p0 s5, $0x0  }
0x1f: {  	s9 =	smul.u32 $0xF7A, s1;
	s8 =	simm.s32 @!p0 $0x1BF5;
	p2 =	por !p2, p0  }
0x20: {  	[sflag:s8] =	ssyncset.s32 @!p0 $0xFFFFF086;
	s6 =	sadd.s32 @!p0 s3, s7;
	s7 =	simm.s32 @!p0 $0x108  }
0x21: {  	s3 =	sadd.s32 s3, s9;
	s6 =	sadd.s32 @!p0 $0x88, s6;
	s7 =	simm.s32 @p2 $0x1082  }
0x22: {  	[simem:s7], [sflag:s8] =	dma.local @!p0 [hbm:s6], $0xF7A  }
0x23: {  	s9 =	sor.u32 $0xD0000000, s2;
	s6 =	simm.s32 $0x108;
	_ =	swait.ge @!p0 [sflag:s8], $0x0  }
0x24: {  	s3 =	sadd.s32 $0x88, s3;
	s6 =	simm.s32 @!p1 $0x1082;
	[sflag:s4] =	ssyncset.s32 $0xFFFFF086  }
0x25: {  	[simem:s6], [sflag:s4] =	dma.local [hbm:s3], $0xF7A  }
0x26: {  	[smem:$0x3F95] =	sst s1;
	(tag) =	ssettag s2;
	_ =	strace s9  }
0x27: {  	s1 =	sld [smem:$0x3FA5]  }
0x28: {  	s2 =	sld [smem:$0x3FA6]  }
0x29: {  	s4 =	sld [smem:$0x3FA8]  }
0x2a: {  	p0 =	seq.s32 s5, $0x0;
	s5 =	sld [smem:$0x3FA9]  }
0x2b: {  	s6 =	sld [smem:$0x3FAA]  }
0x2c: {  	s7 =	sld [smem:$0x3FAB]  }
0x2d: {  	s3 =	simm.s32 $0x108;
	s8 =	sld [smem:$0x3FAC]  }
0x2e: {  	s3 =	simm.s32 @!p0 $0x1082;
	s9 =	sld [smem:$0x3FAD]  }
0x2f: {  	lr =	sadd.s32 s0, s3;
	s0 =	sld [smem:$0x3FA4]  }
0x30: {  	s3 =	sld [smem:$0x3FA7]  }
0x31: {  	[smem:$0x3FB0] =	sst s10  }
0x32: {  	s10 =	sld [smem:$0x3FAE];
	_ =	sdelay $0x3  }
0x33: {  	p0 =	seq.s32 s10, $0x1;
	s10 =	sld [smem:$0x3FB0];
	_ =	sdelay $0x3  }
0x34: {  	[smem:$0x3FB0] =	sst s10  }
0x35: {  	s10 =	sld [smem:$0x3FAF];
	_ =	sdelay $0x3  }
0x36: {  	p1 =	seq.s32 s10, $0x1;
	s10 =	sld [smem:$0x3FB0];
	_ =	sdelay $0x3  }
0x37: {  	[smem:$0x3FB0] =	sst s10  }
0x38: {  	s10 =	sld [smem:$0x3FB1]  }
0x39: {  	_ = 	snop;
	(pc) =	sbr.ind lr, $3  }
0x3a: {  	_ = 	snop  }
0x3b: {  	_ = 	snop  }
0x3c: {  	p2 =	seq.s32 s10, $0x1;
	s10 =	sld [smem:$0x3FB0]  }
0x3d: {  	_ =	shalt  }
0x3e: {  	_ =	shalt  }
0x3f: {  	_ =	shalt  }
0x40: {  	_ =	shalt  }
0x41: {  	_ =	shalt  }
0x42: {  	_ =	shalt  }
0x43: {  	_ =	shalt  }
0x44: {  	_ =	shalt  }
0x45: {  	_ =	shalt  }
0x46: {  	_ =	shalt  }
0x47: {  	_ =	shalt  }
0x48: {  	_ =	shalt  }
0x49: {  	_ =	shalt  }
0x4a: {  	_ =	shalt  }
0x4b: {  	_ =	shalt  }
0x4c: {  	_ =	shalt  }
0x4d: {  	_ =	shalt  }
0x4e: {  	_ =	shalt  }
0x4f: {  	_ =	shalt  }
0x50: {  	_ =	shalt  }
0x51: {  	_ =	shalt  }
0x52: {  	_ =	shalt  }
0x53: {  	_ =	shalt  }
0x54: {  	_ =	shalt  }
0x55: {  	_ =	shalt  }
0x56: {  	_ =	shalt  }
0x57: {  	_ =	shalt  }
0x58: {  	_ =	shalt  }
0x59: {  	_ =	shalt  }
0x5a: {  	_ =	shalt  }
0x5b: {  	_ =	shalt  }
0x5c: {  	_ =	shalt  }
0x5d: {  	_ =	shalt  }
0x5e: {  	_ =	shalt  }
0x5f: {  	_ =	shalt  }
0x60: {  	_ =	shalt  }
0x61: {  	_ =	shalt  }
0x62: {  	_ =	shalt  }
0x63: {  	_ =	shalt  }
0x64: {  	_ =	shalt  }
0x65: {  	_ =	shalt  }
0x66: {  	_ =	shalt  }
0x67: {  	_ =	shalt  }
0x68: {  	_ =	shalt  }
0x69: {  	_ =	shalt  }
0x6a: {  	_ =	shalt  }
0x6b: {  	_ =	shalt  }
0x6c: {  	_ =	shalt  }
0x6d: {  	_ =	shalt  }
0x6e: {  	_ =	shalt  }
0x6f: {  	_ =	shalt  }
0x70: {  	_ =	shalt  }
0x71: {  	_ =	shalt  }
0x72: {  	_ =	shalt  }
0x73: {  	_ =	shalt  }
0x74: {  	_ =	shalt  }
0x75: {  	_ =	shalt  }
0x76: {  	_ =	shalt  }
0x77: {  	_ =	shalt  }
0x78: {  	_ =	shalt  }
0x79: {  	_ =	shalt  }
0x7a: {  	_ =	shalt  }
0x7b: {  	_ =	shalt  }
0x7c: {  	_ =	shalt  }
0x7d: {  	_ =	shalt  }
0x7e: {  	_ =	shalt  }
0x7f: {  	_ =	shalt  }
0x80: {  	_ =	shalt  }
0x81: {  	_ =	shalt  }
0x82: {  	_ =	shalt  }
0x83: {  	_ =	shalt  }
0x84: {  	_ =	shalt  }
0x85: {  	_ =	shalt  }
0x86: {  	_ =	shalt  }
0x87: {  	_ =	shalt  }
.Lfunc_end0:
.L_simem_size_0:
called_computation.1_lowered:
.L_overlay_start_0:
0x88: {  	s2 =	sld [smem:$0x3FD9]  }
0x89: {  	s3 =	sld [smem:$0x3FFE];
	_ =	sdelay $0x1  }
0x8a: {  	s1 =	srdreg.scid  }
0x8b: {  	s0 =	sand.u32 $0x1, s1  }
0x8c: {  	s17 =	sshll.u32 s0, $0xA;
	s2 =	sadd.s32 s3, s2  }
0x8d: {  	s2 =	sadd.s32 s2, s17  }
0x8e: {  	[smem:$0x3FBC] =	sst s2  }
0x8f: {  	_ = 	snop  }
0x90: {  	s2 =	sld [smem:$0x3FD0];
	(tm) =	ssettm $0x1  }
0x91: {  	s18 =	sld [smem:$0x3FFB];
	_ =	sdelay $0x3  }
0x92: {  	_ =	strace s18  }
0x93: {  	s3 =	sld [smem:$0x3FFC];
	_ =	sdelay $0x3  }
0x94: {  	_ =	strace s3  }
0x95: {  	s3 =	sld [smem:$0x3FFD];
	_ =	sdelay $0x3  }
0x96: {  	_ =	strace s3  }
0x97: {  	_ =	strace $0x8FFFFFFF  }
0x98: {  	s19 =	sld [smem:$0x3FDB];
	_ =	sdelay $0x1  }
0x99: {  	s4 =	simm.s32 $_scs_section_size  }
0x9a: {  	s5 =	simm.s32 $_size__tile_overlayer_lowered;
	s6 =	simm.s32 $_tile_overlayer_lowered  }
0x9b: {  	s22 =	simm.s32 $0x1BFF;
	s21 =	sshll.u32 s6, $0x1;
	s3 =	sadd.s32 s4, s19  }
0x9c: {  	s7 =	simm.s32 $0x0;
	s20 =	sshll.u32 s5, $0x1;
	s5 =	sadd.s32 s21, s3  }
0x9d: {  	[timem:s7], [sflag:s22] =	dma.local [hbm:s5], s20  }
0x9e: {  	_ =	swait.ge [sflag:s22], s20  }
0x9f: {  	s4 =	ssub.s32 $0x0, s20;
	[sflag:s22] =	ssyncset.done $0x0  }
0xa0: {  	[sflag:s22] =	ssyncadd.s32 s4;
	_ =	sdelay $0x1  }
0xa1: {  	s23 =	simm.s32 $0x1B8B  }
0xa2: {  	_ =	swait.ge [sflag:s23], $0x1  }
0xa3: {  	[sflag:s23] =	ssyncset.done $0x0  }
0xa4: {  	s25 =	simm.s32 $0x1B8E;
	s24 =	sld [smem:$0x3FFE];
	[sflag:s23] =	ssyncadd.s32 $0xFFFFFFFF  }
0xa5: {  	s26 =	simm.s32 $execute0_lowered;
	[smem:$0x3FD2] =	sst s25  }
0xa6: {  	s5 =	sshll.u32 s26, $0x1;
	_ =	strace $0x80000049;
	[dreg:$0x1] =	wrdreg $0xFFFFFFFF  }
0xa7: {  	s28 =	simm.s32 $_size_execute0_lowered;
	s3 =	sadd.s32 s3, s5;
	[dreg:$0x0] =	wrdreg $0x0  }
0xa8: {  	s5 =	sshll.u32 s28, $0x1;
	[dreg:$0x2] =	wrdreg s3  }
0xa9: {  	[dreg:$0x3] =	wrdreg s5  }
0xaa: {  	[dreg:$0x4] =	wrdreg $0xC0  }
0xab: {  	_ =	task [dreg:s7], $0x5FFFF  }
0xac: {  	[dreg:$0x1] =	wrdreg $0xFFFFFFFF  }
0xad: {  	[dreg:$0x0] =	wrdreg $0x60  }
0xae: {  	[dreg:$0x2] =	wrdreg s2  }
0xaf: {  	[dreg:$0x3] =	wrdreg s24  }
0xb0: {  	[dreg:$0x4] =	wrdreg $0xB9000  }
0xb1: {  	[dreg:$0x5] =	wrdreg $0x9  }
0xb2: {  	_ =	task.clear_ibuf [dreg:s7], $0x6FFFF;
	_ =	strace $0x90000049  }
0xb3: {  	s29 =	simm.s32 $0x9;
	_ =	strace $0x8000004B  }
0xb4: {  	_ =	swait.ge [sflag:s29], $0x1  }
0xb5: {  	[sflag:s29] =	ssyncadd.s32 $0xFFFFFFFF  }
0xb6: {  	_ =	strace $0x9000004B  }
0xb7: {  	_ =	sfence  }
0xb8: {  	s30 =	sld [smem:$0x0];
	_ =	sdelay $0x2  }
0xb9: {  	s31 =	sshll.u32 s1, $0xD;
	s1 =	sshrl.u32 s1, $0x2  }
0xba: {  	s3 =	sand.u32 $0x4000, s31;
	s1 =	sadd.s32 s1, s30  }
0xbb: {  	s0 =	sor.u32 s3, s0;
	s1 =	sshll.u32 s1, $0x11  }
0xbc: {  	s0 =	sor.u32 s1, s0  }
0xbd: {  	s0 =	sadd.s32 $0x8F2B, s0  }
0xbe: {  	[sflag:s0] =	ssyncadd.remote.s32 $0x1  }
0xbf: {  	_ =	sfence.sel $0xFFFF  }
0xc0: {  	[dreg:$0x0] =	wrdreg $0xFFFFFFFF;
	(pc) =	sbr.abs _section_cstart, $3  }
0xc1: {  	[dreg:$0x1] =	wrdreg $0xFFFFFFFF  }
0xc2: {  	_ =	task.clear_ibuf [dreg:s7], $0x2FFFF;
	_ =	strace $0x9FFFFFFF  }
0xc3: {  	(tm) =	ssettm $0x7FFFFFFF  }
tec
execute0_lowered:
.L_overlay_start_1:
0x0: {  	(tag) =	ssettag $0x1  }
0x1: {  	s0 =	srdreg.scid;
	s1 =	rddreg [dreg:$0x0]  }
0x2: {  	s2 =	rddreg [dreg:$0x1];
	s11 =	stileid.u32  }
0x3: {  	s5 =	simm.s32 $0x0;
	s0 =	sand.u32 $0x1, s0;
	s8 =	smul.u32 $0x2800, s11  }
0x4: {  	[smem:$0x7FF] =	sst s5;
	s9 =	smul.u32 $0x28000, s0  }
0x5: {  	s4 =	sshll.u32 s0, $0x4;
	s24 =	ssub.s32 $0x2, s0;
	s0 =	smul.u32 $0xFFFFFF40, s0  }
0x6: {  	s5 =	sadd.s32 $0x69D800, s2;
	s4 =	sor.u32 s11, s4;
	s11 =	smul.u32 $0x50000, s11  }
0x7: {  	s3 =	rddreg [dreg:$0x2];
	_ =	strace $0x8000004A;
	s7 =	smul.u32 $0x680, s4  }
0x8: {  	s25 =	sshrl.u32 s24, $0x1;
	s6 =	smul.u32 $0x1A0, s4;
	s8 =	sadd.s32 s8, s9  }
0x9: {  	s26 =	ssub.s32 s24, s25;
	s4 =	smul.u32 $0x34000, s4;
	s12 =	sshrl.u32 s11, $0x2  }
0xa: {  	s16 =	smax.u32 s26, $0x1;
	s10 =	sadd.s32 s7, s2;
	s2 =	sadd.s32 s8, s2  }
0xb: {  	s7 =	sadd.s32 $0x1A0, s0;
	[dreg:$0x8] =	wrdreg s16;
	s9 =	sadd.s32 $0x683800, s10  }
0xc: {  	s11 =	sadd.s32 s5, s4;
	s13 =	sadd.s32 $0x690800, s10;
	[dreg:$0x4] =	wrdreg s9  }
0xd: {  	s8 =	simm.s32 $0x4;
	s14 =	sadd.s32 $0x200, s11;
	[dreg:$0x5] =	wrdreg s13  }
0xe: {  	s16 =	simm.s32 $0x3;
	s15 =	sadd.s32 $0x3800, s2;
	[dreg:$0x6] =	wrdreg s14  }
0xf: {  	s10 =	sadd.s32 s12, s3;
	s12 =	simm.s32 $0x20;
	[dreg:$0x7] =	wrdreg s15  }
0x10: {  	s17 =	sadd.s32 $0x1000, s10;
	s18 =	sadd.s32 $0x2000, s10;
	s19 =	sadd.s32 $0x3000, s10  }
0x11: {  	s20 =	sadd.s32 $0x4000, s10;
	s21 =	sadd.s32 $0x5000, s10;
	[dreg:$0x9] =	wrdreg s17  }
0x12: {  	s22 =	sadd.s32 $0x6000, s10;
	s23 =	sadd.s32 $0x7000, s10;
	[dreg:$0xa] =	wrdreg s18  }
0x13: {  	s24 =	sadd.s32 $0x8000, s10;
	s25 =	sadd.s32 $0x9000, s10;
	[dreg:$0xb] =	wrdreg s19  }
0x14: {  	s26 =	sadd.s32 $0xA000, s10;
	s28 =	sadd.s32 $0xD000, s10;
	[dreg:$0xc] =	wrdreg s20  }
0x15: {  	s29 =	sadd.s32 $0xE000, s10;
	s30 =	sadd.s32 $0xF000, s10;
	[dreg:$0xd] =	wrdreg s21  }
0x16: {  	s31 =	sadd.s32 $0x10000, s10;
	s2 =	sadd.s32 $0x11000, s10;
	[dreg:$0xe] =	wrdreg s22  }
.Ltmp0:
0x17: {  	s0 =	sadd.s32 $0x12000, s10;
	[dreg:$0xf] =	wrdreg s23;
	(pc) =	sbr.rel .LBB2_1-.Ltmp0, $4  }
0x18: {  	s4 =	sadd.s32 $0x13000, s10;
	s9 =	simm.s32 $0xA900;
	[dreg:$0x10] =	wrdreg s24  }
0x19: {  	s13 =	simm.s32 $0x1;
	s14 =	simm.s32 $0x6800;
	[dreg:$0x11] =	wrdreg s25  }
0x1a: {  	s15 =	simm.s32 $0x2;
	[dreg:$0x12] =	wrdreg s26;
	s25 =	sadd.s32 $0xB000, s10  }
0x1b: {  	v0 =	vimm.f32 $0.0e+00;
	s26 =	sadd.s32 $0xC000, s10;
	s17 =	simm.s32 $0x6880;
	s18 =	simm.s32 $0x0  }
.LBB2_13:
0x1c: {  	_ =	swait.ge [sflag:s16], $0x1000  }
0x1d: {  	[sflag:s16] =	ssyncset.done $0x0  }
0x1e: {  	s19 =	stileid.u32;
	[sflag:s16] =	ssyncadd.s32 $0xFFFFF000  }
0x1f: {  	s19 =	sshll.u32 s19, $0x6;
	[bflag:$0x0] =	sbarrier.arrive $0xFFFF  }
0x20: {  	s20 =	sshrl.u32 s10, $0x3;
	s19 =	sor.u32 $0x1C04, s19;
	s21 =	rddreg [dreg:$0x7]  }
0x21: {  	[hbm:s21], [sflag:s19] =	dma.local [spmem:s20], $0x2800  }
0x22: {  	_ =	swait.ge [sflag:s8], $0x2800  }
0x23: {  	s18 =	sadd.s32 $0x1, s18;
	s24 =	rddreg [dreg:$0x8]  }
0x24: {  	p0 =	sne.s32 s18, s24  }
.Ltmp1:
0x25: {  	_ = 	snop;
	(pc) =	sbr.rel @!p0 .LBB2_14-.Ltmp1, $3  }
0x26: {  	_ =	sdelay $0x1  }
0x27: {  	[sflag:s8] =	ssyncset.done $0x0  }
0x28: {  	[sflag:s8] =	ssyncadd.s32 $0xFFFFD800  }
.LBB2_1:
0x29: {  	s19 =	simm.s32 $0x0;
	s20 =	rddreg [dreg:$0x4]  }
0x2a: {  	[tilespmem:s19], [sflag:$0x4] =	stream.linear.gather [hbm4b:s20+s19], $0x3400, $0x38;
	[tilespmem:$0x1F900] =	vst v63  }
0x2b: {  	_ =	swait.ge [sflag:s8], $0x3400  }
0x2c: {  	[sflag:s8] =	ssyncset.done $0x0  }
0x2d: {  	s21 =	simm.s32 $0x3400;
	s24 =	rddreg [dreg:$0x5];
	[sflag:s8] =	ssyncadd.s32 $0xFFFFCC00  }
0x2e: {  	[tilespmem:s21], [sflag:$0x4] =	stream.linear.gather [hbm4b:s24+s19], $0x3400, $0x38;
	[tilespmem:$0x1F900] =	vst v63  }
0x2f: {  	_ =	swait.ge [sflag:s8], $0x3400  }
0x30: {  	[sflag:s8] =	ssyncset.done $0x0  }
0x31: {  	s20 =	simm.s32 $0x200;
	s19 =	simm.s32 $0x0;
	[sflag:s8] =	ssyncadd.s32 $0xFFFFCC00  }
.LBB2_2:
0x32: {  	p0 =	sne.s32 s20, $0x3E00;
	[tilespmem:s19+$0xA970] =	vst v0  }
0x33: {  	[tilespmem:s19+$0xA900] =	vst v0  }
0x34: {  	[tilespmem:s19+$0xA910] =	vst v0  }
.Ltmp2:
0x35: {  	[tilespmem:s19+$0xA920] =	vst v0;
	(pc) =	sbr.rel @p0 .LBB2_2-.Ltmp2, $4  }
0x36: {  	[tilespmem:s19+$0xA930] =	vst v0  }
0x37: {  	[tilespmem:s19+$0xA940] =	vst v0  }
0x38: {  	[tilespmem:s19+$0xA950] =	vst v0  }
0x39: {  	[tilespmem:s19+$0xA960] =	vst v0;
	s19 =	sshra.s32 s20, $0x2;
	s20 =	sadd.s32 $0x200, s20  }
0x3a: {  	[tilespmem:s19+$0xA970] =	vst v0  }
0x3b: {  	[tilespmem:s19+$0xA900] =	vst v0  }
0x3c: {  	[tilespmem:s19+$0xA910] =	vst v0  }
0x3d: {  	[tilespmem:s19+$0xA920] =	vst v0  }
0x3e: {  	[tilespmem:s19+$0xA930] =	vst v0  }
0x3f: {  	[tilespmem:s19+$0xA940] =	vst v0  }
0x40: {  	[tilespmem:s19+$0xA950] =	vst v0  }
0x41: {  	[tilespmem:s19+$0xA960] =	vst v0  }
0x42: {  	[spmem:s10] =	stream.linear.scatter [tilespmem:s9], [sflag:$0x4], $0x1000, $0x38;
	[tilespmem:$0x1F900] =	vst v63  }
0x43: {  	_ =	swait.ge [sflag:s8], $0x1000  }
0x44: {  	[sflag:s8] =	ssyncset.done $0x0  }
0x45: {  	s22 =	rddreg [dreg:$0x9];
	[sflag:s8] =	ssyncadd.s32 $0xFFFFF000  }
0x46: {  	[spmem:s22] =	stream.linear.scatter [tilespmem:s9], [sflag:$0x4], $0x1000, $0x38;
	[tilespmem:$0x1F900] =	vst v63  }
0x47: {  	_ =	swait.ge [sflag:s8], $0x1000  }
0x48: {  	[sflag:s8] =	ssyncset.done $0x0  }
0x49: {  	s23 =	rddreg [dreg:$0xa];
	[sflag:s8] =	ssyncadd.s32 $0xFFFFF000  }
0x4a: {  	[spmem:s23] =	stream.linear.scatter [tilespmem:s9], [sflag:$0x4], $0x1000, $0x38;
	[tilespmem:$0x1F900] =	vst v63  }
0x4b: {  	_ =	swait.ge [sflag:s8], $0x1000  }
0x4c: {  	[sflag:s8] =	ssyncset.done $0x0  }
0x4d: {  	s24 =	rddreg [dreg:$0xb];
	[sflag:s8] =	ssyncadd.s32 $0xFFFFF000  }
0x4e: {  	[spmem:s24] =	stream.linear.scatter [tilespmem:s9], [sflag:$0x4], $0x1000, $0x38;
	[tilespmem:$0x1F900] =	vst v63  }
0x4f: {  	_ =	swait.ge [sflag:s8], $0x1000  }
0x50: {  	[sflag:s8] =	ssyncset.done $0x0  }
0x51: {  	s20 =	rddreg [dreg:$0xc];
	[sflag:s8] =	ssyncadd.s32 $0xFFFFF000  }
0x52: {  	[spmem:s20] =	stream.linear.scatter [tilespmem:s9], [sflag:$0x4], $0x1000, $0x38;
	[tilespmem:$0x1F900] =	vst v63  }
0x53: {  	_ =	swait.ge [sflag:s8], $0x1000  }
0x54: {  	[sflag:s8] =	ssyncset.done $0x0  }
0x55: {  	s21 =	rddreg [dreg:$0xd];
	[sflag:s8] =	ssyncadd.s32 $0xFFFFF000  }
0x56: {  	[spmem:s21] =	stream.linear.scatter [tilespmem:s9], [sflag:$0x4], $0x1000, $0x38;
	[tilespmem:$0x1F900] =	vst v63  }
0x57: {  	_ =	swait.ge [sflag:s8], $0x1000  }
0x58: {  	[sflag:s8] =	ssyncset.done $0x0  }
0x59: {  	s22 =	rddreg [dreg:$0xe];
	[sflag:s8] =	ssyncadd.s32 $0xFFFFF000  }
0x5a: {  	[spmem:s22] =	stream.linear.scatter [tilespmem:s9], [sflag:$0x4], $0x1000, $0x38;
	[tilespmem:$0x1F900] =	vst v63  }
0x5b: {  	_ =	swait.ge [sflag:s8], $0x1000  }
0x5c: {  	[sflag:s8] =	ssyncset.done $0x0  }
0x5d: {  	s23 =	rddreg [dreg:$0xf];
	[sflag:s8] =	ssyncadd.s32 $0xFFFFF000  }
0x5e: {  	[spmem:s23] =	stream.linear.scatter [tilespmem:s9], [sflag:$0x4], $0x1000, $0x38;
	[tilespmem:$0x1F900] =	vst v63  }
0x5f: {  	_ =	swait.ge [sflag:s8], $0x1000  }
0x60: {  	[sflag:s8] =	ssyncset.done $0x0  }
0x61: {  	s24 =	rddreg [dreg:$0x10];
	[sflag:s8] =	ssyncadd.s32 $0xFFFFF000  }
0x62: {  	[spmem:s24] =	stream.linear.scatter [tilespmem:s9], [sflag:$0x4], $0x1000, $0x38;
	[tilespmem:$0x1F900] =	vst v63  }
0x63: {  	_ =	swait.ge [sflag:s8], $0x1000  }
0x64: {  	[sflag:s8] =	ssyncset.done $0x0  }
0x65: {  	s20 =	rddreg [dreg:$0x11];
	[sflag:s8] =	ssyncadd.s32 $0xFFFFF000  }
0x66: {  	[spmem:s20] =	stream.linear.scatter [tilespmem:s9], [sflag:$0x4], $0x1000, $0x38;
	[tilespmem:$0x1F900] =	vst v63  }
0x67: {  	_ =	swait.ge [sflag:s8], $0x1000  }
0x68: {  	[sflag:s8] =	ssyncset.done $0x0  }
0x69: {  	s21 =	rddreg [dreg:$0x12];
	[sflag:s8] =	ssyncadd.s32 $0xFFFFF000  }
0x6a: {  	[spmem:s21] =	stream.linear.scatter [tilespmem:s9], [sflag:$0x4], $0x1000, $0x38;
	[tilespmem:$0x1F900] =	vst v63  }
0x6b: {  	_ =	swait.ge [sflag:s8], $0x1000  }
0x6c: {  	[sflag:s8] =	ssyncset.done $0x0  }
0x6d: {  	[sflag:s8] =	ssyncadd.s32 $0xFFFFF000  }
0x6e: {  	[spmem:s25] =	stream.linear.scatter [tilespmem:s9], [sflag:$0x4], $0x1000, $0x38;
	[tilespmem:$0x1F900] =	vst v63  }
0x6f: {  	_ =	swait.ge [sflag:s8], $0x1000  }
0x70: {  	[sflag:s8] =	ssyncset.done $0x0  }
0x71: {  	[sflag:s8] =	ssyncadd.s32 $0xFFFFF000  }
0x72: {  	[spmem:s26] =	stream.linear.scatter [tilespmem:s9], [sflag:$0x4], $0x1000, $0x38;
	[tilespmem:$0x1F900] =	vst v63  }
0x73: {  	_ =	swait.ge [sflag:s8], $0x1000  }
0x74: {  	[sflag:s8] =	ssyncset.done $0x0  }
0x75: {  	[sflag:s8] =	ssyncadd.s32 $0xFFFFF000  }
0x76: {  	[spmem:s28] =	stream.linear.scatter [tilespmem:s9], [sflag:$0x4], $0x1000, $0x38;
	[tilespmem:$0x1F900] =	vst v63  }
0x77: {  	_ =	swait.ge [sflag:s8], $0x1000  }
0x78: {  	[sflag:s8] =	ssyncset.done $0x0  }
0x79: {  	[sflag:s8] =	ssyncadd.s32 $0xFFFFF000  }
0x7a: {  	[spmem:s29] =	stream.linear.scatter [tilespmem:s9], [sflag:$0x4], $0x1000, $0x38;
	[tilespmem:$0x1F900] =	vst v63  }
0x7b: {  	_ =	swait.ge [sflag:s8], $0x1000  }
0x7c: {  	[sflag:s8] =	ssyncset.done $0x0  }
0x7d: {  	[sflag:s8] =	ssyncadd.s32 $0xFFFFF000  }
0x7e: {  	[spmem:s30] =	stream.linear.scatter [tilespmem:s9], [sflag:$0x4], $0x1000, $0x38;
	[tilespmem:$0x1F900] =	vst v63  }
0x7f: {  	_ =	swait.ge [sflag:s8], $0x1000  }
0x80: {  	[sflag:s8] =	ssyncset.done $0x0  }
0x81: {  	[sflag:s8] =	ssyncadd.s32 $0xFFFFF000  }
0x82: {  	[spmem:s31] =	stream.linear.scatter [tilespmem:s9], [sflag:$0x4], $0x1000, $0x38;
	[tilespmem:$0x1F900] =	vst v63  }
0x83: {  	_ =	swait.ge [sflag:s8], $0x1000  }
0x84: {  	[sflag:s8] =	ssyncset.done $0x0  }
0x85: {  	[sflag:s8] =	ssyncadd.s32 $0xFFFFF000  }
0x86: {  	[spmem:s2] =	stream.linear.scatter [tilespmem:s9], [sflag:$0x4], $0x1000, $0x38;
	[tilespmem:$0x1F900] =	vst v63  }
0x87: {  	_ =	swait.ge [sflag:s8], $0x1000  }
0x88: {  	[sflag:s8] =	ssyncset.done $0x0  }
0x89: {  	[sflag:s8] =	ssyncadd.s32 $0xFFFFF000  }
0x8a: {  	[spmem:s0] =	stream.linear.scatter [tilespmem:s9], [sflag:$0x4], $0x1000, $0x38;
	[tilespmem:$0x1F900] =	vst v63  }
0x8b: {  	_ =	swait.ge [sflag:s8], $0x1000  }
0x8c: {  	[sflag:s8] =	ssyncset.done $0x0  }
0x8d: {  	[sflag:s8] =	ssyncadd.s32 $0xFFFFF000  }
0x8e: {  	[spmem:s4] =	stream.linear.scatter [tilespmem:s9], [sflag:$0x4], $0x1000, $0x38;
	[tilespmem:$0x1F900] =	vst v63  }
0x8f: {  	_ =	swait.ge [sflag:s8], $0x1000  }
0x90: {  	[sflag:s8] =	ssyncset.done $0x0  }
0x91: {  	[sflag:s8] =	ssyncadd.s32 $0xFFFFF000  }
0x92: {  	s19 =	simm.s32 $0x0;
	s20 =	simm.s32 $0x6900;
	[bflag:$0x0] =	sbarrier.arrive $0xFFFF  }
0x93: {  	[tilespmem:s20], [sflag:$0x1] =	stream.indirect.gather [hbm4b:s1+s12], $0x80, s19, s12, $0xb8;
	[tilespmem:$0x1F900] =	vst v63  }
0x94: {  	s22 =	simm.s32 $0x8900  }
0x95: {  	[tilespmem:s22], [sflag:$0x1] =	stream.linear.gather [hbm4b:s11+s19], $0x1000, $0x38;
	[tilespmem:$0x1F900] =	vst v63  }
.Ltmp3:
0x96: {  	_ = 	snop;
	(pc) =	sbr.rel .LBB2_4-.Ltmp3, $4  }
0x97: {  	s23 =	simm.s32 $0x7900  }
0x98: {  	[tilespmem:s23], [sflag:$0x2] =	stream.indirect.gather [hbm4b:s1+s12], $0x80, s12, s12, $0xb8;
	[tilespmem:$0x1F900] =	vst v63  }
0x99: {  	s21 =	simm.s32 $0x9900;
	s24 =	rddreg [dreg:$0x6]  }
0x9a: {  	[tilespmem:s21], [sflag:$0x2] =	stream.linear.gather [hbm4b:s24+s19], $0x1000, $0x38;
	[tilespmem:$0x1F900] =	vst v63  }
.LBB2_12:
0x9b: {  	s19 =	sadd.s32 $0x1, s19  }
0x9c: {  	p0 =	sne.s32 s19, $0xD0  }
.Ltmp4:
0x9d: {  	_ = 	snop;
	(pc) =	sbr.rel @!p0 .LBB2_13-.Ltmp4, $1  }
0x9e: {  	_ =	sdelay $0x3  }
.LBB2_4:
0x9f: {  	s20 =	sshll.u32 s19, $0x1  }
0xa0: {  	p0 =	sge.u32 s20, s7  }
.Ltmp5:
0xa1: {  	_ = 	snop;
	(pc) =	sbr.rel @p0 .LBB2_8-.Ltmp5, $1  }
0xa2: {  	_ =	sdelay $0x3  }
0xa3: {  	_ =	swait.ge [sflag:s13], $0x1000  }
0xa4: {  	[sflag:s13] =	ssyncset.done $0x0  }
0xa5: {  	[sflag:s13] =	ssyncadd.s32 $0xFFFFF000  }
0xa6: {  	_ =	swait.ge [sflag:s13], $0x1000  }
0xa7: {  	p0 =	seq.s32 s19, $0x0;
	[sflag:s13] =	ssyncset.done $0x0  }
0xa8: {  	s21 =	simm.s32 @!p0 $0x3;
	[sflag:s13] =	ssyncadd.s32 $0xFFFFF000  }
0xa9: {  	_ =	swait.ge @!p0 [sflag:s21], $0x1000  }
0xaa: {  	s22 =	sshll.u32 s19, $0x6;
	[sflag:s21] =	ssyncset.done @!p0 $0x0  }
0xab: {  	s24 =	sand.u32 $0x3FFFFFC0, s22;
	[sflag:s21] =	ssyncadd.s32 @!p0 $0xFFFFF000  }
0xac: {  	v1 =	vld [tilespmem:s24+$0x3400];
	_ =	sdelay $0x4  }
0xad: {  	[tilespmem:$0x6800] =	vst v1  }
0xae: {  	v1 =	vld [tilespmem:s24+$0x3410];
	_ =	sdelay $0x4  }
0xaf: {  	s21 =	simm.s32 $0x0;
	[tilespmem:$0x6810] =	vst v1  }
0xb0: {  	v1 =	vld [tilespmem:s21+$0x8970]  }
0xb1: {  	v2 =	vld [tilespmem:s21+$0x6970]  }
0xb2: {  	v3 =	vld [tilespmem:s21+$0x8900]  }
0xb3: {  	v4 =	vld [tilespmem:s21+$0x6900]  }
0xb4: {  	v5 =	vld [tilespmem:s21+$0x8910]  }
0xb5: {  	v6 =	vld [tilespmem:s21+$0x6910]  }
0xb6: {  	v7 =	vld [tilespmem:s21+$0x8920]  }
0xb7: {  	v8 =	vld [tilespmem:s21+$0x8930]  }
0xb8: {  	v1 =	vmul.f32 v2, v1;
	v2 =	vld [tilespmem:s21+$0x6920]  }
0xb9: {  	v9 =	vld [tilespmem:s21+$0x6930]  }
0xba: {  	v10 =	vld [tilespmem:s21+$0x6940];
	v3 =	vmul.f32 v4, v3  }
0xbb: {  	[tilespmem:s21+$0xA970] =	vst v1;
	v1 =	vmul.f32 v6, v5;
	v6 =	vld [tilespmem:s21+$0x8940]  }
0xbc: {  	v4 =	vld [tilespmem:s21+$0x6950];
	[tilespmem:s21+$0xA900] =	vst v3  }
0xbd: {  	v3 =	vld [tilespmem:s21+$0x8950];
	[tilespmem:s21+$0xA910] =	vst v1;
	v1 =	vmul.f32 v2, v7  }
0xbe: {  	v5 =	vld [tilespmem:s21+$0x6960];
	v7 =	vmul.f32 v9, v8  }
0xbf: {  	s22 =	simm.s32 $0x80;
	[tilespmem:s21+$0xA920] =	vst v1;
	v1 =	vld [tilespmem:s21+$0x8960]  }
0xc0: {  	s23 =	simm.s32 $0x400;
	v6 =	vmul.f32 v10, v6;
	v2 =	vld [tilespmem:s22+$0x8970];
	[tilespmem:s21+$0xA930] =	vst v7  }
.LBB2_6:
0xc1: {  	p0 =	sne.s32 s23, $0x3E00;
	v7 =	vld [tilespmem:s22+$0x6970]  }
0xc2: {  	v8 =	vld [tilespmem:s22+$0x8900];
	[tilespmem:s21+$0xA940] =	vst v6;
	v3 =	vmul.f32 v4, v3  }
0xc3: {  	v4 =	vld [tilespmem:s22+$0x6900]  }
0xc4: {  	v6 =	vld [tilespmem:s22+$0x8910];
	[tilespmem:s21+$0xA950] =	vst v3;
	v1 =	vmul.f32 v5, v1  }
0xc5: {  	v3 =	vld [tilespmem:s22+$0x6910]  }
0xc6: {  	v5 =	vld [tilespmem:s22+$0x8920];
	v2 =	vmul.f32 v7, v2;
	[tilespmem:s21+$0xA960] =	vst v1;
	s21 =	smov.u32 s22  }
0xc7: {  	v1 =	vld [tilespmem:s21+$0x6920]  }
0xc8: {  	v4 =	vmul.f32 v4, v8;
	v7 =	vld [tilespmem:s21+$0x8930];
	[tilespmem:s21+$0xA970] =	vst v2  }
0xc9: {  	v2 =	vld [tilespmem:s21+$0x6930]  }
0xca: {  	[tilespmem:s21+$0xA900] =	vst v4;
	v3 =	vmul.f32 v3, v6;
	v6 =	vld [tilespmem:s21+$0x8940]  }
0xcb: {  	v8 =	vld [tilespmem:s21+$0x6940]  }
.Ltmp6:
0xcc: {  	[tilespmem:s21+$0xA910] =	vst v3;
	v1 =	vmul.f32 v1, v5;
	v3 =	vld [tilespmem:s21+$0x8950];
	(pc) =	sbr.rel @p0 .LBB2_6-.Ltmp6, $4  }
0xcd: {  	v4 =	vld [tilespmem:s21+$0x6950]  }
0xce: {  	[tilespmem:s21+$0xA920] =	vst v1;
	v7 =	vmul.f32 v2, v7;
	v1 =	vld [tilespmem:s21+$0x8960]  }
0xcf: {  	s22 =	sshra.s32 s23, $0x2;
	v5 =	vld [tilespmem:s21+$0x6960]  }
0xd0: {  	s23 =	sadd.s32 $0x200, s23;
	v2 =	vld [tilespmem:s22+$0x8970];
	[tilespmem:s21+$0xA930] =	vst v7;
	v6 =	vmul.f32 v8, v6  }
0xd1: {  	v7 =	vld [tilespmem:s22+$0x6970]  }
0xd2: {  	v8 =	vld [tilespmem:s22+$0x8900];
	[tilespmem:s21+$0xA940] =	vst v6;
	v3 =	vmul.f32 v4, v3  }
0xd3: {  	v57 =	vld [tilespmem:s22+$0x6900]  }
0xd4: {  	v6 =	vld [tilespmem:s22+$0x8910];
	[tilespmem:s21+$0xA950] =	vst v3;
	v1 =	vmul.f32 v5, v1  }
0xd5: {  	v3 =	vld [tilespmem:s22+$0x6910]  }
0xd6: {  	v58 =	vld [tilespmem:s22+$0x8920];
	[tilespmem:s21+$0xA960] =	vst v1  }
0xd7: {  	v1 =	vmul.f32 v7, v2;
	v2 =	vld [tilespmem:s22+$0x6920]  }
0xd8: {  	v59 =	vld [tilespmem:s22+$0x8930]  }
0xd9: {  	v60 =	vld [tilespmem:s22+$0x8940]  }
0xda: {  	v61 =	vld [tilespmem:s22+$0x6940]  }
0xdb: {  	v62 =	vld [tilespmem:s22+$0x6950]  }
0xdc: {  	[tilespmem:s22+$0xA970] =	vst v1;
	v1 =	vld [tilespmem:s22+$0x6930];
	v3 =	vmul.f32 v3, v6  }
0xdd: {  	v63 =	vld [tilespmem:s22+$0x6960];
	v2 =	vmul.f32 v2, v58  }
0xde: {  	[tilespmem:s22+$0xA910] =	vst v3;
	v3 =	vld [tilespmem:s22+$0x8950]  }
0xdf: {  	[tilespmem:s22+$0xA920] =	vst v2;
	v2 =	vld [tilespmem:s22+$0x8960]  }
0xe0: {  	v4 =	vmul.f32 v57, v8  }
0xe1: {  	v1 =	vmul.f32 v1, v59  }
0xe2: {  	[tilespmem:s22+$0xA900] =	vst v4;
	v4 =	vmul.f32 v61, v60  }
0xe3: {  	[tilespmem:s22+$0xA930] =	vst v1;
	v1 =	vmul.f32 v62, v3  }
0xe4: {  	s21 =	sadd.s32 $0x2, s20;
	[tilespmem:s22+$0xA940] =	vst v4;
	v2 =	vmul.f32 v63, v2  }
0xe5: {  	p0 =	sge.u32 s21, s7;
	[tilespmem:s22+$0xA950] =	vst v1  }
0xe6: {  	[tilespmem:s22+$0xA960] =	vst v2;
	s22 =	sshll.u32 @!p0 s21, $0x5;
	s21 =	sadd.s32 @!p0 s6, s21  }
0xe7: {  	[spmem:s3] =	stream.indirect.scatter.add.f32 [tilespmem:s9], [sflag:$0x3], $0x80, s14, s12, $0xb8;
	[tilespmem:$0x1F900] =	vst v63  }
0xe8: {  	s24 =	simm.s32 @!p0 $0x6900;
	s21 =	sshll.u32 @!p0 s21, $0x9  }
0xe9: {  	s23 =	simm.s32 @!p0 $0x20;
	s22 =	sand.u32 @!p0 $0x3FFFFFE0, s22;
	s21 =	sand.u32 @!p0 $0x1FFFFC00, s21  }
0xea: {  	[tilespmem:s24], [sflag:$0x1] =	stream.indirect.gather @!p0 [hbm4b:s1+s23], $0x80, s22, s23, $0xb8;
	[tilespmem:$0x1F900] =	vst v63  }
0xeb: {  	s21 =	sadd.s32 @!p0 s5, s21;
	s22 =	simm.s32 @!p0 $0x0;
	s23 =	simm.s32 @!p0 $0x8900  }
0xec: {  	[tilespmem:s23], [sflag:$0x1] =	stream.linear.gather @!p0 [hbm4b:s21+s22], $0x1000, $0x38;
	[tilespmem:$0x1F900] =	vst v63  }
.LBB2_8:
0xed: {  	s21 =	sor.u32 $0x1, s20  }
0xee: {  	p0 =	sge.u32 s21, s7  }
.Ltmp7:
0xef: {  	_ = 	snop;
	(pc) =	sbr.rel @p0 .LBB2_12-.Ltmp7, $1  }
0xf0: {  	_ =	sdelay $0x3  }
0xf1: {  	_ =	swait.ge [sflag:s15], $0x1000  }
0xf2: {  	[sflag:s15] =	ssyncset.done $0x0  }
0xf3: {  	[sflag:s15] =	ssyncadd.s32 $0xFFFFF000  }
0xf4: {  	_ =	swait.ge [sflag:s15], $0x1000  }
0xf5: {  	[sflag:s15] =	ssyncset.done $0x0  }
0xf6: {  	[sflag:s15] =	ssyncadd.s32 $0xFFFFF000  }
0xf7: {  	_ =	swait.ge [sflag:s16], $0x1000  }
0xf8: {  	s21 =	sshll.u32 s21, $0x5;
	[sflag:s16] =	ssyncset.done $0x0  }
0xf9: {  	s21 =	sand.u32 $0x3FFFFFE0, s21;
	[sflag:s16] =	ssyncadd.s32 $0xFFFFF000  }
0xfa: {  	v1 =	vld [tilespmem:s21+$0x3400];
	_ =	sdelay $0x4  }
0xfb: {  	[tilespmem:$0x6880] =	vst v1  }
0xfc: {  	v1 =	vld [tilespmem:s21+$0x3410];
	_ =	sdelay $0x4  }
0xfd: {  	s21 =	simm.s32 $0x0;
	[tilespmem:$0x6890] =	vst v1  }
0xfe: {  	v1 =	vld [tilespmem:s21+$0x9970]  }
0xff: {  	v2 =	vld [tilespmem:s21+$0x7970]  }
0x100: {  	v3 =	vld [tilespmem:s21+$0x9900]  }
0x101: {  	v4 =	vld [tilespmem:s21+$0x7900]  }
0x102: {  	v5 =	vld [tilespmem:s21+$0x9910]  }
0x103: {  	v6 =	vld [tilespmem:s21+$0x7910]  }
0x104: {  	v7 =	vld [tilespmem:s21+$0x9920]  }
0x105: {  	v8 =	vld [tilespmem:s21+$0x9930]  }
0x106: {  	v1 =	vmul.f32 v2, v1;
	v2 =	vld [tilespmem:s21+$0x7920]  }
0x107: {  	v9 =	vld [tilespmem:s21+$0x7930]  }
0x108: {  	v10 =	vld [tilespmem:s21+$0x7940];
	v3 =	vmul.f32 v4, v3  }
0x109: {  	[tilespmem:s21+$0xA970] =	vst v1;
	v1 =	vmul.f32 v6, v5;
	v6 =	vld [tilespmem:s21+$0x9940]  }
0x10a: {  	v4 =	vld [tilespmem:s21+$0x7950];
	[tilespmem:s21+$0xA900] =	vst v3  }
0x10b: {  	v3 =	vld [tilespmem:s21+$0x9950];
	[tilespmem:s21+$0xA910] =	vst v1;
	v1 =	vmul.f32 v2, v7  }
0x10c: {  	v5 =	vld [tilespmem:s21+$0x7960];
	v7 =	vmul.f32 v9, v8  }
0x10d: {  	s22 =	simm.s32 $0x80;
	[tilespmem:s21+$0xA920] =	vst v1;
	v1 =	vld [tilespmem:s21+$0x9960]  }
0x10e: {  	s23 =	simm.s32 $0x400;
	v6 =	vmul.f32 v10, v6;
	v2 =	vld [tilespmem:s22+$0x9970];
	[tilespmem:s21+$0xA930] =	vst v7  }
.LBB2_10:
0x10f: {  	p0 =	sne.s32 s23, $0x3E00;
	v7 =	vld [tilespmem:s22+$0x7970]  }
0x110: {  	v8 =	vld [tilespmem:s22+$0x9900];
	[tilespmem:s21+$0xA940] =	vst v6;
	v3 =	vmul.f32 v4, v3  }
0x111: {  	v4 =	vld [tilespmem:s22+$0x7900]  }
0x112: {  	v6 =	vld [tilespmem:s22+$0x9910];
	[tilespmem:s21+$0xA950] =	vst v3;
	v1 =	vmul.f32 v5, v1  }
0x113: {  	v3 =	vld [tilespmem:s22+$0x7910]  }
0x114: {  	v5 =	vld [tilespmem:s22+$0x9920];
	v2 =	vmul.f32 v7, v2;
	[tilespmem:s21+$0xA960] =	vst v1;
	s21 =	smov.u32 s22  }
0x115: {  	v1 =	vld [tilespmem:s21+$0x7920]  }
0x116: {  	v4 =	vmul.f32 v4, v8;
	v7 =	vld [tilespmem:s21+$0x9930];
	[tilespmem:s21+$0xA970] =	vst v2  }
0x117: {  	v2 =	vld [tilespmem:s21+$0x7930]  }
0x118: {  	[tilespmem:s21+$0xA900] =	vst v4;
	v3 =	vmul.f32 v3, v6;
	v6 =	vld [tilespmem:s21+$0x9940]  }
0x119: {  	v8 =	vld [tilespmem:s21+$0x7940]  }
.Ltmp8:
0x11a: {  	[tilespmem:s21+$0xA910] =	vst v3;
	v1 =	vmul.f32 v1, v5;
	v3 =	vld [tilespmem:s21+$0x9950];
	(pc) =	sbr.rel @p0 .LBB2_10-.Ltmp8, $4  }
0x11b: {  	v4 =	vld [tilespmem:s21+$0x7950]  }
0x11c: {  	[tilespmem:s21+$0xA920] =	vst v1;
	v7 =	vmul.f32 v2, v7;
	v1 =	vld [tilespmem:s21+$0x9960]  }
0x11d: {  	s22 =	sshra.s32 s23, $0x2;
	v5 =	vld [tilespmem:s21+$0x7960]  }
0x11e: {  	s23 =	sadd.s32 $0x200, s23;
	v2 =	vld [tilespmem:s22+$0x9970];
	[tilespmem:s21+$0xA930] =	vst v7;
	v6 =	vmul.f32 v8, v6  }
0x11f: {  	v7 =	vld [tilespmem:s22+$0x7970]  }
0x120: {  	v8 =	vld [tilespmem:s22+$0x9900];
	[tilespmem:s21+$0xA940] =	vst v6;
	v3 =	vmul.f32 v4, v3  }
0x121: {  	v57 =	vld [tilespmem:s22+$0x7900]  }
0x122: {  	v6 =	vld [tilespmem:s22+$0x9910];
	[tilespmem:s21+$0xA950] =	vst v3;
	v1 =	vmul.f32 v5, v1  }
0x123: {  	v3 =	vld [tilespmem:s22+$0x7910]  }
0x124: {  	v58 =	vld [tilespmem:s22+$0x9920];
	[tilespmem:s21+$0xA960] =	vst v1  }
0x125: {  	v1 =	vmul.f32 v7, v2;
	v2 =	vld [tilespmem:s22+$0x7920]  }
0x126: {  	v59 =	vld [tilespmem:s22+$0x9930]  }
0x127: {  	v60 =	vld [tilespmem:s22+$0x9940]  }
0x128: {  	v61 =	vld [tilespmem:s22+$0x7940]  }
0x129: {  	v62 =	vld [tilespmem:s22+$0x7950]  }
0x12a: {  	[tilespmem:s22+$0xA970] =	vst v1;
	v1 =	vld [tilespmem:s22+$0x7930];
	v3 =	vmul.f32 v3, v6  }
0x12b: {  	v63 =	vld [tilespmem:s22+$0x7960];
	v2 =	vmul.f32 v2, v58  }
0x12c: {  	[tilespmem:s22+$0xA910] =	vst v3;
	v3 =	vld [tilespmem:s22+$0x9950]  }
0x12d: {  	[tilespmem:s22+$0xA920] =	vst v2;
	v2 =	vld [tilespmem:s22+$0x9960]  }
0x12e: {  	v4 =	vmul.f32 v57, v8  }
0x12f: {  	v1 =	vmul.f32 v1, v59  }
0x130: {  	[tilespmem:s22+$0xA900] =	vst v4;
	v4 =	vmul.f32 v61, v60  }
0x131: {  	[tilespmem:s22+$0xA930] =	vst v1;
	v1 =	vmul.f32 v62, v3  }
0x132: {  	s20 =	sadd.s32 $0x3, s20;
	[tilespmem:s22+$0xA940] =	vst v4;
	v2 =	vmul.f32 v63, v2  }
0x133: {  	p0 =	sge.u32 s20, s7;
	[tilespmem:s22+$0xA950] =	vst v1  }
0x134: {  	s21 =	sshll.u32 @!p0 s20, $0x5;
	s20 =	sadd.s32 @!p0 s6, s20;
	[tilespmem:s22+$0xA960] =	vst v2  }
0x135: {  	[spmem:s3] =	stream.indirect.scatter.add.f32 [tilespmem:s9], [sflag:$0x3], $0x80, s17, s12, $0xb8;
	[tilespmem:$0x1F900] =	vst v63  }
.Ltmp9:
0x136: {  	s23 =	simm.s32 @!p0 $0x7900;
	s20 =	sshll.u32 @!p0 s20, $0x9;
	(pc) =	sbr.rel .LBB2_12-.Ltmp9, $4  }
0x137: {  	s21 =	sand.u32 @!p0 $0x3FFFFFE0, s21;
	s20 =	sand.u32 @!p0 $0x1FFFFE00, s20;
	s22 =	simm.s32 @!p0 $0x20  }
0x138: {  	[tilespmem:s23], [sflag:$0x2] =	stream.indirect.gather @!p0 [hbm4b:s1+s22], $0x80, s21, s22, $0xb8;
	[tilespmem:$0x1F900] =	vst v63  }
0x139: {  	s20 =	sadd.s32 @!p0 s5, s20;
	s21 =	simm.s32 @!p0 $0x0;
	s22 =	simm.s32 @!p0 $0x9900  }
0x13a: {  	[tilespmem:s22], [sflag:$0x2] =	stream.linear.gather @!p0 [hbm4b:s20+s21], $0x1000, $0x38;
	[tilespmem:$0x1F900] =	vst v63  }
.LBB2_14:
0x13b: {  	_ =	sfence.sel $0x180000  }
0x13c: {  	[bflag:$0x0] =	sbarrier.arrive $0xFFFF  }
0x13d: {  	_ =	strace $0x9000004A  }
0x13e: {  	s0 =	stileid.u32;
	[bflag:$0x2] =	sbarrier.arrive $0xFFFF  }
0x13f: {  	p0 =	sne.s32 s0, $0x0;
	s0 =	rddreg [dreg:$0x3]  }
0x140: {  	s0 =	sadd.s32 @!p0 $0x100000, s0  }
0x141: {  	[sflag:s0] =	ssyncadd.tile.s32 @!p0 $0x1;
	_ =	shalt  }
.Lfunc_end2:
_tile_overlayer_lowered:
.L_overlay_start_2:
0x142: {  	(tag) =	ssettag $0x2  }
0x143: {  	s0 =	rddreg [dreg:$0x0];
	s2 =	stileid.u32  }
0x144: {  	s1 =	rddreg [dreg:$0x1];
	p0 =	sne.s32 s2, $0x0  }
0x145: {  	s3 =	rddreg [dreg:$0x2];
	[bflag:$0x3] =	sbarrier.arrive $0xFFFF;
	s2 =	simm.s32 @!p0 $0x1C04  }
0x146: {  	[timem:s3], [sflag:s2] =	dma.local @!p0 [hbm:s0], s1  }
0x147: {  	s0 =	simm.s32 @!p0 $0x4  }
0x148: {  	_ =	swait.ge @!p0 [sflag:s0], s1  }
0x149: {  	s1 =	ssub.s32 @!p0 $0x0, s1;
	[sflag:s0] =	ssyncset.done @!p0 $0x0  }
0x14a: {  	[sflag:s0] =	ssyncadd.s32 @!p0 s1  }
0x14b: {  	[bflag:$0x3] =	sbarrier.arrive $0xFFFF  }
0x14c: {  	_ =	shalt  }

// kernel: kernel.7.cloned.1.call-start
scs
__scs_entry_jumppad:
0x0: {  	(pc) =	sbr.rel $0x88, $3  }
0x1: {  	(tag) =	ssettag $0x0;
	lr =	simm.s32 $0x1  }
0x2: {  	[smem:$0x3F95] =	sst lr;
	_ =	strace $0xD0000000  }
0x3: {  	_ = 	snop  }
0x4: {  	_ = 	snop  }
0x5: {  	_ = 	snop  }
0x6: {  	_ = 	snop  }
0x7: {  	_ = 	snop  }
__scs_overlays_trampoline_lowered:
0x8: {  	[smem:$0x3FA4] =	sst s0  }
0x9: {  	[smem:$0x3FA5] =	sst s1  }
0xa: {  	[smem:$0x3FA6] =	sst s2  }
0xb: {  	[smem:$0x3FA7] =	sst s3  }
0xc: {  	[smem:$0x3FA8] =	sst s4  }
0xd: {  	[smem:$0x3FA9] =	sst s5  }
0xe: {  	[smem:$0x3FAA] =	sst s6  }
0xf: {  	[smem:$0x3FAB] =	sst s7  }
0x10: {  	[smem:$0x3FAC] =	sst s8  }
0x11: {  	[smem:$0x3FAD] =	sst s9;
	s0 =	simm.s32 @!p0 $0x0  }
0x12: {  	s1 =	sld [smem:$0x3F93];
	s0 =	simm.s32 @p0 $0x1  }
0x13: {  	[smem:$0x3FAE] =	sst s0;
	s0 =	simm.s32 @!p1 $0x0  }
0x14: {  	s2 =	sld [smem:$0x3F92];
	s0 =	simm.s32 @p1 $0x1  }
0x15: {  	[smem:$0x3FAF] =	sst s0;
	s0 =	simm.s32 @!p2 $0x0  }
0x16: {  	s3 =	sld [smem:$0x3FDB];
	s0 =	simm.s32 @p2 $0x1  }
0x17: {  	s4 =	simm.s32 $0x1BF5;
	[smem:$0x3FB1] =	sst s0  }
0x18: {  	s0 =	sld [smem:$0x3F94];
	_ =	swait.ge [sflag:s4], $0x0  }
0x19: {  	s7 =	sld [smem:$0x3F95]  }
0x1a: {  	s8 =	sadd.s32 $0xFFFFE003, lr  }
0x1b: {  	s9 =	sadd.s32 $0xFFFFFEF7, lr;
	s5 =	simm.s32 $0xFFFFFFFF;
	p2 =	slt.u32 s8, $0xFFFFF086  }
0x1c: {  	p1 =	slt.u32 s9, $0xF7A;
	s5 =	simm.s32 @!p2 $0x0  }
0x1d: {  	s5 =	simm.s32 @p1 $0x1;
	p0 =	seq.s32 s7, s2  }
0x1e: {  	s7 =	smul.u32 @!p0 $0xF7A, s2;
	p2 =	seq.s32 @!p0 s5, $0x0  }
0x1f: {  	s9 =	smul.u32 $0xF7A, s1;
	s8 =	simm.s32 @!p0 $0x1BF5;
	p2 =	por !p2, p0  }
0x20: {  	[sflag:s8] =	ssyncset.s32 @!p0 $0xFFFFF086;
	s6 =	sadd.s32 @!p0 s3, s7;
	s7 =	simm.s32 @!p0 $0x108  }
0x21: {  	s3 =	sadd.s32 s3, s9;
	s6 =	sadd.s32 @!p0 $0x88, s6;
	s7 =	simm.s32 @p2 $0x1082  }
0x22: {  	[simem:s7], [sflag:s8] =	dma.local @!p0 [hbm:s6], $0xF7A  }
0x23: {  	s9 =	sor.u32 $0xD0000000, s2;
	s6 =	simm.s32 $0x108;
	_ =	swait.ge @!p0 [sflag:s8], $0x0  }
0x24: {  	s3 =	sadd.s32 $0x88, s3;
	s6 =	simm.s32 @!p1 $0x1082;
	[sflag:s4] =	ssyncset.s32 $0xFFFFF086  }
0x25: {  	[simem:s6], [sflag:s4] =	dma.local [hbm:s3], $0xF7A  }
0x26: {  	[smem:$0x3F95] =	sst s1;
	(tag) =	ssettag s2;
	_ =	strace s9  }
0x27: {  	s1 =	sld [smem:$0x3FA5]  }
0x28: {  	s2 =	sld [smem:$0x3FA6]  }
0x29: {  	s4 =	sld [smem:$0x3FA8]  }
0x2a: {  	p0 =	seq.s32 s5, $0x0;
	s5 =	sld [smem:$0x3FA9]  }
0x2b: {  	s6 =	sld [smem:$0x3FAA]  }
0x2c: {  	s7 =	sld [smem:$0x3FAB]  }
0x2d: {  	s3 =	simm.s32 $0x108;
	s8 =	sld [smem:$0x3FAC]  }
0x2e: {  	s3 =	simm.s32 @!p0 $0x1082;
	s9 =	sld [smem:$0x3FAD]  }
0x2f: {  	lr =	sadd.s32 s0, s3;
	s0 =	sld [smem:$0x3FA4]  }
0x30: {  	s3 =	sld [smem:$0x3FA7]  }
0x31: {  	[smem:$0x3FB0] =	sst s10  }
0x32: {  	s10 =	sld [smem:$0x3FAE];
	_ =	sdelay $0x3  }
0x33: {  	p0 =	seq.s32 s10, $0x1;
	s10 =	sld [smem:$0x3FB0];
	_ =	sdelay $0x3  }
0x34: {  	[smem:$0x3FB0] =	sst s10  }
0x35: {  	s10 =	sld [smem:$0x3FAF];
	_ =	sdelay $0x3  }
0x36: {  	p1 =	seq.s32 s10, $0x1;
	s10 =	sld [smem:$0x3FB0];
	_ =	sdelay $0x3  }
0x37: {  	[smem:$0x3FB0] =	sst s10  }
0x38: {  	s10 =	sld [smem:$0x3FB1]  }
0x39: {  	_ = 	snop;
	(pc) =	sbr.ind lr, $3  }
0x3a: {  	_ = 	snop  }
0x3b: {  	_ = 	snop  }
0x3c: {  	p2 =	seq.s32 s10, $0x1;
	s10 =	sld [smem:$0x3FB0]  }
0x3d: {  	_ =	shalt  }
0x3e: {  	_ =	shalt  }
0x3f: {  	_ =	shalt  }
0x40: {  	_ =	shalt  }
0x41: {  	_ =	shalt  }
0x42: {  	_ =	shalt  }
0x43: {  	_ =	shalt  }
0x44: {  	_ =	shalt  }
0x45: {  	_ =	shalt  }
0x46: {  	_ =	shalt  }
0x47: {  	_ =	shalt  }
0x48: {  	_ =	shalt  }
0x49: {  	_ =	shalt  }
0x4a: {  	_ =	shalt  }
0x4b: {  	_ =	shalt  }
0x4c: {  	_ =	shalt  }
0x4d: {  	_ =	shalt  }
0x4e: {  	_ =	shalt  }
0x4f: {  	_ =	shalt  }
0x50: {  	_ =	shalt  }
0x51: {  	_ =	shalt  }
0x52: {  	_ =	shalt  }
0x53: {  	_ =	shalt  }
0x54: {  	_ =	shalt  }
0x55: {  	_ =	shalt  }
0x56: {  	_ =	shalt  }
0x57: {  	_ =	shalt  }
0x58: {  	_ =	shalt  }
0x59: {  	_ =	shalt  }
0x5a: {  	_ =	shalt  }
0x5b: {  	_ =	shalt  }
0x5c: {  	_ =	shalt  }
0x5d: {  	_ =	shalt  }
0x5e: {  	_ =	shalt  }
0x5f: {  	_ =	shalt  }
0x60: {  	_ =	shalt  }
0x61: {  	_ =	shalt  }
0x62: {  	_ =	shalt  }
0x63: {  	_ =	shalt  }
0x64: {  	_ =	shalt  }
0x65: {  	_ =	shalt  }
0x66: {  	_ =	shalt  }
0x67: {  	_ =	shalt  }
0x68: {  	_ =	shalt  }
0x69: {  	_ =	shalt  }
0x6a: {  	_ =	shalt  }
0x6b: {  	_ =	shalt  }
0x6c: {  	_ =	shalt  }
0x6d: {  	_ =	shalt  }
0x6e: {  	_ =	shalt  }
0x6f: {  	_ =	shalt  }
0x70: {  	_ =	shalt  }
0x71: {  	_ =	shalt  }
0x72: {  	_ =	shalt  }
0x73: {  	_ =	shalt  }
0x74: {  	_ =	shalt  }
0x75: {  	_ =	shalt  }
0x76: {  	_ =	shalt  }
0x77: {  	_ =	shalt  }
0x78: {  	_ =	shalt  }
0x79: {  	_ =	shalt  }
0x7a: {  	_ =	shalt  }
0x7b: {  	_ =	shalt  }
0x7c: {  	_ =	shalt  }
0x7d: {  	_ =	shalt  }
0x7e: {  	_ =	shalt  }
0x7f: {  	_ =	shalt  }
0x80: {  	_ =	shalt  }
0x81: {  	_ =	shalt  }
0x82: {  	_ =	shalt  }
0x83: {  	_ =	shalt  }
0x84: {  	_ =	shalt  }
0x85: {  	_ =	shalt  }
0x86: {  	_ =	shalt  }
0x87: {  	_ =	shalt  }
.Lfunc_end0:
.L_simem_size_0:
called_computation_lowered:
.L_overlay_start_0:
0x88: {  	s2 =	sld [smem:$0x3FD9]  }
0x89: {  	s3 =	sld [smem:$0x3FFE];
	_ =	sdelay $0x1  }
0x8a: {  	s1 =	srdreg.scid  }
0x8b: {  	s0 =	sand.u32 $0x1, s1  }
0x8c: {  	s17 =	sshll.u32 s0, $0xA;
	s2 =	sadd.s32 s3, s2  }
0x8d: {  	s2 =	sadd.s32 s2, s17  }
0x8e: {  	[smem:$0x3FBC] =	sst s2  }
0x8f: {  	_ = 	snop  }
0x90: {  	s2 =	sld [smem:$0x3FC9]  }
0x91: {  	s18 =	sld [smem:$0x3FD0];
	(tm) =	ssettm $0x1  }
0x92: {  	s4 =	sld [smem:$0x3FFB];
	_ =	sdelay $0x3  }
0x93: {  	_ =	strace s4  }
0x94: {  	s4 =	sld [smem:$0x3FFC];
	_ =	sdelay $0x3  }
0x95: {  	_ =	strace s4  }
0x96: {  	s4 =	sld [smem:$0x3FFD];
	_ =	sdelay $0x3  }
0x97: {  	_ =	strace s4  }
0x98: {  	_ =	strace $0x8FFFFFFF  }
0x99: {  	s19 =	sld [smem:$0x3FDB];
	_ =	sdelay $0x1  }
0x9a: {  	s5 =	simm.s32 $_scs_section_size  }
0x9b: {  	s6 =	simm.s32 $_size__tile_overlayer_lowered;
	s7 =	simm.s32 $_tile_overlayer_lowered  }
0x9c: {  	s22 =	simm.s32 $0x1BFF;
	s21 =	sshll.u32 s7, $0x1;
	s4 =	sadd.s32 s5, s19  }
0x9d: {  	s8 =	simm.s32 $0x0;
	s20 =	sshll.u32 s6, $0x1;
	s6 =	sadd.s32 s21, s4  }
0x9e: {  	[timem:s8], [sflag:s22] =	dma.local [hbm:s6], s20  }
0x9f: {  	_ =	swait.ge [sflag:s22], s20  }
0xa0: {  	s5 =	ssub.s32 $0x0, s20;
	[sflag:s22] =	ssyncset.done $0x0  }
0xa1: {  	[sflag:s22] =	ssyncadd.s32 s5;
	_ =	sdelay $0x1  }
0xa2: {  	s23 =	simm.s32 $0x1B8B  }
0xa3: {  	_ =	swait.ge [sflag:s23], $0x1  }
0xa4: {  	[sflag:s23] =	ssyncset.done $0x0  }
0xa5: {  	s25 =	simm.s32 $0x1B8E;
	s24 =	sld [smem:$0x3FFE];
	[sflag:s23] =	ssyncadd.s32 $0xFFFFFFFF  }
0xa6: {  	s26 =	simm.s32 $execute0_lowered;
	[smem:$0x3FD2] =	sst s25  }
0xa7: {  	s6 =	sshll.u32 s26, $0x1;
	_ =	strace $0x80000046;
	[dreg:$0x1] =	wrdreg $0xFFFFFFFF  }
0xa8: {  	s28 =	simm.s32 $_size_execute0_lowered;
	s4 =	sadd.s32 s4, s6;
	[dreg:$0x0] =	wrdreg $0x0  }
0xa9: {  	s6 =	sshll.u32 s28, $0x1;
	[dreg:$0x2] =	wrdreg s4  }
0xaa: {  	[dreg:$0x3] =	wrdreg s6  }
0xab: {  	[dreg:$0x4] =	wrdreg $0xC0  }
0xac: {  	_ =	task [dreg:s8], $0x5FFFF  }
0xad: {  	[dreg:$0x1] =	wrdreg $0xFFFFFFFF  }
0xae: {  	[dreg:$0x0] =	wrdreg $0x60  }
0xaf: {  	[dreg:$0x2] =	wrdreg s2  }
0xb0: {  	[dreg:$0x3] =	wrdreg s24  }
0xb1: {  	[dreg:$0x4] =	wrdreg s18  }
0xb2: {  	[dreg:$0x5] =	wrdreg $0xBE800  }
0xb3: {  	[dreg:$0x6] =	wrdreg $0xBC000  }
0xb4: {  	[dreg:$0x7] =	wrdreg $0x9  }
0xb5: {  	_ =	task.clear_ibuf [dreg:s8], $0x8FFFF;
	_ =	strace $0x90000046  }
0xb6: {  	s29 =	simm.s32 $0x9;
	_ =	strace $0x80000048  }
0xb7: {  	_ =	swait.ge [sflag:s29], $0x1  }
0xb8: {  	[sflag:s29] =	ssyncadd.s32 $0xFFFFFFFF  }
0xb9: {  	_ =	strace $0x90000048  }
0xba: {  	_ =	sfence  }
0xbb: {  	s30 =	sld [smem:$0x0];
	_ =	sdelay $0x2  }
0xbc: {  	s31 =	sshll.u32 s1, $0xD;
	s1 =	sshrl.u32 s1, $0x2  }
0xbd: {  	s3 =	sand.u32 $0x4000, s31;
	s1 =	sadd.s32 s1, s30  }
0xbe: {  	s0 =	sor.u32 s3, s0;
	s1 =	sshll.u32 s1, $0x11  }
0xbf: {  	s0 =	sor.u32 s1, s0  }
0xc0: {  	s0 =	sadd.s32 $0x8F2B, s0  }
0xc1: {  	[sflag:s0] =	ssyncadd.remote.s32 $0x1  }
0xc2: {  	_ =	sfence.sel $0xFFFF  }
0xc3: {  	[dreg:$0x0] =	wrdreg $0xFFFFFFFF;
	(pc) =	sbr.abs _section_cstart, $3  }
0xc4: {  	[dreg:$0x1] =	wrdreg $0xFFFFFFFF  }
0xc5: {  	_ =	task.clear_ibuf [dreg:s8], $0x2FFFF;
	_ =	strace $0x9FFFFFFF  }
0xc6: {  	(tm) =	ssettm $0x7FFFFFFF  }
0xc7: {  	_ =	shalt  }
tec
execute0_lowered:
.L_overlay_start_1:
0x0: {  	(tag) =	ssettag $0x1  }
0x1: {  	s0 =	rddreg [dreg:$0x0]  }
0x2: {  	s1 =	srdreg.scid;
	s2 =	rddreg [dreg:$0x1]  }
0x3: {  	s5 =	rddreg [dreg:$0x2];
	s13 =	stileid.u32  }
0x4: {  	s3 =	rddreg [dreg:$0x3];
	s6 =	simm.s32 $0x0;
	s1 =	sand.u32 $0x1, s1  }
0x5: {  	s10 =	smul.u32 $0x280, s13;
	[smem:$0x7FF] =	sst s6;
	s6 =	sadd.s32 $0x69D800, s2  }
0x6: {  	s4 =	sshll.u32 s1, $0x4;
	s8 =	smul.u32 $0x2800, s1;
	s29 =	ssub.s32 $0x2, s1  }
0x7: {  	s1 =	smul.u32 $0xFFFFFF40, s1;
	s9 =	sor.u32 s13, s4;
	s4 =	rddreg [dreg:$0x4]  }
0x8: {  	_ =	strace $0x80000047;
	s12 =	sshrl.u32 s29, $0x1;
	s13 =	smul.u32 $0x50000, s13  }
0x9: {  	s7 =	smul.u32 $0x680, s9;
	s14 =	sadd.s32 s10, s8;
	s15 =	ssub.s32 s29, s12  }
0xa: {  	s8 =	sshll.u32 s14, $0x4;
	s30 =	sshrl.u32 s13, $0x2;
	s16 =	sshrl.u32 s14, $0x3  }
0xb: {  	s17 =	smax.u32 s15, $0x1;
	s11 =	sadd.s32 s7, s2;
	s2 =	sadd.s32 s8, s2  }
0xc: {  	s8 =	sadd.s32 $0x1A0, s1;
	s1 =	sadd.s32 s5, s16;
	[dreg:$0xc] =	wrdreg s17  }
0xd: {  	s7 =	smul.u32 $0x1A0, s9;
	s13 =	sadd.s32 $0x683800, s11;
	[dreg:$0xb] =	wrdreg s1  }
0xe: {  	s9 =	smul.u32 $0x34000, s9;
	s11 =	sadd.s32 $0x690800, s11;
	[dreg:$0x6] =	wrdreg s13  }
0xf: {  	s2 =	sadd.s32 $0x3800, s2;
	[dreg:$0x7] =	wrdreg s11  }
0x10: {  	s9 =	sadd.s32 s6, s9;
	[dreg:$0xa] =	wrdreg s2  }
0x11: {  	s11 =	sadd.s32 s30, s3;
	[dreg:$0x8] =	wrdreg s9;
	s9 =	sadd.s32 $0x200, s9  }
0x12: {  	s18 =	sadd.s32 $0x1000, s11;
	[dreg:$0x9] =	wrdreg s9  }
0x13: {  	s12 =	sadd.s32 s10, s4;
	s19 =	sadd.s32 $0x2000, s11;
	[dreg:$0xd] =	wrdreg s18  }
0x14: {  	s15 =	simm.s32 $0x4;
	s20 =	sadd.s32 $0x3000, s11;
	[dreg:$0xe] =	wrdreg s19  }
0x15: {  	s16 =	simm.s32 $0xA900;
	s21 =	sadd.s32 $0x4000, s11;
	[dreg:$0xf] =	wrdreg s20  }
0x16: {  	s17 =	simm.s32 $0x20;
	s22 =	sadd.s32 $0x5000, s11;
	[dreg:$0x10] =	wrdreg s21  }
0x17: {  	s23 =	sadd.s32 $0x6000, s11;
	s24 =	sadd.s32 $0x7000, s11;
	[dreg:$0x11] =	wrdreg s22  }
0x18: {  	s25 =	sadd.s32 $0x8000, s11;
	s26 =	sadd.s32 $0x9000, s11;
	[dreg:$0x12] =	wrdreg s23  }
0x19: {  	s28 =	sadd.s32 $0xA000, s11;
	s29 =	sadd.s32 $0xB000, s11;
	[dreg:$0x13] =	wrdreg s24  }
0x1a: {  	s30 =	sadd.s32 $0xC000, s11;
	s31 =	sadd.s32 $0xD000, s11;
	[dreg:$0x14] =	wrdreg s25  }
0x1b: {  	s2 =	sadd.s32 $0xE000, s11;
	s1 =	sadd.s32 $0xF000, s11;
	[dreg:$0x15] =	wrdreg s26  }
.Ltmp0:
0x1c: {  	s5 =	sadd.s32 $0x10000, s11;
	[dreg:$0x16] =	wrdreg s28;
	(pc) =	sbr.rel .LBB2_1-.Ltmp0, $4  }
0x1d: {  	s10 =	sadd.s32 $0x12000, s11;
	s14 =	sadd.s32 $0x13000, s11;
	[dreg:$0x17] =	wrdreg s29  }
0x1e: {  	[dreg:$0x18] =	wrdreg s30;
	s9 =	sadd.s32 $0x11000, s11;
	s18 =	simm.s32 $0x1  }
0x1f: {  	s19 =	simm.s32 $0x6800;
	s20 =	simm.s32 $0xB900;
	s21 =	simm.s32 $0x2  }
0x20: {  	v0 =	vimm.f32 $0.0e+00;
	v1 =	vimm.f32 $1.000000000e+00;
	s22 =	simm.s32 $0x3;
	s23 =	simm.s32 $0x6880;
	s24 =	simm.s32 $0x0  }
.LBB2_13:
0x21: {  	_ =	swait.ge [sflag:s22], $0x1000  }
0x22: {  	[sflag:s22] =	ssyncset.done $0x0  }
0x23: {  	s13 =	stileid.u32;
	[sflag:s22] =	ssyncadd.s32 $0xFFFFF000  }
0x24: {  	s13 =	sshll.u32 s13, $0x6;
	[bflag:$0x0] =	sbarrier.arrive $0xFFFF  }
0x25: {  	s25 =	sshrl.u32 s11, $0x3;
	s13 =	sor.u32 $0x1C04, s13;
	s26 =	rddreg [dreg:$0xa]  }
0x26: {  	[hbm:s26], [sflag:s13] =	dma.local [spmem:s25], $0x2800  }
0x27: {  	_ =	swait.ge [sflag:s15], $0x2800  }
0x28: {  	[sflag:s15] =	ssyncset.done $0x0  }
0x29: {  	s28 =	sshrl.u32 s12, $0x3;
	s29 =	rddreg [dreg:$0xb];
	[sflag:s15] =	ssyncadd.s32 $0xFFFFD800  }
0x2a: {  	[hbm:s29], [sflag:s13] =	dma.local [spmem:s28], $0x50  }
0x2b: {  	_ =	swait.ge [sflag:s15], $0x50  }
0x2c: {  	s24 =	sadd.s32 $0x1, s24;
	s30 =	rddreg [dreg:$0xc]  }
0x2d: {  	p0 =	sne.s32 s24, s30  }
.Ltmp1:
0x2e: {  	_ = 	snop;
	(pc) =	sbr.rel @!p0 .LBB2_14-.Ltmp1, $3  }
0x2f: {  	_ =	sdelay $0x1  }
0x30: {  	[sflag:s15] =	ssyncset.done $0x0  }
0x31: {  	[sflag:s15] =	ssyncadd.s32 $0xFFFFFFB0  }
.LBB2_1:
0x32: {  	s13 =	simm.s32 $0x0;
	s25 =	rddreg [dreg:$0x6]  }
0x33: {  	[tilespmem:s13], [sflag:$0x4] =	stream.linear.gather [hbm4b:s25+s13], $0x3400, $0x38;
	[tilespmem:$0x1FE80] =	vst v63  }
0x34: {  	_ =	swait.ge [sflag:s15], $0x3400  }
0x35: {  	[sflag:s15] =	ssyncset.done $0x0  }
0x36: {  	s26 =	simm.s32 $0x3400;
	s30 =	rddreg [dreg:$0x7];
	[sflag:s15] =	ssyncadd.s32 $0xFFFFCC00  }
0x37: {  	[tilespmem:s26], [sflag:$0x4] =	stream.linear.gather [hbm4b:s30+s13], $0x3400, $0x38;
	[tilespmem:$0x1FE80] =	vst v63  }
0x38: {  	_ =	swait.ge [sflag:s15], $0x3400  }
0x39: {  	[sflag:s15] =	ssyncset.done $0x0  }
0x3a: {  	s25 =	simm.s32 $0x0;
	s26 =	simm.s32 $0x200;
	[sflag:s15] =	ssyncadd.s32 $0xFFFFCC00  }
.LBB2_2:
0x3b: {  	p0 =	sne.s32 s26, $0x3E00;
	[tilespmem:s25+$0xA970] =	vst v0  }
0x3c: {  	[tilespmem:s25+$0xA900] =	vst v0  }
0x3d: {  	[tilespmem:s25+$0xA910] =	vst v0  }
.Ltmp2:
0x3e: {  	[tilespmem:s25+$0xA920] =	vst v0;
	(pc) =	sbr.rel @p0 .LBB2_2-.Ltmp2, $4  }
0x3f: {  	[tilespmem:s25+$0xA930] =	vst v0  }
0x40: {  	[tilespmem:s25+$0xA940] =	vst v0  }
0x41: {  	[tilespmem:s25+$0xA950] =	vst v0  }
0x42: {  	[tilespmem:s25+$0xA960] =	vst v0;
	s25 =	sshra.s32 s26, $0x2;
	s26 =	sadd.s32 $0x200, s26  }
0x43: {  	[tilespmem:s25+$0xA970] =	vst v0  }
0x44: {  	[tilespmem:s25+$0xA900] =	vst v0  }
0x45: {  	[tilespmem:s25+$0xA910] =	vst v0  }
0x46: {  	[tilespmem:s25+$0xA920] =	vst v0  }
0x47: {  	[tilespmem:s25+$0xA930] =	vst v0  }
0x48: {  	[tilespmem:s25+$0xA940] =	vst v0  }
0x49: {  	[tilespmem:s25+$0xA950] =	vst v0  }
0x4a: {  	[tilespmem:s25+$0xA960] =	vst v0  }
0x4b: {  	[spmem:s11] =	stream.linear.scatter [tilespmem:s16], [sflag:$0x4], $0x1000, $0x38;
	[tilespmem:$0x1FE80] =	vst v63  }
0x4c: {  	_ =	swait.ge [sflag:s15], $0x1000  }
0x4d: {  	[sflag:s15] =	ssyncset.done $0x0  }
0x4e: {  	s13 =	rddreg [dreg:$0xd];
	[sflag:s15] =	ssyncadd.s32 $0xFFFFF000  }
0x4f: {  	[spmem:s13] =	stream.linear.scatter [tilespmem:s16], [sflag:$0x4], $0x1000, $0x38;
	[tilespmem:$0x1FE80] =	vst v63  }
0x50: {  	_ =	swait.ge [sflag:s15], $0x1000  }
0x51: {  	[sflag:s15] =	ssyncset.done $0x0  }
0x52: {  	s26 =	rddreg [dreg:$0xe];
	[sflag:s15] =	ssyncadd.s32 $0xFFFFF000  }
0x53: {  	[spmem:s26] =	stream.linear.scatter [tilespmem:s16], [sflag:$0x4], $0x1000, $0x38;
	[tilespmem:$0x1FE80] =	vst v63  }
0x54: {  	_ =	swait.ge [sflag:s15], $0x1000  }
0x55: {  	[sflag:s15] =	ssyncset.done $0x0  }
0x56: {  	s28 =	rddreg [dreg:$0xf];
	[sflag:s15] =	ssyncadd.s32 $0xFFFFF000  }
0x57: {  	[spmem:s28] =	stream.linear.scatter [tilespmem:s16], [sflag:$0x4], $0x1000, $0x38;
	[tilespmem:$0x1FE80] =	vst v63  }
0x58: {  	_ =	swait.ge [sflag:s15], $0x1000  }
0x59: {  	[sflag:s15] =	ssyncset.done $0x0  }
0x5a: {  	s29 =	rddreg [dreg:$0x10];
	[sflag:s15] =	ssyncadd.s32 $0xFFFFF000  }
0x5b: {  	[spmem:s29] =	stream.linear.scatter [tilespmem:s16], [sflag:$0x4], $0x1000, $0x38;
	[tilespmem:$0x1FE80] =	vst v63  }
0x5c: {  	_ =	swait.ge [sflag:s15], $0x1000  }
0x5d: {  	[sflag:s15] =	ssyncset.done $0x0  }
0x5e: {  	s30 =	rddreg [dreg:$0x11];
	[sflag:s15] =	ssyncadd.s32 $0xFFFFF000  }
0x5f: {  	[spmem:s30] =	stream.linear.scatter [tilespmem:s16], [sflag:$0x4], $0x1000, $0x38;
	[tilespmem:$0x1FE80] =	vst v63  }
0x60: {  	_ =	swait.ge [sflag:s15], $0x1000  }
0x61: {  	[sflag:s15] =	ssyncset.done $0x0  }
0x62: {  	s25 =	rddreg [dreg:$0x12];
	[sflag:s15] =	ssyncadd.s32 $0xFFFFF000  }
0x63: {  	[spmem:s25] =	stream.linear.scatter [tilespmem:s16], [sflag:$0x4], $0x1000, $0x38;
	[tilespmem:$0x1FE80] =	vst v63  }
0x64: {  	_ =	swait.ge [sflag:s15], $0x1000  }
0x65: {  	[sflag:s15] =	ssyncset.done $0x0  }
0x66: {  	s26 =	rddreg [dreg:$0x13];
	[sflag:s15] =	ssyncadd.s32 $0xFFFFF000  }
0x67: {  	[spmem:s26] =	stream.linear.scatter [tilespmem:s16], [sflag:$0x4], $0x1000, $0x38;
	[tilespmem:$0x1FE80] =	vst v63  }
0x68: {  	_ =	swait.ge [sflag:s15], $0x1000  }
0x69: {  	[sflag:s15] =	ssyncset.done $0x0  }
0x6a: {  	s28 =	rddreg [dreg:$0x14];
	[sflag:s15] =	ssyncadd.s32 $0xFFFFF000  }
0x6b: {  	[spmem:s28] =	stream.linear.scatter [tilespmem:s16], [sflag:$0x4], $0x1000, $0x38;
	[tilespmem:$0x1FE80] =	vst v63  }
0x6c: {  	_ =	swait.ge [sflag:s15], $0x1000  }
0x6d: {  	[sflag:s15] =	ssyncset.done $0x0  }
0x6e: {  	s29 =	rddreg [dreg:$0x15];
	[sflag:s15] =	ssyncadd.s32 $0xFFFFF000  }
0x6f: {  	[spmem:s29] =	stream.linear.scatter [tilespmem:s16], [sflag:$0x4], $0x1000, $0x38;
	[tilespmem:$0x1FE80] =	vst v63  }
0x70: {  	_ =	swait.ge [sflag:s15], $0x1000  }
0x71: {  	[sflag:s15] =	ssyncset.done $0x0  }
0x72: {  	s30 =	rddreg [dreg:$0x16];
	[sflag:s15] =	ssyncadd.s32 $0xFFFFF000  }
0x73: {  	[spmem:s30] =	stream.linear.scatter [tilespmem:s16], [sflag:$0x4], $0x1000, $0x38;
	[tilespmem:$0x1FE80] =	vst v63  }
0x74: {  	_ =	swait.ge [sflag:s15], $0x1000  }
0x75: {  	[sflag:s15] =	ssyncset.done $0x0  }
0x76: {  	s25 =	rddreg [dreg:$0x17];
	[sflag:s15] =	ssyncadd.s32 $0xFFFFF000  }
0x77: {  	[spmem:s25] =	stream.linear.scatter [tilespmem:s16], [sflag:$0x4], $0x1000, $0x38;
	[tilespmem:$0x1FE80] =	vst v63  }
0x78: {  	_ =	swait.ge [sflag:s15], $0x1000  }
0x79: {  	[sflag:s15] =	ssyncset.done $0x0  }
0x7a: {  	s26 =	rddreg [dreg:$0x18];
	[sflag:s15] =	ssyncadd.s32 $0xFFFFF000  }
0x7b: {  	[spmem:s26] =	stream.linear.scatter [tilespmem:s16], [sflag:$0x4], $0x1000, $0x38;
	[tilespmem:$0x1FE80] =	vst v63  }
0x7c: {  	_ =	swait.ge [sflag:s15], $0x1000  }
0x7d: {  	[sflag:s15] =	ssyncset.done $0x0  }
0x7e: {  	[sflag:s15] =	ssyncadd.s32 $0xFFFFF000  }
0x7f: {  	[spmem:s31] =	stream.linear.scatter [tilespmem:s16], [sflag:$0x4], $0x1000, $0x38;
	[tilespmem:$0x1FE80] =	vst v63  }
0x80: {  	_ =	swait.ge [sflag:s15], $0x1000  }
0x81: {  	[sflag:s15] =	ssyncset.done $0x0  }
0x82: {  	[sflag:s15] =	ssyncadd.s32 $0xFFFFF000  }
0x83: {  	[spmem:s2] =	stream.linear.scatter [tilespmem:s16], [sflag:$0x4], $0x1000, $0x38;
	[tilespmem:$0x1FE80] =	vst v63  }
0x84: {  	_ =	swait.ge [sflag:s15], $0x1000  }
0x85: {  	[sflag:s15] =	ssyncset.done $0x0  }
0x86: {  	[sflag:s15] =	ssyncadd.s32 $0xFFFFF000  }
0x87: {  	[spmem:s1] =	stream.linear.scatter [tilespmem:s16], [sflag:$0x4], $0x1000, $0x38;
	[tilespmem:$0x1FE80] =	vst v63  }
0x88: {  	_ =	swait.ge [sflag:s15], $0x1000  }
0x89: {  	[sflag:s15] =	ssyncset.done $0x0  }
0x8a: {  	[sflag:s15] =	ssyncadd.s32 $0xFFFFF000  }
0x8b: {  	[spmem:s5] =	stream.linear.scatter [tilespmem:s16], [sflag:$0x4], $0x1000, $0x38;
	[tilespmem:$0x1FE80] =	vst v63  }
0x8c: {  	_ =	swait.ge [sflag:s15], $0x1000  }
0x8d: {  	[sflag:s15] =	ssyncset.done $0x0  }
0x8e: {  	[sflag:s15] =	ssyncadd.s32 $0xFFFFF000  }
0x8f: {  	[spmem:s9] =	stream.linear.scatter [tilespmem:s16], [sflag:$0x4], $0x1000, $0x38;
	[tilespmem:$0x1FE80] =	vst v63  }
0x90: {  	_ =	swait.ge [sflag:s15], $0x1000  }
0x91: {  	[sflag:s15] =	ssyncset.done $0x0  }
0x92: {  	[sflag:s15] =	ssyncadd.s32 $0xFFFFF000  }
0x93: {  	[spmem:s10] =	stream.linear.scatter [tilespmem:s16], [sflag:$0x4], $0x1000, $0x38;
	[tilespmem:$0x1FE80] =	vst v63  }
0x94: {  	_ =	swait.ge [sflag:s15], $0x1000  }
0x95: {  	[sflag:s15] =	ssyncset.done $0x0  }
0x96: {  	[sflag:s15] =	ssyncadd.s32 $0xFFFFF000  }
0x97: {  	[spmem:s14] =	stream.linear.scatter [tilespmem:s16], [sflag:$0x4], $0x1000, $0x38;
	[tilespmem:$0x1FE80] =	vst v63  }
0x98: {  	_ =	swait.ge [sflag:s15], $0x1000  }
0x99: {  	[sflag:s15] =	ssyncset.done $0x0  }
0x9a: {  	[sflag:s15] =	ssyncadd.s32 $0xFFFFF000  }
0x9b: {  	[tilespmem:$0xB900] =	vst v1  }
0x9c: {  	[tilespmem:$0xB910] =	vst v1  }
0x9d: {  	[tilespmem:$0xB980] =	vst v0  }
0x9e: {  	[tilespmem:$0xB990] =	vst v0  }
0x9f: {  	[tilespmem:$0xB9A0] =	vst v0  }
0xa0: {  	[tilespmem:$0xB9B0] =	vst v0  }
0xa1: {  	[tilespmem:$0xB9C0] =	vst v0  }
0xa2: {  	[tilespmem:$0xB9D0] =	vst v0  }
0xa3: {  	[tilespmem:$0xB9E0] =	vst v0  }
0xa4: {  	[tilespmem:$0xB9F0] =	vst v0  }
0xa5: {  	[tilespmem:$0xBA00] =	vst v0  }
0xa6: {  	[tilespmem:$0xBA10] =	vst v0  }
0xa7: {  	[tilespmem:$0xBA20] =	vst v0  }
0xa8: {  	[tilespmem:$0xBA30] =	vst v0  }
0xa9: {  	[tilespmem:$0xBA40] =	vst v0  }
0xaa: {  	[tilespmem:$0xBA50] =	vst v0  }
0xab: {  	[tilespmem:$0xBA60] =	vst v0  }
0xac: {  	[tilespmem:$0xBA70] =	vst v0  }
0xad: {  	[tilespmem:$0xBA80] =	vst v0  }
0xae: {  	[tilespmem:$0xBA90] =	vst v0  }
0xaf: {  	[tilespmem:$0xBAA0] =	vst v0  }
0xb0: {  	[tilespmem:$0xBAB0] =	vst v0  }
0xb1: {  	[tilespmem:$0xBAC0] =	vst v0  }
0xb2: {  	[tilespmem:$0xBAD0] =	vst v0  }
0xb3: {  	[tilespmem:$0xBAE0] =	vst v0  }
0xb4: {  	[tilespmem:$0xBAF0] =	vst v0  }
0xb5: {  	[tilespmem:$0xBB00] =	vst v0  }
0xb6: {  	[tilespmem:$0xBB10] =	vst v0  }
0xb7: {  	[tilespmem:$0xBB20] =	vst v0  }
0xb8: {  	[tilespmem:$0xBB30] =	vst v0  }
0xb9: {  	[tilespmem:$0xBB40] =	vst v0  }
0xba: {  	[tilespmem:$0xBB50] =	vst v0  }
0xbb: {  	[tilespmem:$0xBB60] =	vst v0  }
0xbc: {  	[tilespmem:$0xBB70] =	vst v0  }
0xbd: {  	[tilespmem:$0xBB80] =	vst v0  }
0xbe: {  	[tilespmem:$0xBB90] =	vst v0  }
0xbf: {  	[tilespmem:$0xBBA0] =	vst v0  }
0xc0: {  	[tilespmem:$0xBBB0] =	vst v0  }
0xc1: {  	[tilespmem:$0xBBC0] =	vst v0  }
0xc2: {  	[tilespmem:$0xBBD0] =	vst v0  }
0xc3: {  	[tilespmem:$0xBBE0] =	vst v0  }
0xc4: {  	s28 =	simm.s32 $0xB980;
	[tilespmem:$0xBBF0] =	vst v0  }
0xc5: {  	[spmem:s12] =	stream.linear.scatter [tilespmem:s28], [sflag:$0x4], $0x280, $0x38;
	[tilespmem:$0x1FE80] =	vst v63  }
0xc6: {  	_ =	swait.ge [sflag:s15], $0x280  }
0xc7: {  	[sflag:s15] =	ssyncset.done $0x0  }
0xc8: {  	[sflag:s15] =	ssyncadd.s32 $0xFFFFFD80  }
0xc9: {  	s29 =	simm.s32 $0x6900;
	s25 =	simm.s32 $0x0;
	[bflag:$0x0] =	sbarrier.arrive $0xFFFF  }
0xca: {  	[tilespmem:s29], [sflag:$0x1] =	stream.indirect.gather [hbm4b:s0+s17], $0x80, s25, s17, $0xb8;
	[tilespmem:$0x1FE80] =	vst v63  }
0xcb: {  	s26 =	simm.s32 $0x8900;
	s30 =	rddreg [dreg:$0x8]  }
0xcc: {  	[tilespmem:s26], [sflag:$0x1] =	stream.linear.gather [hbm4b:s30+s25], $0x1000, $0x38;
	[tilespmem:$0x1FE80] =	vst v63  }
.Ltmp3:
0xcd: {  	_ = 	snop;
	(pc) =	sbr.rel .LBB2_4-.Ltmp3, $4  }
0xce: {  	s28 =	simm.s32 $0x7900  }
0xcf: {  	[tilespmem:s28], [sflag:$0x2] =	stream.indirect.gather [hbm4b:s0+s17], $0x80, s17, s17, $0xb8;
	[tilespmem:$0x1FE80] =	vst v63  }
0xd0: {  	s29 =	rddreg [dreg:$0x9];
	s30 =	simm.s32 $0x9900  }
0xd1: {  	[tilespmem:s30], [sflag:$0x2] =	stream.linear.gather [hbm4b:s29+s25], $0x1000, $0x38;
	[tilespmem:$0x1FE80] =	vst v63  }
.LBB2_12:
0xd2: {  	s25 =	sadd.s32 $0x1, s25  }
0xd3: {  	p0 =	sne.s32 s25, $0xD0  }
.Ltmp4:
0xd4: {  	_ = 	snop;
	(pc) =	sbr.rel @!p0 .LBB2_13-.Ltmp4, $1  }
0xd5: {  	_ =	sdelay $0x3  }
.LBB2_4:
0xd6: {  	s26 =	sshll.u32 s25, $0x1  }
0xd7: {  	p0 =	sge.u32 s26, s8  }
.Ltmp5:
0xd8: {  	_ = 	snop;
	(pc) =	sbr.rel @p0 .LBB2_8-.Ltmp5, $1  }
0xd9: {  	_ =	sdelay $0x3  }
0xda: {  	_ =	swait.ge [sflag:s18], $0x1000  }
0xdb: {  	[sflag:s18] =	ssyncset.done $0x0  }
0xdc: {  	[sflag:s18] =	ssyncadd.s32 $0xFFFFF000  }
0xdd: {  	_ =	swait.ge [sflag:s18], $0x1000  }
0xde: {  	p0 =	seq.s32 s25, $0x0;
	[sflag:s18] =	ssyncset.done $0x0  }
0xdf: {  	s28 =	simm.s32 @!p0 $0x3;
	[sflag:s18] =	ssyncadd.s32 $0xFFFFF000  }
0xe0: {  	_ =	swait.ge @!p0 [sflag:s28], $0x1000  }
0xe1: {  	s29 =	sshll.u32 s25, $0x6;
	[sflag:s28] =	ssyncset.done @!p0 $0x0  }
0xe2: {  	[sflag:s28] =	ssyncadd.s32 @!p0 $0xFFFFF000;
	s28 =	sand.u32 $0x3FFFFFC0, s29  }
0xe3: {  	v2 =	vld [tilespmem:s28+$0x3400];
	_ =	sdelay $0x4  }
0xe4: {  	[tilespmem:$0x6800] =	vst v2  }
0xe5: {  	v2 =	vld [tilespmem:s28+$0x3410];
	_ =	sdelay $0x4  }
0xe6: {  	s28 =	simm.s32 $0x0;
	[tilespmem:$0x6810] =	vst v2  }
0xe7: {  	v2 =	vld [tilespmem:s28+$0x8970]  }
0xe8: {  	v3 =	vld [tilespmem:s28+$0x6970]  }
0xe9: {  	v4 =	vld [tilespmem:s28+$0x8900]  }
0xea: {  	v5 =	vld [tilespmem:s28+$0x6900]  }
0xeb: {  	v6 =	vld [tilespmem:s28+$0x8910]  }
0xec: {  	v7 =	vld [tilespmem:s28+$0x6910]  }
0xed: {  	v8 =	vld [tilespmem:s28+$0x8920]  }
0xee: {  	v9 =	vld [tilespmem:s28+$0x8930]  }
0xef: {  	v2 =	vmul.f32 v3, v2;
	v3 =	vld [tilespmem:s28+$0x6920]  }
0xf0: {  	v10 =	vld [tilespmem:s28+$0x6930]  }
0xf1: {  	v11 =	vld [tilespmem:s28+$0x6940];
	v4 =	vmul.f32 v5, v4  }
0xf2: {  	[tilespmem:s28+$0xA970] =	vst v2;
	v2 =	vmul.f32 v7, v6;
	v7 =	vld [tilespmem:s28+$0x8940]  }
0xf3: {  	v5 =	vld [tilespmem:s28+$0x6950];
	[tilespmem:s28+$0xA900] =	vst v4  }
0xf4: {  	v4 =	vld [tilespmem:s28+$0x8950];
	[tilespmem:s28+$0xA910] =	vst v2;
	v2 =	vmul.f32 v3, v8  }
0xf5: {  	v6 =	vld [tilespmem:s28+$0x6960];
	v8 =	vmul.f32 v10, v9  }
0xf6: {  	s29 =	simm.s32 $0x80;
	[tilespmem:s28+$0xA920] =	vst v2;
	v2 =	vld [tilespmem:s28+$0x8960]  }
0xf7: {  	s30 =	simm.s32 $0x400;
	v7 =	vmul.f32 v11, v7;
	v3 =	vld [tilespmem:s29+$0x8970];
	[tilespmem:s28+$0xA930] =	vst v8  }
.LBB2_6:
0xf8: {  	p0 =	sne.s32 s30, $0x3E00;
	v8 =	vld [tilespmem:s29+$0x6970]  }
0xf9: {  	v9 =	vld [tilespmem:s29+$0x8900];
	[tilespmem:s28+$0xA940] =	vst v7;
	v4 =	vmul.f32 v5, v4  }
0xfa: {  	v5 =	vld [tilespmem:s29+$0x6900]  }
0xfb: {  	v7 =	vld [tilespmem:s29+$0x8910];
	[tilespmem:s28+$0xA950] =	vst v4;
	v2 =	vmul.f32 v6, v2  }
0xfc: {  	v4 =	vld [tilespmem:s29+$0x6910]  }
0xfd: {  	v6 =	vld [tilespmem:s29+$0x8920];
	v3 =	vmul.f32 v8, v3;
	[tilespmem:s28+$0xA960] =	vst v2;
	s28 =	smov.u32 s29  }
0xfe: {  	v2 =	vld [tilespmem:s28+$0x6920]  }
0xff: {  	v5 =	vmul.f32 v5, v9;
	v8 =	vld [tilespmem:s28+$0x8930];
	[tilespmem:s28+$0xA970] =	vst v3  }
0x100: {  	v3 =	vld [tilespmem:s28+$0x6930]  }
0x101: {  	[tilespmem:s28+$0xA900] =	vst v5;
	v4 =	vmul.f32 v4, v7;
	v7 =	vld [tilespmem:s28+$0x8940]  }
0x102: {  	v9 =	vld [tilespmem:s28+$0x6940]  }
.Ltmp6:
0x103: {  	[tilespmem:s28+$0xA910] =	vst v4;
	v2 =	vmul.f32 v2, v6;
	v4 =	vld [tilespmem:s28+$0x8950];
	(pc) =	sbr.rel @p0 .LBB2_6-.Ltmp6, $4  }
0x104: {  	v5 =	vld [tilespmem:s28+$0x6950]  }
0x105: {  	[tilespmem:s28+$0xA920] =	vst v2;
	v8 =	vmul.f32 v3, v8;
	v2 =	vld [tilespmem:s28+$0x8960]  }
0x106: {  	s29 =	sshra.s32 s30, $0x2;
	v6 =	vld [tilespmem:s28+$0x6960]  }
0x107: {  	s30 =	sadd.s32 $0x200, s30;
	v3 =	vld [tilespmem:s29+$0x8970];
	[tilespmem:s28+$0xA930] =	vst v8;
	v7 =	vmul.f32 v9, v7  }
0x108: {  	v8 =	vld [tilespmem:s29+$0x6970]  }
0x109: {  	v9 =	vld [tilespmem:s29+$0x8900];
	[tilespmem:s28+$0xA940] =	vst v7;
	v4 =	vmul.f32 v5, v4  }
0x10a: {  	v56 =	vld [tilespmem:s29+$0x6900]  }
0x10b: {  	v7 =	vld [tilespmem:s29+$0x8910];
	[tilespmem:s28+$0xA950] =	vst v4;
	v2 =	vmul.f32 v6, v2  }
0x10c: {  	v4 =	vld [tilespmem:s29+$0x6910]  }
0x10d: {  	v57 =	vld [tilespmem:s29+$0x8920];
	[tilespmem:s28+$0xA960] =	vst v2  }
0x10e: {  	v2 =	vmul.f32 v8, v3;
	v3 =	vld [tilespmem:s29+$0x6920]  }
0x10f: {  	v58 =	vld [tilespmem:s29+$0x8930]  }
0x110: {  	v59 =	vld [tilespmem:s29+$0x8940]  }
0x111: {  	v60 =	vld [tilespmem:s29+$0x6940]  }
0x112: {  	v61 =	vld [tilespmem:s29+$0x8950]  }
0x113: {  	[tilespmem:s29+$0xA970] =	vst v2;
	v2 =	vld [tilespmem:s29+$0x6930]  }
0x114: {  	v62 =	vld [tilespmem:s29+$0x6950];
	v3 =	vmul.f32 v3, v57  }
0x115: {  	v63 =	vld [tilespmem:s29+$0x6960]  }
0x116: {  	v5 =	vmul.f32 v56, v9;
	[tilespmem:s29+$0xA920] =	vst v3;
	v3 =	vld [tilespmem:s29+$0x8960]  }
0x117: {  	v4 =	vmul.f32 v4, v7  }
0x118: {  	[tilespmem:s29+$0xA900] =	vst v5;
	v2 =	vmul.f32 v2, v58  }
0x119: {  	[tilespmem:s29+$0xA910] =	vst v4;
	v5 =	vmul.f32 v60, v59  }
0x11a: {  	[tilespmem:s29+$0xA930] =	vst v2;
	v2 =	vmul.f32 v62, v61  }
0x11b: {  	[tilespmem:s29+$0xA940] =	vst v5;
	v3 =	vmul.f32 v63, v3  }
0x11c: {  	[tilespmem:s29+$0xA950] =	vst v2  }
0x11d: {  	[tilespmem:s29+$0xA960] =	vst v3  }
0x11e: {  	[spmem:s3] =	stream.indirect.scatter.add.f32 [tilespmem:s16], [sflag:$0x3], $0x80, s19, s17, $0xb8;
	[tilespmem:$0x1FE80] =	vst v63  }
0x11f: {  	s28 =	sadd.s32 $0x2, s26  }
0x120: {  	[spmem:s4] =	stream.indirect.scatter.add.f32 [tilespmem:s20], [sflag:$0x4], $0x1, s19, s17, $0xb8;
	[tilespmem:$0x1FE80] =	vst v63  }
0x121: {  	p0 =	sge.u32 s28, s8;
	_ =	swait.ge [sflag:s15], $0x20  }
0x122: {  	s30 =	simm.s32 @!p0 $0x20;
	s29 =	sshll.u32 @!p0 s28, $0x5;
	[sflag:s15] =	ssyncset.done $0x0  }
0x123: {  	s13 =	simm.s32 @!p0 $0x6900;
	s29 =	sand.u32 @!p0 $0x3FFFFFE0, s29;
	[sflag:s15] =	ssyncadd.s32 $0xFFFFFFE0  }
0x124: {  	[tilespmem:s13], [sflag:$0x1] =	stream.indirect.gather @!p0 [hbm4b:s0+s30], $0x80, s29, s30, $0xb8;
	[tilespmem:$0x1FE80] =	vst v63  }
0x125: {  	s13 =	sadd.s32 @!p0 s7, s28  }
0x126: {  	s13 =	sshll.u32 @!p0 s13, $0x9  }
0x127: {  	s13 =	sand.u32 @!p0 $0x1FFFFC00, s13  }
0x128: {  	s28 =	simm.s32 @!p0 $0x0;
	s29 =	simm.s32 @!p0 $0x8900;
	s13 =	sadd.s32 @!p0 s6, s13  }
0x129: {  	[tilespmem:s29], [sflag:$0x1] =	stream.linear.gather @!p0 [hbm4b:s13+s28], $0x1000, $0x38;
	[tilespmem:$0x1FE80] =	vst v63  }
.LBB2_8:
0x12a: {  	s28 =	sor.u32 $0x1, s26  }
0x12b: {  	p0 =	sge.u32 s28, s8  }
.Ltmp7:
0x12c: {  	_ = 	snop;
	(pc) =	sbr.rel @p0 .LBB2_12-.Ltmp7, $1  }
0x12d: {  	_ =	sdelay $0x3  }
0x12e: {  	_ =	swait.ge [sflag:s21], $0x1000  }
0x12f: {  	[sflag:s21] =	ssyncset.done $0x0  }
0x130: {  	[sflag:s21] =	ssyncadd.s32 $0xFFFFF000  }
0x131: {  	_ =	swait.ge [sflag:s21], $0x1000  }
0x132: {  	[sflag:s21] =	ssyncset.done $0x0  }
0x133: {  	[sflag:s21] =	ssyncadd.s32 $0xFFFFF000  }
0x134: {  	_ =	swait.ge [sflag:s22], $0x1000  }
0x135: {  	s13 =	sshll.u32 s28, $0x5;
	[sflag:s22] =	ssyncset.done $0x0  }
0x136: {  	s13 =	sand.u32 $0x3FFFFFE0, s13;
	[sflag:s22] =	ssyncadd.s32 $0xFFFFF000  }
0x137: {  	v2 =	vld [tilespmem:s13+$0x3400];
	_ =	sdelay $0x4  }
0x138: {  	[tilespmem:$0x6880] =	vst v2  }
0x139: {  	v2 =	vld [tilespmem:s13+$0x3410];
	_ =	sdelay $0x4  }
0x13a: {  	s28 =	simm.s32 $0x0;
	[tilespmem:$0x6890] =	vst v2  }
0x13b: {  	v2 =	vld [tilespmem:s28+$0x9970]  }
0x13c: {  	v3 =	vld [tilespmem:s28+$0x7970]  }
0x13d: {  	v4 =	vld [tilespmem:s28+$0x9900]  }
0x13e: {  	v5 =	vld [tilespmem:s28+$0x7900]  }
0x13f: {  	v6 =	vld [tilespmem:s28+$0x9910]  }
0x140: {  	v7 =	vld [tilespmem:s28+$0x7910]  }
0x141: {  	v8 =	vld [tilespmem:s28+$0x9920]  }
0x142: {  	v9 =	vld [tilespmem:s28+$0x9930]  }
0x143: {  	v2 =	vmul.f32 v3, v2;
	v3 =	vld [tilespmem:s28+$0x7920]  }
0x144: {  	v10 =	vld [tilespmem:s28+$0x7930]  }
0x145: {  	v11 =	vld [tilespmem:s28+$0x7940];
	v4 =	vmul.f32 v5, v4  }
0x146: {  	[tilespmem:s28+$0xA970] =	vst v2;
	v2 =	vmul.f32 v7, v6;
	v7 =	vld [tilespmem:s28+$0x9940]  }
0x147: {  	v5 =	vld [tilespmem:s28+$0x7950];
	[tilespmem:s28+$0xA900] =	vst v4  }
0x148: {  	v4 =	vld [tilespmem:s28+$0x9950];
	[tilespmem:s28+$0xA910] =	vst v2;
	v2 =	vmul.f32 v3, v8  }
0x149: {  	v6 =	vld [tilespmem:s28+$0x7960];
	v8 =	vmul.f32 v10, v9  }
0x14a: {  	s29 =	simm.s32 $0x80;
	[tilespmem:s28+$0xA920] =	vst v2;
	v2 =	vld [tilespmem:s28+$0x9960]  }
0x14b: {  	s30 =	simm.s32 $0x400;
	v7 =	vmul.f32 v11, v7;
	v3 =	vld [tilespmem:s29+$0x9970];
	[tilespmem:s28+$0xA930] =	vst v8  }
.LBB2_10:
0x14c: {  	p0 =	sne.s32 s30, $0x3E00;
	v8 =	vld [tilespmem:s29+$0x7970]  }
0x14d: {  	v9 =	vld [tilespmem:s29+$0x9900];
	[tilespmem:s28+$0xA940] =	vst v7;
	v4 =	vmul.f32 v5, v4  }
0x14e: {  	v5 =	vld [tilespmem:s29+$0x7900]  }
0x14f: {  	v7 =	vld [tilespmem:s29+$0x9910];
	[tilespmem:s28+$0xA950] =	vst v4;
	v2 =	vmul.f32 v6, v2  }
0x150: {  	v4 =	vld [tilespmem:s29+$0x7910]  }
0x151: {  	v6 =	vld [tilespmem:s29+$0x9920];
	v3 =	vmul.f32 v8, v3;
	[tilespmem:s28+$0xA960] =	vst v2;
	s28 =	smov.u32 s29  }
0x152: {  	v2 =	vld [tilespmem:s28+$0x7920]  }
0x153: {  	v5 =	vmul.f32 v5, v9;
	v8 =	vld [tilespmem:s28+$0x9930];
	[tilespmem:s28+$0xA970] =	vst v3  }
0x154: {  	v3 =	vld [tilespmem:s28+$0x7930]  }
0x155: {  	[tilespmem:s28+$0xA900] =	vst v5;
	v4 =	vmul.f32 v4, v7;
	v7 =	vld [tilespmem:s28+$0x9940]  }
0x156: {  	v9 =	vld [tilespmem:s28+$0x7940]  }
.Ltmp8:
0x157: {  	[tilespmem:s28+$0xA910] =	vst v4;
	v2 =	vmul.f32 v2, v6;
	v4 =	vld [tilespmem:s28+$0x9950];
	(pc) =	sbr.rel @p0 .LBB2_10-.Ltmp8, $4  }
0x158: {  	v5 =	vld [tilespmem:s28+$0x7950]  }
0x159: {  	[tilespmem:s28+$0xA920] =	vst v2;
	v8 =	vmul.f32 v3, v8;
	v2 =	vld [tilespmem:s28+$0x9960]  }
0x15a: {  	s29 =	sshra.s32 s30, $0x2;
	v6 =	vld [tilespmem:s28+$0x7960]  }
0x15b: {  	s30 =	sadd.s32 $0x200, s30;
	v3 =	vld [tilespmem:s29+$0x9970];
	[tilespmem:s28+$0xA930] =	vst v8;
	v7 =	vmul.f32 v9, v7  }
0x15c: {  	v8 =	vld [tilespmem:s29+$0x7970]  }
0x15d: {  	v9 =	vld [tilespmem:s29+$0x9900];
	[tilespmem:s28+$0xA940] =	vst v7;
	v4 =	vmul.f32 v5, v4  }
0x15e: {  	v56 =	vld [tilespmem:s29+$0x7900]  }
0x15f: {  	v7 =	vld [tilespmem:s29+$0x9910];
	[tilespmem:s28+$0xA950] =	vst v4;
	v2 =	vmul.f32 v6, v2  }
0x160: {  	v4 =	vld [tilespmem:s29+$0x7910]  }
0x161: {  	v57 =	vld [tilespmem:s29+$0x9920];
	[tilespmem:s28+$0xA960] =	vst v2  }
0x162: {  	v2 =	vmul.f32 v8, v3;
	v3 =	vld [tilespmem:s29+$0x7920]  }
0x163: {  	v58 =	vld [tilespmem:s29+$0x9930]  }
0x164: {  	v59 =	vld [tilespmem:s29+$0x9940]  }
0x165: {  	v60 =	vld [tilespmem:s29+$0x7940]  }
0x166: {  	v61 =	vld [tilespmem:s29+$0x9950]  }
0x167: {  	[tilespmem:s29+$0xA970] =	vst v2;
	v2 =	vld [tilespmem:s29+$0x7930]  }
0x168: {  	v62 =	vld [tilespmem:s29+$0x7950];
	v3 =	vmul.f32 v3, v57  }
0x169: {  	v63 =	vld [tilespmem:s29+$0x7960]  }
0x16a: {  	v5 =	vmul.f32 v56, v9;
	[tilespmem:s29+$0xA920] =	vst v3;
	v3 =	vld [tilespmem:s29+$0x9960]  }
0x16b: {  	v4 =	vmul.f32 v4, v7  }
0x16c: {  	[tilespmem:s29+$0xA900] =	vst v5;
	v2 =	vmul.f32 v2, v58  }
0x16d: {  	[tilespmem:s29+$0xA910] =	vst v4;
	v5 =	vmul.f32 v60, v59  }
0x16e: {  	[tilespmem:s29+$0xA930] =	vst v2;
	v2 =	vmul.f32 v62, v61  }
0x16f: {  	[tilespmem:s29+$0xA940] =	vst v5;
	v3 =	vmul.f32 v63, v3  }
0x170: {  	s13 =	sadd.s32 $0x3, s26;
	[tilespmem:s29+$0xA950] =	vst v2  }
0x171: {  	p0 =	sge.u32 s13, s8;
	[tilespmem:s29+$0xA960] =	vst v3  }
0x172: {  	[spmem:s3] =	stream.indirect.scatter.add.f32 [tilespmem:s16], [sflag:$0x3], $0x80, s23, s17, $0xb8;
	[tilespmem:$0x1FE80] =	vst v63  }
0x173: {  	s26 =	sshll.u32 @!p0 s13, $0x5;
	s13 =	sadd.s32 @!p0 s7, s13  }
0x174: {  	[spmem:s4] =	stream.indirect.scatter.add.f32 [tilespmem:s20], [sflag:$0x4], $0x1, s23, s17, $0xb8;
	[tilespmem:$0x1FE80] =	vst v63  }
0x175: {  	s26 =	sand.u32 @!p0 $0x3FFFFFE0, s26;
	s13 =	sshll.u32 @!p0 s13, $0x9;
	_ =	swait.ge [sflag:s15], $0x20  }
.Ltmp9:
0x176: {  	s13 =	sand.u32 @!p0 $0x1FFFFE00, s13;
	[sflag:s15] =	ssyncset.done $0x0;
	(pc) =	sbr.rel .LBB2_12-.Ltmp9, $4  }
0x177: {  	s28 =	simm.s32 @!p0 $0x20;
	s29 =	simm.s32 @!p0 $0x7900;
	[sflag:s15] =	ssyncadd.s32 $0xFFFFFFE0  }
0x178: {  	[tilespmem:s29], [sflag:$0x2] =	stream.indirect.gather @!p0 [hbm4b:s0+s28], $0x80, s26, s28, $0xb8;
	[tilespmem:$0x1FE80] =	vst v63  }
0x179: {  	s13 =	sadd.s32 @!p0 s6, s13;
	s26 =	simm.s32 @!p0 $0x0;
	s28 =	simm.s32 @!p0 $0x9900  }
0x17a: {  	[tilespmem:s28], [sflag:$0x2] =	stream.linear.gather @!p0 [hbm4b:s13+s26], $0x1000, $0x38;
	[tilespmem:$0x1FE80] =	vst v63  }
.LBB2_14:
0x17b: {  	_ =	sfence.sel $0x180000  }
0x17c: {  	[bflag:$0x0] =	sbarrier.arrive $0xFFFF  }
0x17d: {  	_ =	strace $0x90000047  }
0x17e: {  	s0 =	stileid.u32;
	[bflag:$0x2] =	sbarrier.arrive $0xFFFF  }
0x17f: {  	p0 =	sne.s32 s0, $0x0;
	s0 =	rddreg [dreg:$0x5]  }
0x180: {  	s0 =	sadd.s32 @!p0 $0x100000, s0  }
0x181: {  	[sflag:s0] =	ssyncadd.tile.s32 @!p0 $0x1;
	_ =	shalt  }
.Lfunc_end2:
_tile_overlayer_lowered:
.L_overlay_start_2:
0x182: {  	(tag) =	ssettag $0x2  }
0x183: {  	s0 =	rddreg [dreg:$0x0];
	s2 =	stileid.u32  }
0x184: {  	s1 =	rddreg [dreg:$0x1];
	p0 =	sne.s32 s2, $0x0  }
0x185: {  	s3 =	rddreg [dreg:$0x2];
	[bflag:$0x3] =	sbarrier.arrive $0xFFFF;
	s2 =	simm.s32 @!p0 $0x1C04  }
0x186: {  	[timem:s3], [sflag:s2] =	dma.local @!p0 [hbm:s0], s1  }
0x187: {  	s0 =	simm.s32 @!p0 $0x4  }
0x188: {  	_ =	swait.ge @!p0 [sflag:s0], s1  }
0x189: {  	s1 =	ssub.s32 @!p0 $0x0, s1;
	[sflag:s0] =	ssyncset.done @!p0 $0x0  }
0x18a: {  	[sflag:s0] =	ssyncadd.s32 @!p0 s1  }
0x18b: {  	[bflag:$0x3] =	sbarrier.arrive $0xFFFF  }
0x18c: {  	_ =	shalt  }

</sc_bundles>
